<compile_context>
chip_gen: v7x
topology: tpu7x:2x2x1
jax: 0.10.2.dev20260603
libtpu: 0.0.44.dev20260713+nightly
codegen_flags: <defaults>
</compile_context>

<pallas_src>
import functools

import jax
import jax.numpy as jnp
import numpy as np
from jax import lax
from jax.experimental import pallas as pl
from jax.experimental.pallas import tpu as pltpu
from jax.experimental.pallas import tpu_sc as plsc

_MASSES = np.array([1.0, 1.008, 4.002602, 6.94, 9.0121831, 10.81, 12.011, 14.007, 15.999, 18.998403163, 20.1797, 22.98976928, 24.305, 26.9815385, 28.085, 30.973761998, 32.06, 35.45, 39.948, 39.0983, 40.078, 44.955908, 47.867, 50.9415, 51.9961, 54.938044, 55.845, 58.933194, 58.6934, 63.546, 65.38, 69.723, 72.63, 74.921595, 78.971, 79.904, 83.798, 85.4678, 87.62, 88.90584, 91.224, 92.90637, 95.95, 97.90721, 101.07, 102.9055, 106.42, 107.8682, 112.414, 114.818, 118.71, 121.76, 127.6, 126.90447, 131.293, 132.90545196, 137.327, 138.90547, 140.116, 140.90766, 144.242, 144.91276, 150.36, 151.964, 157.25, 158.92535, 162.5, 164.93033, 167.259, 168.93422, 173.054, 174.9668, 178.49, 180.94788, 183.84, 186.207, 190.23, 192.217, 195.084, 196.966569, 200.592, 204.38, 207.2, 208.9804, 208.98243, 209.98715, 222.01758, 223.01974, 226.02541, 227.02775, 232.0377, 231.03588, 238.02891, 237.04817, 244.06421, 243.06138, 247.07035, 247.07031, 251.07959, 252.083, 257.09511, 258.09843, 259.101, 262.11, 267.122, 268.126, 271.134, 270.133, 269.1338, 278.156, 281.165, 281.166, 285.177, 286.182, 289.19, 289.194, 293.204, 293.208, 294.214], dtype=np.float32)

S = 4096
N_ATOMS = 100000
NTILES = 32
OWN = N_ATOMS // NTILES
WLEN = 3136
GP = 3200
NGROUP = GP // 16
SEGT = S // 16
SEGW = SEGT * 8
BA = 2048
NT128 = (N_ATOMS + 127) // 128
TLI = 26


def _mlp_body(x_ref, pos_ref, z_ref, w1_ref, b1_ref, w2_ref, b2_ref,
              mass_ref, o_ref):
    xb = x_ref[...]
    h = lax.dot_general(xb, w1_ref[...], (((1,), (1,)), ((), ())),
                        preferred_element_type=jnp.float32)
    h = h + b1_ref[...]
    h = h * (1.0 / (1.0 + jnp.exp(-h)))
    o = lax.dot_general(w2_ref[...], h, (((1,), (1,)), ((), ())),
                        preferred_element_type=jnp.float32)
    orow = o + b2_ref[...]
    prow = pos_ref[...]
    zrow = z_ref[...].reshape(1, BA)
    onehot = jnp.where(
        lax.broadcasted_iota(jnp.int32, (128, BA), 0) == zrow, 1.0, 0.0)
    mrow = lax.dot_general(mass_ref[...], onehot, (((1,), (0,)), ((), ())),
                           precision=lax.Precision.HIGHEST,
                           preferred_element_type=jnp.float32)
    ch = jnp.concatenate(
        [orow * prow[0:1], orow * prow[1:2], orow * prow[2:3], orow,
         mrow * prow[0:1], mrow * prow[1:2], mrow * prow[2:3], mrow],
        axis=0)
    o_ref[...] = jnp.swapaxes(ch.reshape(8, BA // 128, 128), 0, 1)


def _mlp(x, posT, z, W1, b1, W2, b2, masses128):
    n, hdim = x.shape
    hh = W1.shape[0]
    grid = pl.cdiv(n, BA)
    return pl.pallas_call(
        _mlp_body,
        grid=(grid,),
        in_specs=[
            pl.BlockSpec((BA, hdim), lambda i: (i, 0)),
            pl.BlockSpec((3, BA), lambda i: (0, i)),
            pl.BlockSpec((BA,), lambda i: (i,)),
            pl.BlockSpec((hh, hdim), lambda i: (0, 0)),
            pl.BlockSpec((1, hh), lambda i: (0, 0)),
            pl.BlockSpec((1, hh), lambda i: (0, 0)),
            pl.BlockSpec((1, 1), lambda i: (0, 0)),
            pl.BlockSpec((1, 128), lambda i: (0, 0)),
        ],
        out_specs=pl.BlockSpec((BA // 128, 8, 128), lambda i: (i, 0, 0)),
        out_shape=jax.ShapeDtypeStruct((NT128, 8, 128), jnp.float32),
    )(x, posT, z, W1, b1.reshape(1, -1), W2, b2.reshape(1, 1),
      masses128.reshape(1, -1))


def _seg_body(ch_hbm, batch_hbm,
              part_hbm,
              batch_v, ch_v, acc_v, comb_v, res_v, bnd_v, bndall_v,
              sl_sh, bnd_sh):
    c = lax.axis_index("c")
    s = lax.axis_index("s")
    wid = c * 16 + s
    own_lo = wid * OWN
    start = pl.multiple_of(
        jnp.minimum(own_lo & ~7, jnp.int32(N_ATOMS - WLEN)), 8)
    own_hi = own_lo + OWN
    t0 = start >> 7
    off0 = start & 127

    pltpu.sync_copy(batch_hbm.at[pl.ds(start, WLEN)],
                    batch_v.at[pl.ds(0, WLEN)])
    pltpu.sync_copy(ch_hbm.at[pl.ds(t0, TLI)], ch_v)

    iota = lax.iota(jnp.int32, 16)
    zf = jnp.zeros((16,), jnp.float32)

    first_local = own_lo - start
    b_lo = batch_v[pl.ds(first_local, 16)][0]
    b_hi = batch_v[pl.ds(first_local + OWN - 16, 16)][15]

    for dst in range(16):
        @pl.when((b_lo < (dst + 1) * SEGT) & (b_hi >= dst * SEGT))
        def _(dst=dst):
            def zr(i, carry):
                acc_v[pl.ds(dst * SEGW + i * 16, 16)] = zf
                return carry
            lax.fori_loop(0, SEGW // 16, zr, 0)

    def grp(g, carry):
        a0 = g * 16
        av = a0 + iota
        gv = start + av
        valid = (gv >= own_lo) & (gv < own_hi)
        la = off0 + av
        row = la >> 7
        lane = la & 127
        b16 = batch_v[pl.ds(a0, 16)]
        base8 = jnp.where(valid, b16, b_lo) << 3
        for k in range(8):
            v = plsc.load_gather(ch_v, [row, jnp.full((16,), k, jnp.int32),
                                        lane])
            v = jnp.where(valid, v, zf)
            plsc.addupdate_scatter(acc_v, [base8 + k], v)
        return carry

    lax.fori_loop(0, NGROUP, grp, 0)

    bnd_v[...] = jnp.where(iota < 8, jnp.full((16,), b_lo, jnp.int32),
                           jnp.full((16,), b_hi, jnp.int32))
    pltpu.sync_copy(bnd_v, bnd_sh.at[pl.ds(s * 16, 16)])
    for dst in range(16):
        @pl.when((b_lo < (dst + 1) * SEGT) & (b_hi >= dst * SEGT))
        def _(dst=dst):
            pltpu.sync_copy(acc_v.at[pl.ds(dst * SEGW, SEGW)],
                            sl_sh.at[dst, s])
    plsc.subcore_barrier()

    pltpu.sync_copy(bnd_sh, bndall_v)

    def zres(i, carry):
        res_v[pl.ds(i * 16, 16)] = zf
        return carry

    lax.fori_loop(0, SEGW // 16, zres, 0)

    my_lo = s * SEGT
    for src in range(16):
        srow = bndall_v[pl.ds(src * 16, 16)]
        s_lo = srow[0]
        s_hi = srow[8]

        @pl.when((s_lo < my_lo + SEGT) & (s_hi >= my_lo))
        def _(src=src):
            pltpu.sync_copy(sl_sh.at[s, src], comb_v)

            def cmb(j, carry):
                o = j * 16
                res_v[pl.ds(o, 16)] = (res_v[pl.ds(o, 16)]
                                       + comb_v[pl.ds(o, 16)])
                return carry

            lax.fori_loop(0, SEGW // 16, cmb, 0)

    pltpu.sync_copy(res_v, part_hbm.at[c, pl.ds(s * SEGW, SEGW)])


@functools.cache
def _seg_kernel():
    return pl.kernel(
        _seg_body,
        out_type=jax.ShapeDtypeStruct((2, S * 8), jnp.float32),
        mesh=plsc.VectorSubcoreMesh(core_axis_name="c", subcore_axis_name="s",
                                    num_cores=2, num_subcores=16),
        compiler_params=pltpu.CompilerParams(needs_layout_passes=False,
                                             use_tc_tiling_on_sc=False),
        scratch_types=[
            pltpu.VMEM((GP,), jnp.int32),
            pltpu.VMEM((TLI, 8, 128), jnp.float32),
            pltpu.VMEM((S * 8,), jnp.float32),
            pltpu.VMEM((SEGW,), jnp.float32),
            pltpu.VMEM((SEGW,), jnp.float32),
            pltpu.VMEM((16,), jnp.int32),
            pltpu.VMEM((256,), jnp.int32),
            pltpu.VMEM_SHARED((16, 16, SEGW), jnp.float32),
            pltpu.VMEM_SHARED((256,), jnp.int32),
        ],
    )


def _fin_body(p_ref, o_ref):
    p = p_ref[...]
    val = p[0] + p[1]
    den = val[:, 7:8]
    den = jnp.where(den == 0.0, 1.0, den)
    b = val[:, 3:4]
    red = val[:, 0:3] - (val[:, 4:7] / den) * b
    o_ref[...] = jnp.sqrt(jnp.sum(red * red, axis=1, keepdims=True))


def kernel(x, v, z, pos, batch, W1, b1, W2, b2):
    masses128 = jnp.asarray(np.pad(_MASSES, (0, 128 - _MASSES.shape[0])))
    chp = _mlp(x, pos.T, z, W1, b1, W2, b2, masses128)
    partials = _seg_kernel()(chp, batch)
    return pl.pallas_call(
        _fin_body,
        out_shape=jax.ShapeDtypeStruct((S, 1), jnp.float32),
    )(partials.reshape(2, S, 8))

# --- scband reference (transcript-rebuilt; emitter-appended) ---
"""Pipeline reference for scband-dipole-moment-91216515433166 (READ-ONLY COPY).

The authoritative reference and input builder live on the scoring server;
editing this copy changes nothing except your own understanding.
"""

import jax, jax.numpy as jnp
import numpy as np

ATOMIC_MASSES = jnp.asarray(np.array([1.0, 1.008, 4.002602, 6.94, 9.0121831, 10.81, 12.011, 14.007, 15.999, 18.998403163, 20.1797, 22.98976928, 24.305, 26.9815385, 28.085, 30.973761998, 32.06, 35.45, 39.948, 39.0983, 40.078, 44.955908, 47.867, 50.9415, 51.9961, 54.938044, 55.845, 58.933194, 58.6934, 63.546, 65.38, 69.723, 72.63, 74.921595, 78.971, 79.904, 83.798, 85.4678, 87.62, 88.90584, 91.224, 92.90637, 95.95, 97.90721, 101.07, 102.9055, 106.42, 107.8682, 112.414, 114.818, 118.71, 121.76, 127.6, 126.90447, 131.293, 132.90545196, 137.327, 138.90547, 140.116, 140.90766, 144.242, 144.91276, 150.36, 151.964, 157.25, 158.92535, 162.5, 164.93033, 167.259, 168.93422, 173.054, 174.9668, 178.49, 180.94788, 183.84, 186.207, 190.23, 192.217, 195.084, 196.966569, 200.592, 204.38, 207.2, 208.9804, 208.98243, 209.98715, 222.01758, 223.01974, 226.02541, 227.02775, 232.0377, 231.03588, 238.02891, 237.04817, 244.06421, 243.06138, 247.07035, 247.07031, 251.07959, 252.083, 257.09511, 258.09843, 259.101, 262.11, 267.122, 268.126, 271.134, 270.133, 269.1338, 278.156, 281.165, 281.166, 285.177, 286.182, 289.19, 289.194, 293.204, 293.208, 294.214], dtype=np.float32))

N = 100000
H = 128
S = 4096

def _xavier(key, shape):
    fan_out, fan_in = shape
    a = float(np.sqrt(6.0 / (fan_in + fan_out)))
    return jax.random.uniform(key, shape, jnp.float32, minval=-a, maxval=a)

def setup_inputs(seed: int = 0) -> dict:
    key = jax.random.key(seed)
    ks = jax.random.split(key, 8)
    x = jax.random.normal(ks[0], (N, H), dtype=jnp.float32)
    v = jnp.zeros((N, 3), dtype=jnp.float32)
    z = jax.random.randint(ks[1], (N,), 0, 100, dtype=jnp.int32)
    pos = jax.random.normal(ks[2], (N, 3), dtype=jnp.float32)
    batch = jnp.sort(jax.random.randint(ks[3], (N,), 0, S, dtype=jnp.int32))
    W1 = _xavier(ks[4], (H // 2, H))
    b1 = jnp.zeros((H // 2,), dtype=jnp.float32)
    W2 = _xavier(ks[5], (1, H // 2))
    b2 = jnp.zeros((1,), dtype=jnp.float32)
    return {"x": x, "v": v, "z": z, "pos": pos, "batch": batch, "W1": W1, "b1": b1, "W2": W2, "b2": b2}

def reference(x, v, z, pos, batch, W1, b1, W2, b2):
    # output_network: Linear -> SiLU -> Linear
    h = x @ W1.T + b1
    h = h * jax.nn.sigmoid(h)
    out = h @ W2.T + b2  # [N, 1]
    # mass-weighted center per molecule
    mass = jnp.take(ATOMIC_MASSES, z, axis=0)[:, None]  # [N, 1]
    num = jax.ops.segment_sum(mass * pos, batch, num_segments=S)  # [S, 3]
    den = jax.ops.segment_sum(mass, batch, num_segments=S)        # [S, 1]
    c = num / den
    y = out * (pos - jnp.take(c, batch, axis=0))  # [N, 3]  (pre_reduce output)
    # reduce (scatter sum over batch) + post_reduce (norm)
    red = jax.ops.segment_sum(y, batch, num_segments=S)  # [S, 3]
    return jnp.linalg.norm(red, axis=-1, keepdims=True)  # [S, 1]

if __name__ == "__main__":
    import jax
    _d = setup_inputs()
    print(jax.jit(kernel)(*tuple(_d.values())))

</pallas_src>

<mosaic_0001>
#map = affine_map<(d0, d1) -> (0, 0, 0)>
#map1 = affine_map<(d0, d1) -> (0)>
#map2 = affine_map<(d0, d1) -> (0, 0)>
module attributes {stable_mosaic.version = 14 : i64} {
  func.func @_seg_body(%arg0: i32, %arg1: i32, %arg2: memref<782x8x128xf32, #tpu.memory_space<hbm>>, %arg3: memref<100000xi32, #tpu.memory_space<hbm>>, %arg4: memref<2x32768xf32, #tpu.memory_space<hbm>>, %arg5: memref<3200xi32, #tpu.memory_space<vmem>>, %arg6: memref<26x8x128xf32, #tpu.memory_space<vmem>>, %arg7: memref<32768xf32, #tpu.memory_space<vmem>>, %arg8: memref<2048xf32, #tpu.memory_space<vmem>>, %arg9: memref<2048xf32, #tpu.memory_space<vmem>>, %arg10: memref<16xi32, #tpu.memory_space<vmem>>, %arg11: memref<256xi32, #tpu.memory_space<vmem>>, %arg12: memref<16x16x2048xf32, #tpu.memory_space<vmem_shared>>, %arg13: memref<256xi32, #tpu.memory_space<vmem_shared>>) attributes {dimension_semantics = [#tpu.dimension_semantics<core_parallel>, #tpu.dimension_semantics<subcore_parallel>], iteration_bounds = array<i64: 2, 16>, scalar_prefetch = 0 : i64, scratch_operands = 9 : i64, tpu.core_type = #tpu.core_type<sc_vector_subcore>, window_params = [{transform_indices = #map}, {transform_indices = #map1}, {transform_indices = #map2}]} {
    %mul3A = arith.constant 16 : i32
    %mul3A_0 = arith.muli %arg0, %mul3A : i32
    %add3A = arith.addi %mul3A_0, %arg1 : i32
    %mul3A_1 = arith.constant 3125 : i32
    %mul3A_2 = arith.muli %add3A, %mul3A_1 : i32
    %and3A = arith.constant -8 : i32
    %and3A_3 = arith.andi %mul3A_2, %and3A : i32
    %min3A = arith.constant 96864 : i32
    %min3A_4 = arith.minsi %and3A_3, %min3A : i32
    %multiple_of3A = tpu.assume_multiple %min3A_4, 8 : i32
    %add3A_5 = arith.constant 3125 : i32
    %add3A_6 = arith.addi %mul3A_2, %add3A_5 : i32
    %shift_right_arithmetic3A = arith.constant 7 : i32
    %shift_right_arithmetic3A_7 = arith.shrsi %multiple_of3A, %shift_right_arithmetic3A : i32
    %and3A_8 = arith.constant 127 : i32
    %and3A_9 = arith.andi %multiple_of3A, %and3A_8 : i32
    "tpu.region"() ({
      %run_scoped3A = tpu.sem_alloc : memref<!tpu.dma_semaphore, #tpu.memory_space<semaphore_mem>>
      %dma_start3A = arith.constant 0 : i32
      %dma_start3A_519 = tpu.memref_slice %arg5[%dma_start3A] : memref<3200xi32, #tpu.memory_space<vmem>> -> memref<3136xi32, #tpu.memory_space<vmem>>
      %dma_start3A_520 = tpu.memref_slice %arg3[%multiple_of3A] : memref<100000xi32, #tpu.memory_space<hbm>> -> memref<3136xi32, #tpu.memory_space<hbm>>
      %dma_start3A_521 = arith.constant 0 : i32
      %dma_start3A_522 = tpu.memref_slice %arg5[%dma_start3A_521] : memref<3200xi32, #tpu.memory_space<vmem>> -> memref<3136xi32, #tpu.memory_space<vmem>>
      %dma_start3A_523 = tpu.memref_slice %arg3[%multiple_of3A] : memref<100000xi32, #tpu.memory_space<hbm>> -> memref<3136xi32, #tpu.memory_space<hbm>>
      tpu.enqueue_dma source(%dma_start3A_523 : memref<3136xi32, #tpu.memory_space<hbm>>) target(%dma_start3A_522 : memref<3136xi32, #tpu.memory_space<vmem>>) target_semaphore(%run_scoped3A : memref<!tpu.dma_semaphore, #tpu.memory_space<semaphore_mem>>)
      %dma_wait3A = arith.constant 0 : i32
      %dma_wait3A_524 = tpu.memref_slice %arg5[%dma_wait3A] : memref<3200xi32, #tpu.memory_space<vmem>> -> memref<3136xi32, #tpu.memory_space<vmem>>
      %dma_wait3A_525 = tpu.memref_slice %arg3[%multiple_of3A] : memref<100000xi32, #tpu.memory_space<hbm>> -> memref<3136xi32, #tpu.memory_space<hbm>>
      %dma_wait3A_526 = arith.constant 0 : i32
      %dma_wait3A_527 = tpu.memref_slice %arg5[%dma_wait3A_526] : memref<3200xi32, #tpu.memory_space<vmem>> -> memref<3136xi32, #tpu.memory_space<vmem>>
      %dma_wait3A_528 = tpu.memref_slice %arg3[%multiple_of3A] : memref<100000xi32, #tpu.memory_space<hbm>> -> memref<3136xi32, #tpu.memory_space<hbm>>
      tpu.wait_dma2 semaphore(%run_scoped3A : memref<!tpu.dma_semaphore, #tpu.memory_space<semaphore_mem>>) src(%dma_wait3A_528 : memref<3136xi32, #tpu.memory_space<hbm>>) dst(%dma_wait3A_527 : memref<3136xi32, #tpu.memory_space<vmem>>)
      tpu.yield
    }) : () -> ()
    "tpu.region"() ({
      %run_scoped3A = tpu.sem_alloc : memref<!tpu.dma_semaphore, #tpu.memory_space<semaphore_mem>>
      %dma_start3A = arith.constant 0 : i32
      %dma_start3A_519 = arith.constant 0 : i32
      %dma_start3A_520 = tpu.memref_slice %arg2[%shift_right_arithmetic3A_7, %dma_start3A, %dma_start3A_519] : memref<782x8x128xf32, #tpu.memory_space<hbm>> -> memref<26x8x128xf32, #tpu.memory_space<hbm>>
      %dma_start3A_521 = arith.constant 0 : i32
      %dma_start3A_522 = arith.constant 0 : i32
      %dma_start3A_523 = tpu.memref_slice %arg2[%shift_right_arithmetic3A_7, %dma_start3A_521, %dma_start3A_522] : memref<782x8x128xf32, #tpu.memory_space<hbm>> -> memref<26x8x128xf32, #tpu.memory_space<hbm>>
      tpu.enqueue_dma source(%dma_start3A_523 : memref<26x8x128xf32, #tpu.memory_space<hbm>>) target(%arg6 : memref<26x8x128xf32, #tpu.memory_space<vmem>>) target_semaphore(%run_scoped3A : memref<!tpu.dma_semaphore, #tpu.memory_space<semaphore_mem>>)
      %dma_wait3A = arith.constant 0 : i32
      %dma_wait3A_524 = arith.constant 0 : i32
      %dma_wait3A_525 = tpu.memref_slice %arg2[%shift_right_arithmetic3A_7, %dma_wait3A, %dma_wait3A_524] : memref<782x8x128xf32, #tpu.memory_space<hbm>> -> memref<26x8x128xf32, #tpu.memory_space<hbm>>
      %dma_wait3A_526 = arith.constant 0 : i32
      %dma_wait3A_527 = arith.constant 0 : i32
      %dma_wait3A_528 = tpu.memref_slice %arg2[%shift_right_arithmetic3A_7, %dma_wait3A_526, %dma_wait3A_527] : memref<782x8x128xf32, #tpu.memory_space<hbm>> -> memref<26x8x128xf32, #tpu.memory_space<hbm>>
      tpu.wait_dma2 semaphore(%run_scoped3A : memref<!tpu.dma_semaphore, #tpu.memory_space<semaphore_mem>>) src(%dma_wait3A_528 : memref<26x8x128xf32, #tpu.memory_space<hbm>>) dst(%arg6 : memref<26x8x128xf32, #tpu.memory_space<vmem>>)
      tpu.yield
    }) : () -> ()
    %iota3A = tpu.iota {dimensions = array<i32: 0>} : vector<16xi32>
    %broadcast_in_dim3A = arith.constant 0.000000e+00 : f32
    %broadcast_in_dim3A_10 = vector.broadcast %broadcast_in_dim3A : f32 to vector<16xf32>
    %sub3A = arith.subi %mul3A_2, %multiple_of3A : i32
    %get3A = arith.index_cast %sub3A : i32 to index
    %get3A_11 = tpu.vector_load %arg5[%get3A] {strides = array<i32>} : memref<3200xi32, #tpu.memory_space<vmem>>, vector<16xi32>,
    %slice3A = vector.extract_strided_slice %get3A_11 {offsets = [0], sizes = [1], strides = [1]} : vector<16xi32> to vector<1xi32>
    %squeeze3A = vector.extract %slice3A[0] : i32 from vector<1xi32>
    %add3A_12 = arith.constant 3125 : i32
    %add3A_13 = arith.addi %sub3A, %add3A_12 : i32
    %sub3A_14 = arith.constant 16 : i32
    %sub3A_15 = arith.subi %add3A_13, %sub3A_14 : i32
    %get3A_16 = arith.index_cast %sub3A_15 : i32 to index
    %get3A_17 = tpu.vector_load %arg5[%get3A_16] {strides = array<i32>} : memref<3200xi32, #tpu.memory_space<vmem>>, vector<16xi32>,
    %slice3A_18 = vector.extract_strided_slice %get3A_17 {offsets = [15], sizes = [1], strides = [1]} : vector<16xi32> to vector<1xi32>
    %squeeze3A_19 = vector.extract %slice3A_18[0] : i32 from vector<1xi32>
    %lt3A = arith.constant 256 : i32
    %lt3A_20 = arith.cmpi slt, %squeeze3A, %lt3A : i32
    %ge3A = arith.constant 0 : i32
    %ge3A_21 = arith.cmpi sge, %squeeze3A_19, %ge3A : i32
    %and3A_22 = arith.andi %lt3A_20, %ge3A_21 : i1
    %convert_element_type3A = arith.extui %and3A_22 : i1 to i32
    %cond3A = arith.constant 0 : i32
    %cond3A_23 = arith.cmpi ne, %convert_element_type3A, %cond3A : i32
    scf.if %cond3A_23 {
      %scan3A_519 = arith.constant 0 : i32
      %scan3A_520 = arith.constant 0 : i32
      %scan3A_521 = arith.constant 128 : i32
      %scan3A_522 = arith.addi %scan3A_520, %scan3A_521 : i32
      %scan3A_523 = arith.constant 1 : i32
      scf.for %scan3A_525 = %scan3A_520 to %scan3A_522 step %scan3A_523  : i32 {
        %mul3A_526 = arith.constant 16 : i32
        %mul3A_527 = arith.muli %scan3A_525, %mul3A_526 : i32
        %add3A_528 = arith.constant 0 : i32
        %add3A_529 = arith.addi %add3A_528, %mul3A_527 : i32
        %swap3A_530 = arith.index_cast %add3A_529 : i32 to index
        %swap3A_531 = tpu.vector_load %arg7[%swap3A_530] {strides = array<i32>} : memref<32768xf32, #tpu.memory_space<vmem>>, vector<16xf32>,
        tpu.vector_store %arg7[%swap3A_530], %broadcast_in_dim3A_10 {strides = array<i32>} : memref<32768xf32, #tpu.memory_space<vmem>>, vector<16xf32>,
      }
      %scan3A_524 = arith.constant 128 : i32
    } else {
    }
    %lt3A_24 = arith.constant 512 : i32
    %lt3A_25 = arith.cmpi slt, %squeeze3A, %lt3A_24 : i32
    %ge3A_26 = arith.constant 256 : i32
    %ge3A_27 = arith.cmpi sge, %squeeze3A_19, %ge3A_26 : i32
    %and3A_28 = arith.andi %lt3A_25, %ge3A_27 : i1
    %convert_element_type3A_29 = arith.extui %and3A_28 : i1 to i32
    %cond3A_30 = arith.constant 0 : i32
    %cond3A_31 = arith.cmpi ne, %convert_element_type3A_29, %cond3A_30 : i32
    scf.if %cond3A_31 {
      %scan3A_519 = arith.constant 0 : i32
      %scan3A_520 = arith.constant 0 : i32
      %scan3A_521 = arith.constant 128 : i32
      %scan3A_522 = arith.addi %scan3A_520, %scan3A_521 : i32
      %scan3A_523 = arith.constant 1 : i32
      scf.for %scan3A_525 = %scan3A_520 to %scan3A_522 step %scan3A_523  : i32 {
        %mul3A_526 = arith.constant 16 : i32
        %mul3A_527 = arith.muli %scan3A_525, %mul3A_526 : i32
        %add3A_528 = arith.constant 2048 : i32
        %add3A_529 = arith.addi %add3A_528, %mul3A_527 : i32
        %swap3A_530 = arith.index_cast %add3A_529 : i32 to index
        %swap3A_531 = tpu.vector_load %arg7[%swap3A_530] {strides = array<i32>} : memref<32768xf32, #tpu.memory_space<vmem>>, vector<16xf32>,
        tpu.vector_store %arg7[%swap3A_530], %broadcast_in_dim3A_10 {strides = array<i32>} : memref<32768xf32, #tpu.memory_space<vmem>>, vector<16xf32>,
      }
      %scan3A_524 = arith.constant 128 : i32
    } else {
    }
    %lt3A_32 = arith.constant 768 : i32
    %lt3A_33 = arith.cmpi slt, %squeeze3A, %lt3A_32 : i32
    %ge3A_34 = arith.constant 512 : i32
    %ge3A_35 = arith.cmpi sge, %squeeze3A_19, %ge3A_34 : i32
    %and3A_36 = arith.andi %lt3A_33, %ge3A_35 : i1
    %convert_element_type3A_37 = arith.extui %and3A_36 : i1 to i32
    %cond3A_38 = arith.constant 0 : i32
    %cond3A_39 = arith.cmpi ne, %convert_element_type3A_37, %cond3A_38 : i32
    scf.if %cond3A_39 {
      %scan3A_519 = arith.constant 0 : i32
      %scan3A_520 = arith.constant 0 : i32
      %scan3A_521 = arith.constant 128 : i32
      %scan3A_522 = arith.addi %scan3A_520, %scan3A_521 : i32
      %scan3A_523 = arith.constant 1 : i32
      scf.for %scan3A_525 = %scan3A_520 to %scan3A_522 step %scan3A_523  : i32 {
        %mul3A_526 = arith.constant 16 : i32
        %mul3A_527 = arith.muli %scan3A_525, %mul3A_526 : i32
        %add3A_528 = arith.constant 4096 : i32
        %add3A_529 = arith.addi %add3A_528, %mul3A_527 : i32
        %swap3A_530 = arith.index_cast %add3A_529 : i32 to index
        %swap3A_531 = tpu.vector_load %arg7[%swap3A_530] {strides = array<i32>} : memref<32768xf32, #tpu.memory_space<vmem>>, vector<16xf32>,
        tpu.vector_store %arg7[%swap3A_530], %broadcast_in_dim3A_10 {strides = array<i32>} : memref<32768xf32, #tpu.memory_space<vmem>>, vector<16xf32>,
      }
      %scan3A_524 = arith.constant 128 : i32
    } else {
    }
    %lt3A_40 = arith.constant 1024 : i32
    %lt3A_41 = arith.cmpi slt, %squeeze3A, %lt3A_40 : i32
    %ge3A_42 = arith.constant 768 : i32
    %ge3A_43 = arith.cmpi sge, %squeeze3A_19, %ge3A_42 : i32
    %and3A_44 = arith.andi %lt3A_41, %ge3A_43 : i1
    %convert_element_type3A_45 = arith.extui %and3A_44 : i1 to i32
    %cond3A_46 = arith.constant 0 : i32
    %cond3A_47 = arith.cmpi ne, %convert_element_type3A_45, %cond3A_46 : i32
    scf.if %cond3A_47 {
      %scan3A_519 = arith.constant 0 : i32
      %scan3A_520 = arith.constant 0 : i32
      %scan3A_521 = arith.constant 128 : i32
      %scan3A_522 = arith.addi %scan3A_520, %scan3A_521 : i32
      %scan3A_523 = arith.constant 1 : i32
      scf.for %scan3A_525 = %scan3A_520 to %scan3A_522 step %scan3A_523  : i32 {
        %mul3A_526 = arith.constant 16 : i32
        %mul3A_527 = arith.muli %scan3A_525, %mul3A_526 : i32
        %add3A_528 = arith.constant 6144 : i32
        %add3A_529 = arith.addi %add3A_528, %mul3A_527 : i32
        %swap3A_530 = arith.index_cast %add3A_529 : i32 to index
        %swap3A_531 = tpu.vector_load %arg7[%swap3A_530] {strides = array<i32>} : memref<32768xf32, #tpu.memory_space<vmem>>, vector<16xf32>,
        tpu.vector_store %arg7[%swap3A_530], %broadcast_in_dim3A_10 {strides = array<i32>} : memref<32768xf32, #tpu.memory_space<vmem>>, vector<16xf32>,
      }
      %scan3A_524 = arith.constant 128 : i32
    } else {
    }
    %lt3A_48 = arith.constant 1280 : i32
    %lt3A_49 = arith.cmpi slt, %squeeze3A, %lt3A_48 : i32
    %ge3A_50 = arith.constant 1024 : i32
    %ge3A_51 = arith.cmpi sge, %squeeze3A_19, %ge3A_50 : i32
    %and3A_52 = arith.andi %lt3A_49, %ge3A_51 : i1
    %convert_element_type3A_53 = arith.extui %and3A_52 : i1 to i32
    %cond3A_54 = arith.constant 0 : i32
    %cond3A_55 = arith.cmpi ne, %convert_element_type3A_53, %cond3A_54 : i32
    scf.if %cond3A_55 {
      %scan3A_519 = arith.constant 0 : i32
      %scan3A_520 = arith.constant 0 : i32
      %scan3A_521 = arith.constant 128 : i32
      %scan3A_522 = arith.addi %scan3A_520, %scan3A_521 : i32
      %scan3A_523 = arith.constant 1 : i32
      scf.for %scan3A_525 = %scan3A_520 to %scan3A_522 step %scan3A_523  : i32 {
        %mul3A_526 = arith.constant 16 : i32
        %mul3A_527 = arith.muli %scan3A_525, %mul3A_526 : i32
        %add3A_528 = arith.constant 8192 : i32
        %add3A_529 = arith.addi %add3A_528, %mul3A_527 : i32
        %swap3A_530 = arith.index_cast %add3A_529 : i32 to index
        %swap3A_531 = tpu.vector_load %arg7[%swap3A_530] {strides = array<i32>} : memref<32768xf32, #tpu.memory_space<vmem>>, vector<16xf32>,
        tpu.vector_store %arg7[%swap3A_530], %broadcast_in_dim3A_10 {strides = array<i32>} : memref<32768xf32, #tpu.memory_space<vmem>>, vector<16xf32>,
      }
      %scan3A_524 = arith.constant 128 : i32
    } else {
    }
    %lt3A_56 = arith.constant 1536 : i32
    %lt3A_57 = arith.cmpi slt, %squeeze3A, %lt3A_56 : i32
    %ge3A_58 = arith.constant 1280 : i32
    %ge3A_59 = arith.cmpi sge, %squeeze3A_19, %ge3A_58 : i32
    %and3A_60 = arith.andi %lt3A_57, %ge3A_59 : i1
    %convert_element_type3A_61 = arith.extui %and3A_60 : i1 to i32
    %cond3A_62 = arith.constant 0 : i32
    %cond3A_63 = arith.cmpi ne, %convert_element_type3A_61, %cond3A_62 : i32
    scf.if %cond3A_63 {
      %scan3A_519 = arith.constant 0 : i32
      %scan3A_520 = arith.constant 0 : i32
      %scan3A_521 = arith.constant 128 : i32
      %scan3A_522 = arith.addi %scan3A_520, %scan3A_521 : i32
      %scan3A_523 = arith.constant 1 : i32
      scf.for %scan3A_525 = %scan3A_520 to %scan3A_522 step %scan3A_523  : i32 {
        %mul3A_526 = arith.constant 16 : i32
        %mul3A_527 = arith.muli %scan3A_525, %mul3A_526 : i32
        %add3A_528 = arith.constant 10240 : i32
        %add3A_529 = arith.addi %add3A_528, %mul3A_527 : i32
        %swap3A_530 = arith.index_cast %add3A_529 : i32 to index
        %swap3A_531 = tpu.vector_load %arg7[%swap3A_530] {strides = array<i32>} : memref<32768xf32, #tpu.memory_space<vmem>>, vector<16xf32>,
        tpu.vector_store %arg7[%swap3A_530], %broadcast_in_dim3A_10 {strides = array<i32>} : memref<32768xf32, #tpu.memory_space<vmem>>, vector<16xf32>,
      }
      %scan3A_524 = arith.constant 128 : i32
    } else {
    }
    %lt3A_64 = arith.constant 1792 : i32
    %lt3A_65 = arith.cmpi slt, %squeeze3A, %lt3A_64 : i32
    %ge3A_66 = arith.constant 1536 : i32
    %ge3A_67 = arith.cmpi sge, %squeeze3A_19, %ge3A_66 : i32
    %and3A_68 = arith.andi %lt3A_65, %ge3A_67 : i1
    %convert_element_type3A_69 = arith.extui %and3A_68 : i1 to i32
    %cond3A_70 = arith.constant 0 : i32
    %cond3A_71 = arith.cmpi ne, %convert_element_type3A_69, %cond3A_70 : i32
    scf.if %cond3A_71 {
      %scan3A_519 = arith.constant 0 : i32
      %scan3A_520 = arith.constant 0 : i32
      %scan3A_521 = arith.constant 128 : i32
      %scan3A_522 = arith.addi %scan3A_520, %scan3A_521 : i32
      %scan3A_523 = arith.constant 1 : i32
      scf.for %scan3A_525 = %scan3A_520 to %scan3A_522 step %scan3A_523  : i32 {
        %mul3A_526 = arith.constant 16 : i32
        %mul3A_527 = arith.muli %scan3A_525, %mul3A_526 : i32
        %add3A_528 = arith.constant 12288 : i32
        %add3A_529 = arith.addi %add3A_528, %mul3A_527 : i32
        %swap3A_530 = arith.index_cast %add3A_529 : i32 to index
        %swap3A_531 = tpu.vector_load %arg7[%swap3A_530] {strides = array<i32>} : memref<32768xf32, #tpu.memory_space<vmem>>, vector<16xf32>,
        tpu.vector_store %arg7[%swap3A_530], %broadcast_in_dim3A_10 {strides = array<i32>} : memref<32768xf32, #tpu.memory_space<vmem>>, vector<16xf32>,
      }
      %scan3A_524 = arith.constant 128 : i32
    } else {
    }
    %lt3A_72 = arith.constant 2048 : i32
    %lt3A_73 = arith.cmpi slt, %squeeze3A, %lt3A_72 : i32
    %ge3A_74 = arith.constant 1792 : i32
    %ge3A_75 = arith.cmpi sge, %squeeze3A_19, %ge3A_74 : i32
    %and3A_76 = arith.andi %lt3A_73, %ge3A_75 : i1
    %convert_element_type3A_77 = arith.extui %and3A_76 : i1 to i32
    %cond3A_78 = arith.constant 0 : i32
    %cond3A_79 = arith.cmpi ne, %convert_element_type3A_77, %cond3A_78 : i32
    scf.if %cond3A_79 {
      %scan3A_519 = arith.constant 0 : i32
      %scan3A_520 = arith.constant 0 : i32
      %scan3A_521 = arith.constant 128 : i32
      %scan3A_522 = arith.addi %scan3A_520, %scan3A_521 : i32
      %scan3A_523 = arith.constant 1 : i32
      scf.for %scan3A_525 = %scan3A_520 to %scan3A_522 step %scan3A_523  : i32 {
        %mul3A_526 = arith.constant 16 : i32
        %mul3A_527 = arith.muli %scan3A_525, %mul3A_526 : i32
        %add3A_528 = arith.constant 14336 : i32
        %add3A_529 = arith.addi %add3A_528, %mul3A_527 : i32
        %swap3A_530 = arith.index_cast %add3A_529 : i32 to index
        %swap3A_531 = tpu.vector_load %arg7[%swap3A_530] {strides = array<i32>} : memref<32768xf32, #tpu.memory_space<vmem>>, vector<16xf32>,
        tpu.vector_store %arg7[%swap3A_530], %broadcast_in_dim3A_10 {strides = array<i32>} : memref<32768xf32, #tpu.memory_space<vmem>>, vector<16xf32>,
      }
      %scan3A_524 = arith.constant 128 : i32
    } else {
    }
    %lt3A_80 = arith.constant 2304 : i32
    %lt3A_81 = arith.cmpi slt, %squeeze3A, %lt3A_80 : i32
    %ge3A_82 = arith.constant 2048 : i32
    %ge3A_83 = arith.cmpi sge, %squeeze3A_19, %ge3A_82 : i32
    %and3A_84 = arith.andi %lt3A_81, %ge3A_83 : i1
    %convert_element_type3A_85 = arith.extui %and3A_84 : i1 to i32
    %cond3A_86 = arith.constant 0 : i32
    %cond3A_87 = arith.cmpi ne, %convert_element_type3A_85, %cond3A_86 : i32
    scf.if %cond3A_87 {
      %scan3A_519 = arith.constant 0 : i32
      %scan3A_520 = arith.constant 0 : i32
      %scan3A_521 = arith.constant 128 : i32
      %scan3A_522 = arith.addi %scan3A_520, %scan3A_521 : i32
      %scan3A_523 = arith.constant 1 : i32
      scf.for %scan3A_525 = %scan3A_520 to %scan3A_522 step %scan3A_523  : i32 {
        %mul3A_526 = arith.constant 16 : i32
        %mul3A_527 = arith.muli %scan3A_525, %mul3A_526 : i32
        %add3A_528 = arith.constant 16384 : i32
        %add3A_529 = arith.addi %add3A_528, %mul3A_527 : i32
        %swap3A_530 = arith.index_cast %add3A_529 : i32 to index
        %swap3A_531 = tpu.vector_load %arg7[%swap3A_530] {strides = array<i32>} : memref<32768xf32, #tpu.memory_space<vmem>>, vector<16xf32>,
        tpu.vector_store %arg7[%swap3A_530], %broadcast_in_dim3A_10 {strides = array<i32>} : memref<32768xf32, #tpu.memory_space<vmem>>, vector<16xf32>,
      }
      %scan3A_524 = arith.constant 128 : i32
    } else {
    }
    %lt3A_88 = arith.constant 2560 : i32
    %lt3A_89 = arith.cmpi slt, %squeeze3A, %lt3A_88 : i32
    %ge3A_90 = arith.constant 2304 : i32
    %ge3A_91 = arith.cmpi sge, %squeeze3A_19, %ge3A_90 : i32
    %and3A_92 = arith.andi %lt3A_89, %ge3A_91 : i1
    %convert_element_type3A_93 = arith.extui %and3A_92 : i1 to i32
    %cond3A_94 = arith.constant 0 : i32
    %cond3A_95 = arith.cmpi ne, %convert_element_type3A_93, %cond3A_94 : i32
    scf.if %cond3A_95 {
      %scan3A_519 = arith.constant 0 : i32
      %scan3A_520 = arith.constant 0 : i32
      %scan3A_521 = arith.constant 128 : i32
      %scan3A_522 = arith.addi %scan3A_520, %scan3A_521 : i32
      %scan3A_523 = arith.constant 1 : i32
      scf.for %scan3A_525 = %scan3A_520 to %scan3A_522 step %scan3A_523  : i32 {
        %mul3A_526 = arith.constant 16 : i32
        %mul3A_527 = arith.muli %scan3A_525, %mul3A_526 : i32
        %add3A_528 = arith.constant 18432 : i32
        %add3A_529 = arith.addi %add3A_528, %mul3A_527 : i32
        %swap3A_530 = arith.index_cast %add3A_529 : i32 to index
        %swap3A_531 = tpu.vector_load %arg7[%swap3A_530] {strides = array<i32>} : memref<32768xf32, #tpu.memory_space<vmem>>, vector<16xf32>,
        tpu.vector_store %arg7[%swap3A_530], %broadcast_in_dim3A_10 {strides = array<i32>} : memref<32768xf32, #tpu.memory_space<vmem>>, vector<16xf32>,
      }
      %scan3A_524 = arith.constant 128 : i32
    } else {
    }
    %lt3A_96 = arith.constant 2816 : i32
    %lt3A_97 = arith.cmpi slt, %squeeze3A, %lt3A_96 : i32
    %ge3A_98 = arith.constant 2560 : i32
    %ge3A_99 = arith.cmpi sge, %squeeze3A_19, %ge3A_98 : i32
    %and3A_100 = arith.andi %lt3A_97, %ge3A_99 : i1
    %convert_element_type3A_101 = arith.extui %and3A_100 : i1 to i32
    %cond3A_102 = arith.constant 0 : i32
    %cond3A_103 = arith.cmpi ne, %convert_element_type3A_101, %cond3A_102 : i32
    scf.if %cond3A_103 {
      %scan3A_519 = arith.constant 0 : i32
      %scan3A_520 = arith.constant 0 : i32
      %scan3A_521 = arith.constant 128 : i32
      %scan3A_522 = arith.addi %scan3A_520, %scan3A_521 : i32
      %scan3A_523 = arith.constant 1 : i32
      scf.for %scan3A_525 = %scan3A_520 to %scan3A_522 step %scan3A_523  : i32 {
        %mul3A_526 = arith.constant 16 : i32
        %mul3A_527 = arith.muli %scan3A_525, %mul3A_526 : i32
        %add3A_528 = arith.constant 20480 : i32
        %add3A_529 = arith.addi %add3A_528, %mul3A_527 : i32
        %swap3A_530 = arith.index_cast %add3A_529 : i32 to index
        %swap3A_531 = tpu.vector_load %arg7[%swap3A_530] {strides = array<i32>} : memref<32768xf32, #tpu.memory_space<vmem>>, vector<16xf32>,
        tpu.vector_store %arg7[%swap3A_530], %broadcast_in_dim3A_10 {strides = array<i32>} : memref<32768xf32, #tpu.memory_space<vmem>>, vector<16xf32>,
      }
      %scan3A_524 = arith.constant 128 : i32
    } else {
    }
    %lt3A_104 = arith.constant 3072 : i32
    %lt3A_105 = arith.cmpi slt, %squeeze3A, %lt3A_104 : i32
    %ge3A_106 = arith.constant 2816 : i32
    %ge3A_107 = arith.cmpi sge, %squeeze3A_19, %ge3A_106 : i32
    %and3A_108 = arith.andi %lt3A_105, %ge3A_107 : i1
    %convert_element_type3A_109 = arith.extui %and3A_108 : i1 to i32
    %cond3A_110 = arith.constant 0 : i32
    %cond3A_111 = arith.cmpi ne, %convert_element_type3A_109, %cond3A_110 : i32
    scf.if %cond3A_111 {
      %scan3A_519 = arith.constant 0 : i32
      %scan3A_520 = arith.constant 0 : i32
      %scan3A_521 = arith.constant 128 : i32
      %scan3A_522 = arith.addi %scan3A_520, %scan3A_521 : i32
      %scan3A_523 = arith.constant 1 : i32
      scf.for %scan3A_525 = %scan3A_520 to %scan3A_522 step %scan3A_523  : i32 {
        %mul3A_526 = arith.constant 16 : i32
        %mul3A_527 = arith.muli %scan3A_525, %mul3A_526 : i32
        %add3A_528 = arith.constant 22528 : i32
        %add3A_529 = arith.addi %add3A_528, %mul3A_527 : i32
        %swap3A_530 = arith.index_cast %add3A_529 : i32 to index
        %swap3A_531 = tpu.vector_load %arg7[%swap3A_530] {strides = array<i32>} : memref<32768xf32, #tpu.memory_space<vmem>>, vector<16xf32>,
        tpu.vector_store %arg7[%swap3A_530], %broadcast_in_dim3A_10 {strides = array<i32>} : memref<32768xf32, #tpu.memory_space<vmem>>, vector<16xf32>,
      }
      %scan3A_524 = arith.constant 128 : i32
    } else {
    }
    %lt3A_112 = arith.constant 3328 : i32
    %lt3A_113 = arith.cmpi slt, %squeeze3A, %lt3A_112 : i32
    %ge3A_114 = arith.constant 3072 : i32
    %ge3A_115 = arith.cmpi sge, %squeeze3A_19, %ge3A_114 : i32
    %and3A_116 = arith.andi %lt3A_113, %ge3A_115 : i1
    %convert_element_type3A_117 = arith.extui %and3A_116 : i1 to i32
    %cond3A_118 = arith.constant 0 : i32
    %cond3A_119 = arith.cmpi ne, %convert_element_type3A_117, %cond3A_118 : i32
    scf.if %cond3A_119 {
      %scan3A_519 = arith.constant 0 : i32
      %scan3A_520 = arith.constant 0 : i32
      %scan3A_521 = arith.constant 128 : i32
      %scan3A_522 = arith.addi %scan3A_520, %scan3A_521 : i32
      %scan3A_523 = arith.constant 1 : i32
      scf.for %scan3A_525 = %scan3A_520 to %scan3A_522 step %scan3A_523  : i32 {
        %mul3A_526 = arith.constant 16 : i32
        %mul3A_527 = arith.muli %scan3A_525, %mul3A_526 : i32
        %add3A_528 = arith.constant 24576 : i32
        %add3A_529 = arith.addi %add3A_528, %mul3A_527 : i32
        %swap3A_530 = arith.index_cast %add3A_529 : i32 to index
        %swap3A_531 = tpu.vector_load %arg7[%swap3A_530] {strides = array<i32>} : memref<32768xf32, #tpu.memory_space<vmem>>, vector<16xf32>,
        tpu.vector_store %arg7[%swap3A_530], %broadcast_in_dim3A_10 {strides = array<i32>} : memref<32768xf32, #tpu.memory_space<vmem>>, vector<16xf32>,
      }
      %scan3A_524 = arith.constant 128 : i32
    } else {
    }
    %lt3A_120 = arith.constant 3584 : i32
    %lt3A_121 = arith.cmpi slt, %squeeze3A, %lt3A_120 : i32
    %ge3A_122 = arith.constant 3328 : i32
    %ge3A_123 = arith.cmpi sge, %squeeze3A_19, %ge3A_122 : i32
    %and3A_124 = arith.andi %lt3A_121, %ge3A_123 : i1
    %convert_element_type3A_125 = arith.extui %and3A_124 : i1 to i32
    %cond3A_126 = arith.constant 0 : i32
    %cond3A_127 = arith.cmpi ne, %convert_element_type3A_125, %cond3A_126 : i32
    scf.if %cond3A_127 {
      %scan3A_519 = arith.constant 0 : i32
      %scan3A_520 = arith.constant 0 : i32
      %scan3A_521 = arith.constant 128 : i32
      %scan3A_522 = arith.addi %scan3A_520, %scan3A_521 : i32
      %scan3A_523 = arith.constant 1 : i32
      scf.for %scan3A_525 = %scan3A_520 to %scan3A_522 step %scan3A_523  : i32 {
        %mul3A_526 = arith.constant 16 : i32
        %mul3A_527 = arith.muli %scan3A_525, %mul3A_526 : i32
        %add3A_528 = arith.constant 26624 : i32
        %add3A_529 = arith.addi %add3A_528, %mul3A_527 : i32
        %swap3A_530 = arith.index_cast %add3A_529 : i32 to index
        %swap3A_531 = tpu.vector_load %arg7[%swap3A_530] {strides = array<i32>} : memref<32768xf32, #tpu.memory_space<vmem>>, vector<16xf32>,
        tpu.vector_store %arg7[%swap3A_530], %broadcast_in_dim3A_10 {strides = array<i32>} : memref<32768xf32, #tpu.memory_space<vmem>>, vector<16xf32>,
      }
      %scan3A_524 = arith.constant 128 : i32
    } else {
    }
    %lt3A_128 = arith.constant 3840 : i32
    %lt3A_129 = arith.cmpi slt, %squeeze3A, %lt3A_128 : i32
    %ge3A_130 = arith.constant 3584 : i32
    %ge3A_131 = arith.cmpi sge, %squeeze3A_19, %ge3A_130 : i32
    %and3A_132 = arith.andi %lt3A_129, %ge3A_131 : i1
    %convert_element_type3A_133 = arith.extui %and3A_132 : i1 to i32
    %cond3A_134 = arith.constant 0 : i32
    %cond3A_135 = arith.cmpi ne, %convert_element_type3A_133, %cond3A_134 : i32
    scf.if %cond3A_135 {
      %scan3A_519 = arith.constant 0 : i32
      %scan3A_520 = arith.constant 0 : i32
      %scan3A_521 = arith.constant 128 : i32
      %scan3A_522 = arith.addi %scan3A_520, %scan3A_521 : i32
      %scan3A_523 = arith.constant 1 : i32
      scf.for %scan3A_525 = %scan3A_520 to %scan3A_522 step %scan3A_523  : i32 {
        %mul3A_526 = arith.constant 16 : i32
        %mul3A_527 = arith.muli %scan3A_525, %mul3A_526 : i32
        %add3A_528 = arith.constant 28672 : i32
        %add3A_529 = arith.addi %add3A_528, %mul3A_527 : i32
        %swap3A_530 = arith.index_cast %add3A_529 : i32 to index
        %swap3A_531 = tpu.vector_load %arg7[%swap3A_530] {strides = array<i32>} : memref<32768xf32, #tpu.memory_space<vmem>>, vector<16xf32>,
        tpu.vector_store %arg7[%swap3A_530], %broadcast_in_dim3A_10 {strides = array<i32>} : memref<32768xf32, #tpu.memory_space<vmem>>, vector<16xf32>,
      }
      %scan3A_524 = arith.constant 128 : i32
    } else {
    }
    %lt3A_136 = arith.constant 4096 : i32
    %lt3A_137 = arith.cmpi slt, %squeeze3A, %lt3A_136 : i32
    %ge3A_138 = arith.constant 3840 : i32
    %ge3A_139 = arith.cmpi sge, %squeeze3A_19, %ge3A_138 : i32
    %and3A_140 = arith.andi %lt3A_137, %ge3A_139 : i1
    %convert_element_type3A_141 = arith.extui %and3A_140 : i1 to i32
    %cond3A_142 = arith.constant 0 : i32
    %cond3A_143 = arith.cmpi ne, %convert_element_type3A_141, %cond3A_142 : i32
    scf.if %cond3A_143 {
      %scan3A_519 = arith.constant 0 : i32
      %scan3A_520 = arith.constant 0 : i32
      %scan3A_521 = arith.constant 128 : i32
      %scan3A_522 = arith.addi %scan3A_520, %scan3A_521 : i32
      %scan3A_523 = arith.constant 1 : i32
      scf.for %scan3A_525 = %scan3A_520 to %scan3A_522 step %scan3A_523  : i32 {
        %mul3A_526 = arith.constant 16 : i32
        %mul3A_527 = arith.muli %scan3A_525, %mul3A_526 : i32
        %add3A_528 = arith.constant 30720 : i32
        %add3A_529 = arith.addi %add3A_528, %mul3A_527 : i32
        %swap3A_530 = arith.index_cast %add3A_529 : i32 to index
        %swap3A_531 = tpu.vector_load %arg7[%swap3A_530] {strides = array<i32>} : memref<32768xf32, #tpu.memory_space<vmem>>, vector<16xf32>,
        tpu.vector_store %arg7[%swap3A_530], %broadcast_in_dim3A_10 {strides = array<i32>} : memref<32768xf32, #tpu.memory_space<vmem>>, vector<16xf32>,
      }
      %scan3A_524 = arith.constant 128 : i32
    } else {
    }
    %scan3A = arith.constant 0 : i32
    %scan3A_144 = arith.constant 0 : i32
    %scan3A_145 = arith.constant 200 : i32
    %scan3A_146 = arith.addi %scan3A_144, %scan3A_145 : i32
    %scan3A_147 = arith.constant 1 : i32
    scf.for %scan3A_519 = %scan3A_144 to %scan3A_146 step %scan3A_147  : i32 {
      %mul3A_520 = arith.constant 16 : i32
      %mul3A_521 = arith.muli %scan3A_519, %mul3A_520 : i32
      %add3A_522 = vector.broadcast %mul3A_521 : i32 to vector<16xi32>
      %add3A_523 = arith.addi %add3A_522, %iota3A : vector<16xi32>
      %add3A_524 = vector.broadcast %multiple_of3A : i32 to vector<16xi32>
      %add3A_525 = arith.addi %add3A_524, %add3A_523 : vector<16xi32>
      %ge3A_526 = vector.broadcast %mul3A_2 : i32 to vector<16xi32>
      %ge3A_527 = arith.cmpi sge, %add3A_525, %ge3A_526 : vector<16xi32>
      %lt3A_528 = vector.broadcast %add3A_6 : i32 to vector<16xi32>
      %lt3A_529 = arith.cmpi slt, %add3A_525, %lt3A_528 : vector<16xi32>
      %and3A_530 = arith.andi %ge3A_527, %lt3A_529 : vector<16xi1>
      %add3A_531 = vector.broadcast %and3A_9 : i32 to vector<16xi32>
      %add3A_532 = arith.addi %add3A_531, %add3A_523 : vector<16xi32>
      %shift_right_arithmetic3A_533 = arith.constant 7 : i32
      %shift_right_arithmetic3A_534 = vector.broadcast %shift_right_arithmetic3A_533 : i32 to vector<16xi32>
      %shift_right_arithmetic3A_535 = arith.shrsi %add3A_532, %shift_right_arithmetic3A_534 : vector<16xi32>
      %and3A_536 = arith.constant 127 : i32
      %and3A_537 = vector.broadcast %and3A_536 : i32 to vector<16xi32>
      %and3A_538 = arith.andi %add3A_532, %and3A_537 : vector<16xi32>
      %get3A_539 = arith.index_cast %mul3A_521 : i32 to index
      %get3A_540 = tpu.vector_load %arg5[%get3A_539] {strides = array<i32>} : memref<3200xi32, #tpu.memory_space<vmem>>, vector<16xi32>,
      %broadcast_in_dim3A_541 = vector.broadcast %squeeze3A : i32 to vector<16xi32>
      %select_n3A_542 = arith.select %and3A_530, %get3A_540, %broadcast_in_dim3A_541 : vector<16xi1>, vector<16xi32>
      %shift_left3A = arith.constant 3 : i32
      %shift_left3A_543 = vector.broadcast %shift_left3A : i32 to vector<16xi32>
      %shift_left3A_544 = arith.shli %select_n3A_542, %shift_left3A_543 : vector<16xi32>
      %broadcast_in_dim3A_545 = arith.constant 0 : i32
      %broadcast_in_dim3A_546 = vector.broadcast %broadcast_in_dim3A_545 : i32 to vector<16xi32>
      %gather3A = tpu.vector_load_idx %arg6[%shift_right_arithmetic3A_535, %broadcast_in_dim3A_546, %and3A_538] : memref<26x8x128xf32, #tpu.memory_space<vmem>>[vector<16xi32>, vector<16xi32>, vector<16xi32>], vector<16xf32>,
      %select_n3A_547 = arith.select %and3A_530, %gather3A, %broadcast_in_dim3A_10 : vector<16xi1>, vector<16xf32>
      %add3A_548 = arith.constant 0 : i32
      %add3A_549 = vector.broadcast %add3A_548 : i32 to vector<16xi32>
      %add3A_550 = arith.addi %shift_left3A_544, %add3A_549 : vector<16xi32>
      tpu.vector_store_idx %arg7[%add3A_550], %select_n3A_547 {add = true} : memref<32768xf32, #tpu.memory_space<vmem>>[vector<16xi32>], vector<16xf32>,
      %broadcast_in_dim3A_551 = arith.constant 1 : i32
      %broadcast_in_dim3A_552 = vector.broadcast %broadcast_in_dim3A_551 : i32 to vector<16xi32>
      %gather3A_553 = tpu.vector_load_idx %arg6[%shift_right_arithmetic3A_535, %broadcast_in_dim3A_552, %and3A_538] : memref<26x8x128xf32, #tpu.memory_space<vmem>>[vector<16xi32>, vector<16xi32>, vector<16xi32>], vector<16xf32>,
      %select_n3A_554 = arith.select %and3A_530, %gather3A_553, %broadcast_in_dim3A_10 : vector<16xi1>, vector<16xf32>
      %add3A_555 = arith.constant 1 : i32
      %add3A_556 = vector.broadcast %add3A_555 : i32 to vector<16xi32>
      %add3A_557 = arith.addi %shift_left3A_544, %add3A_556 : vector<16xi32>
      tpu.vector_store_idx %arg7[%add3A_557], %select_n3A_554 {add = true} : memref<32768xf32, #tpu.memory_space<vmem>>[vector<16xi32>], vector<16xf32>,
      %broadcast_in_dim3A_558 = arith.constant 2 : i32
      %broadcast_in_dim3A_559 = vector.broadcast %broadcast_in_dim3A_558 : i32 to vector<16xi32>
      %gather3A_560 = tpu.vector_load_idx %arg6[%shift_right_arithmetic3A_535, %broadcast_in_dim3A_559, %and3A_538] : memref<26x8x128xf32, #tpu.memory_space<vmem>>[vector<16xi32>, vector<16xi32>, vector<16xi32>], vector<16xf32>,
      %select_n3A_561 = arith.select %and3A_530, %gather3A_560, %broadcast_in_dim3A_10 : vector<16xi1>, vector<16xf32>
      %add3A_562 = arith.constant 2 : i32
      %add3A_563 = vector.broadcast %add3A_562 : i32 to vector<16xi32>
      %add3A_564 = arith.addi %shift_left3A_544, %add3A_563 : vector<16xi32>
      tpu.vector_store_idx %arg7[%add3A_564], %select_n3A_561 {add = true} : memref<32768xf32, #tpu.memory_space<vmem>>[vector<16xi32>], vector<16xf32>,
      %broadcast_in_dim3A_565 = arith.constant 3 : i32
      %broadcast_in_dim3A_566 = vector.broadcast %broadcast_in_dim3A_565 : i32 to vector<16xi32>
      %gather3A_567 = tpu.vector_load_idx %arg6[%shift_right_arithmetic3A_535, %broadcast_in_dim3A_566, %and3A_538] : memref<26x8x128xf32, #tpu.memory_space<vmem>>[vector<16xi32>, vector<16xi32>, vector<16xi32>], vector<16xf32>,
      %select_n3A_568 = arith.select %and3A_530, %gather3A_567, %broadcast_in_dim3A_10 : vector<16xi1>, vector<16xf32>
      %add3A_569 = arith.constant 3 : i32
      %add3A_570 = vector.broadcast %add3A_569 : i32 to vector<16xi32>
      %add3A_571 = arith.addi %shift_left3A_544, %add3A_570 : vector<16xi32>
      tpu.vector_store_idx %arg7[%add3A_571], %select_n3A_568 {add = true} : memref<32768xf32, #tpu.memory_space<vmem>>[vector<16xi32>], vector<16xf32>,
      %broadcast_in_dim3A_572 = arith.constant 4 : i32
      %broadcast_in_dim3A_573 = vector.broadcast %broadcast_in_dim3A_572 : i32 to vector<16xi32>
      %gather3A_574 = tpu.vector_load_idx %arg6[%shift_right_arithmetic3A_535, %broadcast_in_dim3A_573, %and3A_538] : memref<26x8x128xf32, #tpu.memory_space<vmem>>[vector<16xi32>, vector<16xi32>, vector<16xi32>], vector<16xf32>,
      %select_n3A_575 = arith.select %and3A_530, %gather3A_574, %broadcast_in_dim3A_10 : vector<16xi1>, vector<16xf32>
      %add3A_576 = arith.constant 4 : i32
      %add3A_577 = vector.broadcast %add3A_576 : i32 to vector<16xi32>
      %add3A_578 = arith.addi %shift_left3A_544, %add3A_577 : vector<16xi32>
      tpu.vector_store_idx %arg7[%add3A_578], %select_n3A_575 {add = true} : memref<32768xf32, #tpu.memory_space<vmem>>[vector<16xi32>], vector<16xf32>,
      %broadcast_in_dim3A_579 = arith.constant 5 : i32
      %broadcast_in_dim3A_580 = vector.broadcast %broadcast_in_dim3A_579 : i32 to vector<16xi32>
      %gather3A_581 = tpu.vector_load_idx %arg6[%shift_right_arithmetic3A_535, %broadcast_in_dim3A_580, %and3A_538] : memref<26x8x128xf32, #tpu.memory_space<vmem>>[vector<16xi32>, vector<16xi32>, vector<16xi32>], vector<16xf32>,
      %select_n3A_582 = arith.select %and3A_530, %gather3A_581, %broadcast_in_dim3A_10 : vector<16xi1>, vector<16xf32>
      %add3A_583 = arith.constant 5 : i32
      %add3A_584 = vector.broadcast %add3A_583 : i32 to vector<16xi32>
      %add3A_585 = arith.addi %shift_left3A_544, %add3A_584 : vector<16xi32>
      tpu.vector_store_idx %arg7[%add3A_585], %select_n3A_582 {add = true} : memref<32768xf32, #tpu.memory_space<vmem>>[vector<16xi32>], vector<16xf32>,
      %broadcast_in_dim3A_586 = arith.constant 6 : i32
      %broadcast_in_dim3A_587 = vector.broadcast %broadcast_in_dim3A_586 : i32 to vector<16xi32>
      %gather3A_588 = tpu.vector_load_idx %arg6[%shift_right_arithmetic3A_535, %broadcast_in_dim3A_587, %and3A_538] : memref<26x8x128xf32, #tpu.memory_space<vmem>>[vector<16xi32>, vector<16xi32>, vector<16xi32>], vector<16xf32>,
      %select_n3A_589 = arith.select %and3A_530, %gather3A_588, %broadcast_in_dim3A_10 : vector<16xi1>, vector<16xf32>
      %add3A_590 = arith.constant 6 : i32
      %add3A_591 = vector.broadcast %add3A_590 : i32 to vector<16xi32>
      %add3A_592 = arith.addi %shift_left3A_544, %add3A_591 : vector<16xi32>
      tpu.vector_store_idx %arg7[%add3A_592], %select_n3A_589 {add = true} : memref<32768xf32, #tpu.memory_space<vmem>>[vector<16xi32>], vector<16xf32>,
      %broadcast_in_dim3A_593 = arith.constant 7 : i32
      %broadcast_in_dim3A_594 = vector.broadcast %broadcast_in_dim3A_593 : i32 to vector<16xi32>
      %gather3A_595 = tpu.vector_load_idx %arg6[%shift_right_arithmetic3A_535, %broadcast_in_dim3A_594, %and3A_538] : memref<26x8x128xf32, #tpu.memory_space<vmem>>[vector<16xi32>, vector<16xi32>, vector<16xi32>], vector<16xf32>,
      %select_n3A_596 = arith.select %and3A_530, %gather3A_595, %broadcast_in_dim3A_10 : vector<16xi1>, vector<16xf32>
      %add3A_597 = arith.constant 7 : i32
      %add3A_598 = vector.broadcast %add3A_597 : i32 to vector<16xi32>
      %add3A_599 = arith.addi %shift_left3A_544, %add3A_598 : vector<16xi32>
      tpu.vector_store_idx %arg7[%add3A_599], %select_n3A_596 {add = true} : memref<32768xf32, #tpu.memory_space<vmem>>[vector<16xi32>], vector<16xf32>,
    }
    %scan3A_148 = arith.constant 200 : i32
    %lt3A_149 = arith.constant 8 : i32
    %lt3A_150 = vector.broadcast %lt3A_149 : i32 to vector<16xi32>
    %lt3A_151 = arith.cmpi slt, %iota3A, %lt3A_150 : vector<16xi32>
    %broadcast_in_dim3A_152 = vector.broadcast %squeeze3A : i32 to vector<16xi32>
    %broadcast_in_dim3A_153 = vector.broadcast %squeeze3A_19 : i32 to vector<16xi32>
    %select_n3A = arith.select %lt3A_151, %broadcast_in_dim3A_152, %broadcast_in_dim3A_153 : vector<16xi1>, vector<16xi32>
    %swap3A = arith.constant 0 : index
    %swap3A_154 = tpu.vector_load %arg10[%swap3A] {strides = array<i32>} : memref<16xi32, #tpu.memory_space<vmem>>, vector<16xi32>,
    tpu.vector_store %arg10[%swap3A], %select_n3A {strides = array<i32>} : memref<16xi32, #tpu.memory_space<vmem>>, vector<16xi32>,
    %mul3A_155 = arith.constant 16 : i32
    %mul3A_156 = arith.muli %arg1, %mul3A_155 : i32
    "tpu.region"() ({
      %run_scoped3A = tpu.sem_alloc : memref<!tpu.dma_semaphore, #tpu.memory_space<semaphore_mem>>
      %dma_start3A = tpu.memref_slice %arg13[%mul3A_156] : memref<256xi32, #tpu.memory_space<vmem_shared>> -> memref<16xi32, #tpu.memory_space<vmem_shared>>
      %dma_start3A_519 = tpu.memref_slice %arg13[%mul3A_156] : memref<256xi32, #tpu.memory_space<vmem_shared>> -> memref<16xi32, #tpu.memory_space<vmem_shared>>
      tpu.enqueue_dma source(%arg10 : memref<16xi32, #tpu.memory_space<vmem>>) target(%dma_start3A_519 : memref<16xi32, #tpu.memory_space<vmem_shared>>) target_semaphore(%run_scoped3A : memref<!tpu.dma_semaphore, #tpu.memory_space<semaphore_mem>>)
      %dma_wait3A = tpu.memref_slice %arg13[%mul3A_156] : memref<256xi32, #tpu.memory_space<vmem_shared>> -> memref<16xi32, #tpu.memory_space<vmem_shared>>
      %dma_wait3A_520 = tpu.memref_slice %arg13[%mul3A_156] : memref<256xi32, #tpu.memory_space<vmem_shared>> -> memref<16xi32, #tpu.memory_space<vmem_shared>>
      tpu.wait_dma2 semaphore(%run_scoped3A : memref<!tpu.dma_semaphore, #tpu.memory_space<semaphore_mem>>) src(%arg10 : memref<16xi32, #tpu.memory_space<vmem>>) dst(%dma_wait3A_520 : memref<16xi32, #tpu.memory_space<vmem_shared>>)
      tpu.yield
    }) : () -> ()
    %lt3A_157 = arith.constant 256 : i32
    %lt3A_158 = arith.cmpi slt, %squeeze3A, %lt3A_157 : i32
    %ge3A_159 = arith.constant 0 : i32
    %ge3A_160 = arith.cmpi sge, %squeeze3A_19, %ge3A_159 : i32
    %and3A_161 = arith.andi %lt3A_158, %ge3A_160 : i1
    %convert_element_type3A_162 = arith.extui %and3A_161 : i1 to i32
    %cond3A_163 = arith.constant 0 : i32
    %cond3A_164 = arith.cmpi ne, %convert_element_type3A_162, %cond3A_163 : i32
    scf.if %cond3A_164 {
      %run_scoped3A = arith.constant 0 : i32
      "tpu.region"() ({
        %run_scoped3A_519 = tpu.sem_alloc : memref<!tpu.dma_semaphore, #tpu.memory_space<semaphore_mem>>
        %dma_start3A = arith.constant 0 : i32
        %dma_start3A_520 = tpu.memref_slice %arg7[%dma_start3A] : memref<32768xf32, #tpu.memory_space<vmem>> -> memref<2048xf32, #tpu.memory_space<vmem>>
        %dma_start3A_521 = arith.constant 0 : i32
        %dma_start3A_522 = tpu.memref_slice %arg12[%run_scoped3A, %arg1, %dma_start3A_521] : memref<16x16x2048xf32, #tpu.memory_space<vmem_shared>> -> memref<1x1x2048xf32, #tpu.memory_space<vmem_shared>>
        %dma_start3A_523 = tpu.memref_squeeze %dma_start3A_522 : memref<1x1x2048xf32, #tpu.memory_space<vmem_shared>> -> memref<2048xf32, #tpu.memory_space<vmem_shared>>
        %dma_start3A_524 = arith.constant 0 : i32
        %dma_start3A_525 = tpu.memref_slice %arg12[%run_scoped3A, %arg1, %dma_start3A_524] : memref<16x16x2048xf32, #tpu.memory_space<vmem_shared>> -> memref<1x1x2048xf32, #tpu.memory_space<vmem_shared>>
        %dma_start3A_526 = tpu.memref_squeeze %dma_start3A_525 : memref<1x1x2048xf32, #tpu.memory_space<vmem_shared>> -> memref<2048xf32, #tpu.memory_space<vmem_shared>>
        %dma_start3A_527 = arith.constant 0 : i32
        %dma_start3A_528 = tpu.memref_slice %arg7[%dma_start3A_527] : memref<32768xf32, #tpu.memory_space<vmem>> -> memref<2048xf32, #tpu.memory_space<vmem>>
        tpu.enqueue_dma source(%dma_start3A_528 : memref<2048xf32, #tpu.memory_space<vmem>>) target(%dma_start3A_526 : memref<2048xf32, #tpu.memory_space<vmem_shared>>) target_semaphore(%run_scoped3A_519 : memref<!tpu.dma_semaphore, #tpu.memory_space<semaphore_mem>>)
        %dma_wait3A = arith.constant 0 : i32
        %dma_wait3A_529 = tpu.memref_slice %arg7[%dma_wait3A] : memref<32768xf32, #tpu.memory_space<vmem>> -> memref<2048xf32, #tpu.memory_space<vmem>>
        %dma_wait3A_530 = arith.constant 0 : i32
        %dma_wait3A_531 = tpu.memref_slice %arg12[%run_scoped3A, %arg1, %dma_wait3A_530] : memref<16x16x2048xf32, #tpu.memory_space<vmem_shared>> -> memref<1x1x2048xf32, #tpu.memory_space<vmem_shared>>
        %dma_wait3A_532 = tpu.memref_squeeze %dma_wait3A_531 : memref<1x1x2048xf32, #tpu.memory_space<vmem_shared>> -> memref<2048xf32, #tpu.memory_space<vmem_shared>>
        %dma_wait3A_533 = arith.constant 0 : i32
        %dma_wait3A_534 = tpu.memref_slice %arg12[%run_scoped3A, %arg1, %dma_wait3A_533] : memref<16x16x2048xf32, #tpu.memory_space<vmem_shared>> -> memref<1x1x2048xf32, #tpu.memory_space<vmem_shared>>
        %dma_wait3A_535 = tpu.memref_squeeze %dma_wait3A_534 : memref<1x1x2048xf32, #tpu.memory_space<vmem_shared>> -> memref<2048xf32, #tpu.memory_space<vmem_shared>>
        %dma_wait3A_536 = arith.constant 0 : i32
        %dma_wait3A_537 = tpu.memref_slice %arg7[%dma_wait3A_536] : memref<32768xf32, #tpu.memory_space<vmem>> -> memref<2048xf32, #tpu.memory_space<vmem>>
        tpu.wait_dma2 semaphore(%run_scoped3A_519 : memref<!tpu.dma_semaphore, #tpu.memory_space<semaphore_mem>>) src(%dma_wait3A_537 : memref<2048xf32, #tpu.memory_space<vmem>>) dst(%dma_wait3A_535 : memref<2048xf32, #tpu.memory_space<vmem_shared>>)
        tpu.yield
      }) : () -> ()
    } else {
    }
    %lt3A_165 = arith.constant 512 : i32
    %lt3A_166 = arith.cmpi slt, %squeeze3A, %lt3A_165 : i32
    %ge3A_167 = arith.constant 256 : i32
    %ge3A_168 = arith.cmpi sge, %squeeze3A_19, %ge3A_167 : i32
    %and3A_169 = arith.andi %lt3A_166, %ge3A_168 : i1
    %convert_element_type3A_170 = arith.extui %and3A_169 : i1 to i32
    %cond3A_171 = arith.constant 0 : i32
    %cond3A_172 = arith.cmpi ne, %convert_element_type3A_170, %cond3A_171 : i32
    scf.if %cond3A_172 {
      %run_scoped3A = arith.constant 1 : i32
      "tpu.region"() ({
        %run_scoped3A_519 = tpu.sem_alloc : memref<!tpu.dma_semaphore, #tpu.memory_space<semaphore_mem>>
        %dma_start3A = arith.constant 2048 : i32
        %dma_start3A_520 = tpu.memref_slice %arg7[%dma_start3A] : memref<32768xf32, #tpu.memory_space<vmem>> -> memref<2048xf32, #tpu.memory_space<vmem>>
        %dma_start3A_521 = arith.constant 0 : i32
        %dma_start3A_522 = tpu.memref_slice %arg12[%run_scoped3A, %arg1, %dma_start3A_521] : memref<16x16x2048xf32, #tpu.memory_space<vmem_shared>> -> memref<1x1x2048xf32, #tpu.memory_space<vmem_shared>>
        %dma_start3A_523 = tpu.memref_squeeze %dma_start3A_522 : memref<1x1x2048xf32, #tpu.memory_space<vmem_shared>> -> memref<2048xf32, #tpu.memory_space<vmem_shared>>
        %dma_start3A_524 = arith.constant 0 : i32
        %dma_start3A_525 = tpu.memref_slice %arg12[%run_scoped3A, %arg1, %dma_start3A_524] : memref<16x16x2048xf32, #tpu.memory_space<vmem_shared>> -> memref<1x1x2048xf32, #tpu.memory_space<vmem_shared>>
        %dma_start3A_526 = tpu.memref_squeeze %dma_start3A_525 : memref<1x1x2048xf32, #tpu.memory_space<vmem_shared>> -> memref<2048xf32, #tpu.memory_space<vmem_shared>>
        %dma_start3A_527 = arith.constant 2048 : i32
        %dma_start3A_528 = tpu.memref_slice %arg7[%dma_start3A_527] : memref<32768xf32, #tpu.memory_space<vmem>> -> memref<2048xf32, #tpu.memory_space<vmem>>
        tpu.enqueue_dma source(%dma_start3A_528 : memref<2048xf32, #tpu.memory_space<vmem>>) target(%dma_start3A_526 : memref<2048xf32, #tpu.memory_space<vmem_shared>>) target_semaphore(%run_scoped3A_519 : memref<!tpu.dma_semaphore, #tpu.memory_space<semaphore_mem>>)
        %dma_wait3A = arith.constant 2048 : i32
        %dma_wait3A_529 = tpu.memref_slice %arg7[%dma_wait3A] : memref<32768xf32, #tpu.memory_space<vmem>> -> memref<2048xf32, #tpu.memory_space<vmem>>
        %dma_wait3A_530 = arith.constant 0 : i32
        %dma_wait3A_531 = tpu.memref_slice %arg12[%run_scoped3A, %arg1, %dma_wait3A_530] : memref<16x16x2048xf32, #tpu.memory_space<vmem_shared>> -> memref<1x1x2048xf32, #tpu.memory_space<vmem_shared>>
        %dma_wait3A_532 = tpu.memref_squeeze %dma_wait3A_531 : memref<1x1x2048xf32, #tpu.memory_space<vmem_shared>> -> memref<2048xf32, #tpu.memory_space<vmem_shared>>
        %dma_wait3A_533 = arith.constant 0 : i32
        %dma_wait3A_534 = tpu.memref_slice %arg12[%run_scoped3A, %arg1, %dma_wait3A_533] : memref<16x16x2048xf32, #tpu.memory_space<vmem_shared>> -> memref<1x1x2048xf32, #tpu.memory_space<vmem_shared>>
        %dma_wait3A_535 = tpu.memref_squeeze %dma_wait3A_534 : memref<1x1x2048xf32, #tpu.memory_space<vmem_shared>> -> memref<2048xf32, #tpu.memory_space<vmem_shared>>
        %dma_wait3A_536 = arith.constant 2048 : i32
        %dma_wait3A_537 = tpu.memref_slice %arg7[%dma_wait3A_536] : memref<32768xf32, #tpu.memory_space<vmem>> -> memref<2048xf32, #tpu.memory_space<vmem>>
        tpu.wait_dma2 semaphore(%run_scoped3A_519 : memref<!tpu.dma_semaphore, #tpu.memory_space<semaphore_mem>>) src(%dma_wait3A_537 : memref<2048xf32, #tpu.memory_space<vmem>>) dst(%dma_wait3A_535 : memref<2048xf32, #tpu.memory_space<vmem_shared>>)
        tpu.yield
      }) : () -> ()
    } else {
    }
    %lt3A_173 = arith.constant 768 : i32
    %lt3A_174 = arith.cmpi slt, %squeeze3A, %lt3A_173 : i32
    %ge3A_175 = arith.constant 512 : i32
    %ge3A_176 = arith.cmpi sge, %squeeze3A_19, %ge3A_175 : i32
    %and3A_177 = arith.andi %lt3A_174, %ge3A_176 : i1
    %convert_element_type3A_178 = arith.extui %and3A_177 : i1 to i32
    %cond3A_179 = arith.constant 0 : i32
    %cond3A_180 = arith.cmpi ne, %convert_element_type3A_178, %cond3A_179 : i32
    scf.if %cond3A_180 {
      %run_scoped3A = arith.constant 2 : i32
      "tpu.region"() ({
        %run_scoped3A_519 = tpu.sem_alloc : memref<!tpu.dma_semaphore, #tpu.memory_space<semaphore_mem>>
        %dma_start3A = arith.constant 4096 : i32
        %dma_start3A_520 = tpu.memref_slice %arg7[%dma_start3A] : memref<32768xf32, #tpu.memory_space<vmem>> -> memref<2048xf32, #tpu.memory_space<vmem>>
        %dma_start3A_521 = arith.constant 0 : i32
        %dma_start3A_522 = tpu.memref_slice %arg12[%run_scoped3A, %arg1, %dma_start3A_521] : memref<16x16x2048xf32, #tpu.memory_space<vmem_shared>> -> memref<1x1x2048xf32, #tpu.memory_space<vmem_shared>>
        %dma_start3A_523 = tpu.memref_squeeze %dma_start3A_522 : memref<1x1x2048xf32, #tpu.memory_space<vmem_shared>> -> memref<2048xf32, #tpu.memory_space<vmem_shared>>
        %dma_start3A_524 = arith.constant 0 : i32
        %dma_start3A_525 = tpu.memref_slice %arg12[%run_scoped3A, %arg1, %dma_start3A_524] : memref<16x16x2048xf32, #tpu.memory_space<vmem_shared>> -> memref<1x1x2048xf32, #tpu.memory_space<vmem_shared>>
        %dma_start3A_526 = tpu.memref_squeeze %dma_start3A_525 : memref<1x1x2048xf32, #tpu.memory_space<vmem_shared>> -> memref<2048xf32, #tpu.memory_space<vmem_shared>>
        %dma_start3A_527 = arith.constant 4096 : i32
        %dma_start3A_528 = tpu.memref_slice %arg7[%dma_start3A_527] : memref<32768xf32, #tpu.memory_space<vmem>> -> memref<2048xf32, #tpu.memory_space<vmem>>
        tpu.enqueue_dma source(%dma_start3A_528 : memref<2048xf32, #tpu.memory_space<vmem>>) target(%dma_start3A_526 : memref<2048xf32, #tpu.memory_space<vmem_shared>>) target_semaphore(%run_scoped3A_519 : memref<!tpu.dma_semaphore, #tpu.memory_space<semaphore_mem>>)
        %dma_wait3A = arith.constant 4096 : i32
        %dma_wait3A_529 = tpu.memref_slice %arg7[%dma_wait3A] : memref<32768xf32, #tpu.memory_space<vmem>> -> memref<2048xf32, #tpu.memory_space<vmem>>
        %dma_wait3A_530 = arith.constant 0 : i32
        %dma_wait3A_531 = tpu.memref_slice %arg12[%run_scoped3A, %arg1, %dma_wait3A_530] : memref<16x16x2048xf32, #tpu.memory_space<vmem_shared>> -> memref<1x1x2048xf32, #tpu.memory_space<vmem_shared>>
        %dma_wait3A_532 = tpu.memref_squeeze %dma_wait3A_531 : memref<1x1x2048xf32, #tpu.memory_space<vmem_shared>> -> memref<2048xf32, #tpu.memory_space<vmem_shared>>
        %dma_wait3A_533 = arith.constant 0 : i32
        %dma_wait3A_534 = tpu.memref_slice %arg12[%run_scoped3A, %arg1, %dma_wait3A_533] : memref<16x16x2048xf32, #tpu.memory_space<vmem_shared>> -> memref<1x1x2048xf32, #tpu.memory_space<vmem_shared>>
        %dma_wait3A_535 = tpu.memref_squeeze %dma_wait3A_534 : memref<1x1x2048xf32, #tpu.memory_space<vmem_shared>> -> memref<2048xf32, #tpu.memory_space<vmem_shared>>
        %dma_wait3A_536 = arith.constant 4096 : i32
        %dma_wait3A_537 = tpu.memref_slice %arg7[%dma_wait3A_536] : memref<32768xf32, #tpu.memory_space<vmem>> -> memref<2048xf32, #tpu.memory_space<vmem>>
        tpu.wait_dma2 semaphore(%run_scoped3A_519 : memref<!tpu.dma_semaphore, #tpu.memory_space<semaphore_mem>>) src(%dma_wait3A_537 : memref<2048xf32, #tpu.memory_space<vmem>>) dst(%dma_wait3A_535 : memref<2048xf32, #tpu.memory_space<vmem_shared>>)
        tpu.yield
      }) : () -> ()
    } else {
    }
    %lt3A_181 = arith.constant 1024 : i32
    %lt3A_182 = arith.cmpi slt, %squeeze3A, %lt3A_181 : i32
    %ge3A_183 = arith.constant 768 : i32
    %ge3A_184 = arith.cmpi sge, %squeeze3A_19, %ge3A_183 : i32
    %and3A_185 = arith.andi %lt3A_182, %ge3A_184 : i1
    %convert_element_type3A_186 = arith.extui %and3A_185 : i1 to i32
    %cond3A_187 = arith.constant 0 : i32
    %cond3A_188 = arith.cmpi ne, %convert_element_type3A_186, %cond3A_187 : i32
    scf.if %cond3A_188 {
      %run_scoped3A = arith.constant 3 : i32
      "tpu.region"() ({
        %run_scoped3A_519 = tpu.sem_alloc : memref<!tpu.dma_semaphore, #tpu.memory_space<semaphore_mem>>
        %dma_start3A = arith.constant 6144 : i32
        %dma_start3A_520 = tpu.memref_slice %arg7[%dma_start3A] : memref<32768xf32, #tpu.memory_space<vmem>> -> memref<2048xf32, #tpu.memory_space<vmem>>
        %dma_start3A_521 = arith.constant 0 : i32
        %dma_start3A_522 = tpu.memref_slice %arg12[%run_scoped3A, %arg1, %dma_start3A_521] : memref<16x16x2048xf32, #tpu.memory_space<vmem_shared>> -> memref<1x1x2048xf32, #tpu.memory_space<vmem_shared>>
        %dma_start3A_523 = tpu.memref_squeeze %dma_start3A_522 : memref<1x1x2048xf32, #tpu.memory_space<vmem_shared>> -> memref<2048xf32, #tpu.memory_space<vmem_shared>>
        %dma_start3A_524 = arith.constant 0 : i32
        %dma_start3A_525 = tpu.memref_slice %arg12[%run_scoped3A, %arg1, %dma_start3A_524] : memref<16x16x2048xf32, #tpu.memory_space<vmem_shared>> -> memref<1x1x2048xf32, #tpu.memory_space<vmem_shared>>
        %dma_start3A_526 = tpu.memref_squeeze %dma_start3A_525 : memref<1x1x2048xf32, #tpu.memory_space<vmem_shared>> -> memref<2048xf32, #tpu.memory_space<vmem_shared>>
        %dma_start3A_527 = arith.constant 6144 : i32
        %dma_start3A_528 = tpu.memref_slice %arg7[%dma_start3A_527] : memref<32768xf32, #tpu.memory_space<vmem>> -> memref<2048xf32, #tpu.memory_space<vmem>>
        tpu.enqueue_dma source(%dma_start3A_528 : memref<2048xf32, #tpu.memory_space<vmem>>) target(%dma_start3A_526 : memref<2048xf32, #tpu.memory_space<vmem_shared>>) target_semaphore(%run_scoped3A_519 : memref<!tpu.dma_semaphore, #tpu.memory_space<semaphore_mem>>)
        %dma_wait3A = arith.constant 6144 : i32
        %dma_wait3A_529 = tpu.memref_slice %arg7[%dma_wait3A] : memref<32768xf32, #tpu.memory_space<vmem>> -> memref<2048xf32, #tpu.memory_space<vmem>>
        %dma_wait3A_530 = arith.constant 0 : i32
        %dma_wait3A_531 = tpu.memref_slice %arg12[%run_scoped3A, %arg1, %dma_wait3A_530] : memref<16x16x2048xf32, #tpu.memory_space<vmem_shared>> -> memref<1x1x2048xf32, #tpu.memory_space<vmem_shared>>
        %dma_wait3A_532 = tpu.memref_squeeze %dma_wait3A_531 : memref<1x1x2048xf32, #tpu.memory_space<vmem_shared>> -> memref<2048xf32, #tpu.memory_space<vmem_shared>>
        %dma_wait3A_533 = arith.constant 0 : i32
        %dma_wait3A_534 = tpu.memref_slice %arg12[%run_scoped3A, %arg1, %dma_wait3A_533] : memref<16x16x2048xf32, #tpu.memory_space<vmem_shared>> -> memref<1x1x2048xf32, #tpu.memory_space<vmem_shared>>
        %dma_wait3A_535 = tpu.memref_squeeze %dma_wait3A_534 : memref<1x1x2048xf32, #tpu.memory_space<vmem_shared>> -> memref<2048xf32, #tpu.memory_space<vmem_shared>>
        %dma_wait3A_536 = arith.constant 6144 : i32
        %dma_wait3A_537 = tpu.memref_slice %arg7[%dma_wait3A_536] : memref<32768xf32, #tpu.memory_space<vmem>> -> memref<2048xf32, #tpu.memory_space<vmem>>
        tpu.wait_dma2 semaphore(%run_scoped3A_519 : memref<!tpu.dma_semaphore, #tpu.memory_space<semaphore_mem>>) src(%dma_wait3A_537 : memref<2048xf32, #tpu.memory_space<vmem>>) dst(%dma_wait3A_535 : memref<2048xf32, #tpu.memory_space<vmem_shared>>)
        tpu.yield
      }) : () -> ()
    } else {
    }
    %lt3A_189 = arith.constant 1280 : i32
    %lt3A_190 = arith.cmpi slt, %squeeze3A, %lt3A_189 : i32
    %ge3A_191 = arith.constant 1024 : i32
    %ge3A_192 = arith.cmpi sge, %squeeze3A_19, %ge3A_191 : i32
    %and3A_193 = arith.andi %lt3A_190, %ge3A_192 : i1
    %convert_element_type3A_194 = arith.extui %and3A_193 : i1 to i32
    %cond3A_195 = arith.constant 0 : i32
    %cond3A_196 = arith.cmpi ne, %convert_element_type3A_194, %cond3A_195 : i32
    scf.if %cond3A_196 {
      %run_scoped3A = arith.constant 4 : i32
      "tpu.region"() ({
        %run_scoped3A_519 = tpu.sem_alloc : memref<!tpu.dma_semaphore, #tpu.memory_space<semaphore_mem>>
        %dma_start3A = arith.constant 8192 : i32
        %dma_start3A_520 = tpu.memref_slice %arg7[%dma_start3A] : memref<32768xf32, #tpu.memory_space<vmem>> -> memref<2048xf32, #tpu.memory_space<vmem>>
        %dma_start3A_521 = arith.constant 0 : i32
        %dma_start3A_522 = tpu.memref_slice %arg12[%run_scoped3A, %arg1, %dma_start3A_521] : memref<16x16x2048xf32, #tpu.memory_space<vmem_shared>> -> memref<1x1x2048xf32, #tpu.memory_space<vmem_shared>>
        %dma_start3A_523 = tpu.memref_squeeze %dma_start3A_522 : memref<1x1x2048xf32, #tpu.memory_space<vmem_shared>> -> memref<2048xf32, #tpu.memory_space<vmem_shared>>
        %dma_start3A_524 = arith.constant 0 : i32
        %dma_start3A_525 = tpu.memref_slice %arg12[%run_scoped3A, %arg1, %dma_start3A_524] : memref<16x16x2048xf32, #tpu.memory_space<vmem_shared>> -> memref<1x1x2048xf32, #tpu.memory_space<vmem_shared>>
        %dma_start3A_526 = tpu.memref_squeeze %dma_start3A_525 : memref<1x1x2048xf32, #tpu.memory_space<vmem_shared>> -> memref<2048xf32, #tpu.memory_space<vmem_shared>>
        %dma_start3A_527 = arith.constant 8192 : i32
        %dma_start3A_528 = tpu.memref_slice %arg7[%dma_start3A_527] : memref<32768xf32, #tpu.memory_space<vmem>> -> memref<2048xf32, #tpu.memory_space<vmem>>
        tpu.enqueue_dma source(%dma_start3A_528 : memref<2048xf32, #tpu.memory_space<vmem>>) target(%dma_start3A_526 : memref<2048xf32, #tpu.memory_space<vmem_shared>>) target_semaphore(%run_scoped3A_519 : memref<!tpu.dma_semaphore, #tpu.memory_space<semaphore_mem>>)
        %dma_wait3A = arith.constant 8192 : i32
        %dma_wait3A_529 = tpu.memref_slice %arg7[%dma_wait3A] : memref<32768xf32, #tpu.memory_space<vmem>> -> memref<2048xf32, #tpu.memory_space<vmem>>
        %dma_wait3A_530 = arith.constant 0 : i32
        %dma_wait3A_531 = tpu.memref_slice %arg12[%run_scoped3A, %arg1, %dma_wait3A_530] : memref<16x16x2048xf32, #tpu.memory_space<vmem_shared>> -> memref<1x1x2048xf32, #tpu.memory_space<vmem_shared>>
        %dma_wait3A_532 = tpu.memref_squeeze %dma_wait3A_531 : memref<1x1x2048xf32, #tpu.memory_space<vmem_shared>> -> memref<2048xf32, #tpu.memory_space<vmem_shared>>
        %dma_wait3A_533 = arith.constant 0 : i32
        %dma_wait3A_534 = tpu.memref_slice %arg12[%run_scoped3A, %arg1, %dma_wait3A_533] : memref<16x16x2048xf32, #tpu.memory_space<vmem_shared>> -> memref<1x1x2048xf32, #tpu.memory_space<vmem_shared>>
        %dma_wait3A_535 = tpu.memref_squeeze %dma_wait3A_534 : memref<1x1x2048xf32, #tpu.memory_space<vmem_shared>> -> memref<2048xf32, #tpu.memory_space<vmem_shared>>
        %dma_wait3A_536 = arith.constant 8192 : i32
        %dma_wait3A_537 = tpu.memref_slice %arg7[%dma_wait3A_536] : memref<32768xf32, #tpu.memory_space<vmem>> -> memref<2048xf32, #tpu.memory_space<vmem>>
        tpu.wait_dma2 semaphore(%run_scoped3A_519 : memref<!tpu.dma_semaphore, #tpu.memory_space<semaphore_mem>>) src(%dma_wait3A_537 : memref<2048xf32, #tpu.memory_space<vmem>>) dst(%dma_wait3A_535 : memref<2048xf32, #tpu.memory_space<vmem_shared>>)
        tpu.yield
      }) : () -> ()
    } else {
    }
    %lt3A_197 = arith.constant 1536 : i32
    %lt3A_198 = arith.cmpi slt, %squeeze3A, %lt3A_197 : i32
    %ge3A_199 = arith.constant 1280 : i32
    %ge3A_200 = arith.cmpi sge, %squeeze3A_19, %ge3A_199 : i32
    %and3A_201 = arith.andi %lt3A_198, %ge3A_200 : i1
    %convert_element_type3A_202 = arith.extui %and3A_201 : i1 to i32
    %cond3A_203 = arith.constant 0 : i32
    %cond3A_204 = arith.cmpi ne, %convert_element_type3A_202, %cond3A_203 : i32
    scf.if %cond3A_204 {
      %run_scoped3A = arith.constant 5 : i32
      "tpu.region"() ({
        %run_scoped3A_519 = tpu.sem_alloc : memref<!tpu.dma_semaphore, #tpu.memory_space<semaphore_mem>>
        %dma_start3A = arith.constant 10240 : i32
        %dma_start3A_520 = tpu.memref_slice %arg7[%dma_start3A] : memref<32768xf32, #tpu.memory_space<vmem>> -> memref<2048xf32, #tpu.memory_space<vmem>>
        %dma_start3A_521 = arith.constant 0 : i32
        %dma_start3A_522 = tpu.memref_slice %arg12[%run_scoped3A, %arg1, %dma_start3A_521] : memref<16x16x2048xf32, #tpu.memory_space<vmem_shared>> -> memref<1x1x2048xf32, #tpu.memory_space<vmem_shared>>
        %dma_start3A_523 = tpu.memref_squeeze %dma_start3A_522 : memref<1x1x2048xf32, #tpu.memory_space<vmem_shared>> -> memref<2048xf32, #tpu.memory_space<vmem_shared>>
        %dma_start3A_524 = arith.constant 0 : i32
        %dma_start3A_525 = tpu.memref_slice %arg12[%run_scoped3A, %arg1, %dma_start3A_524] : memref<16x16x2048xf32, #tpu.memory_space<vmem_shared>> -> memref<1x1x2048xf32, #tpu.memory_space<vmem_shared>>
        %dma_start3A_526 = tpu.memref_squeeze %dma_start3A_525 : memref<1x1x2048xf32, #tpu.memory_space<vmem_shared>> -> memref<2048xf32, #tpu.memory_space<vmem_shared>>
        %dma_start3A_527 = arith.constant 10240 : i32
        %dma_start3A_528 = tpu.memref_slice %arg7[%dma_start3A_527] : memref<32768xf32, #tpu.memory_space<vmem>> -> memref<2048xf32, #tpu.memory_space<vmem>>
        tpu.enqueue_dma source(%dma_start3A_528 : memref<2048xf32, #tpu.memory_space<vmem>>) target(%dma_start3A_526 : memref<2048xf32, #tpu.memory_space<vmem_shared>>) target_semaphore(%run_scoped3A_519 : memref<!tpu.dma_semaphore, #tpu.memory_space<semaphore_mem>>)
        %dma_wait3A = arith.constant 10240 : i32
        %dma_wait3A_529 = tpu.memref_slice %arg7[%dma_wait3A] : memref<32768xf32, #tpu.memory_space<vmem>> -> memref<2048xf32, #tpu.memory_space<vmem>>
        %dma_wait3A_530 = arith.constant 0 : i32
        %dma_wait3A_531 = tpu.memref_slice %arg12[%run_scoped3A, %arg1, %dma_wait3A_530] : memref<16x16x2048xf32, #tpu.memory_space<vmem_shared>> -> memref<1x1x2048xf32, #tpu.memory_space<vmem_shared>>
        %dma_wait3A_532 = tpu.memref_squeeze %dma_wait3A_531 : memref<1x1x2048xf32, #tpu.memory_space<vmem_shared>> -> memref<2048xf32, #tpu.memory_space<vmem_shared>>
        %dma_wait3A_533 = arith.constant 0 : i32
        %dma_wait3A_534 = tpu.memref_slice %arg12[%run_scoped3A, %arg1, %dma_wait3A_533] : memref<16x16x2048xf32, #tpu.memory_space<vmem_shared>> -> memref<1x1x2048xf32, #tpu.memory_space<vmem_shared>>
        %dma_wait3A_535 = tpu.memref_squeeze %dma_wait3A_534 : memref<1x1x2048xf32, #tpu.memory_space<vmem_shared>> -> memref<2048xf32, #tpu.memory_space<vmem_shared>>
        %dma_wait3A_536 = arith.constant 10240 : i32
        %dma_wait3A_537 = tpu.memref_slice %arg7[%dma_wait3A_536] : memref<32768xf32, #tpu.memory_space<vmem>> -> memref<2048xf32, #tpu.memory_space<vmem>>
        tpu.wait_dma2 semaphore(%run_scoped3A_519 : memref<!tpu.dma_semaphore, #tpu.memory_space<semaphore_mem>>) src(%dma_wait3A_537 : memref<2048xf32, #tpu.memory_space<vmem>>) dst(%dma_wait3A_535 : memref<2048xf32, #tpu.memory_space<vmem_shared>>)
        tpu.yield
      }) : () -> ()
    } else {
    }
    %lt3A_205 = arith.constant 1792 : i32
    %lt3A_206 = arith.cmpi slt, %squeeze3A, %lt3A_205 : i32
    %ge3A_207 = arith.constant 1536 : i32
    %ge3A_208 = arith.cmpi sge, %squeeze3A_19, %ge3A_207 : i32
    %and3A_209 = arith.andi %lt3A_206, %ge3A_208 : i1
    %convert_element_type3A_210 = arith.extui %and3A_209 : i1 to i32
    %cond3A_211 = arith.constant 0 : i32
    %cond3A_212 = arith.cmpi ne, %convert_element_type3A_210, %cond3A_211 : i32
    scf.if %cond3A_212 {
      %run_scoped3A = arith.constant 6 : i32
      "tpu.region"() ({
        %run_scoped3A_519 = tpu.sem_alloc : memref<!tpu.dma_semaphore, #tpu.memory_space<semaphore_mem>>
        %dma_start3A = arith.constant 12288 : i32
        %dma_start3A_520 = tpu.memref_slice %arg7[%dma_start3A] : memref<32768xf32, #tpu.memory_space<vmem>> -> memref<2048xf32, #tpu.memory_space<vmem>>
        %dma_start3A_521 = arith.constant 0 : i32
        %dma_start3A_522 = tpu.memref_slice %arg12[%run_scoped3A, %arg1, %dma_start3A_521] : memref<16x16x2048xf32, #tpu.memory_space<vmem_shared>> -> memref<1x1x2048xf32, #tpu.memory_space<vmem_shared>>
        %dma_start3A_523 = tpu.memref_squeeze %dma_start3A_522 : memref<1x1x2048xf32, #tpu.memory_space<vmem_shared>> -> memref<2048xf32, #tpu.memory_space<vmem_shared>>
        %dma_start3A_524 = arith.constant 0 : i32
        %dma_start3A_525 = tpu.memref_slice %arg12[%run_scoped3A, %arg1, %dma_start3A_524] : memref<16x16x2048xf32, #tpu.memory_space<vmem_shared>> -> memref<1x1x2048xf32, #tpu.memory_space<vmem_shared>>
        %dma_start3A_526 = tpu.memref_squeeze %dma_start3A_525 : memref<1x1x2048xf32, #tpu.memory_space<vmem_shared>> -> memref<2048xf32, #tpu.memory_space<vmem_shared>>
        %dma_start3A_527 = arith.constant 12288 : i32
        %dma_start3A_528 = tpu.memref_slice %arg7[%dma_start3A_527] : memref<32768xf32, #tpu.memory_space<vmem>> -> memref<2048xf32, #tpu.memory_space<vmem>>
        tpu.enqueue_dma source(%dma_start3A_528 : memref<2048xf32, #tpu.memory_space<vmem>>) target(%dma_start3A_526 : memref<2048xf32, #tpu.memory_space<vmem_shared>>) target_semaphore(%run_scoped3A_519 : memref<!tpu.dma_semaphore, #tpu.memory_space<semaphore_mem>>)
        %dma_wait3A = arith.constant 12288 : i32
        %dma_wait3A_529 = tpu.memref_slice %arg7[%dma_wait3A] : memref<32768xf32, #tpu.memory_space<vmem>> -> memref<2048xf32, #tpu.memory_space<vmem>>
        %dma_wait3A_530 = arith.constant 0 : i32
        %dma_wait3A_531 = tpu.memref_slice %arg12[%run_scoped3A, %arg1, %dma_wait3A_530] : memref<16x16x2048xf32, #tpu.memory_space<vmem_shared>> -> memref<1x1x2048xf32, #tpu.memory_space<vmem_shared>>
        %dma_wait3A_532 = tpu.memref_squeeze %dma_wait3A_531 : memref<1x1x2048xf32, #tpu.memory_space<vmem_shared>> -> memref<2048xf32, #tpu.memory_space<vmem_shared>>
        %dma_wait3A_533 = arith.constant 0 : i32
        %dma_wait3A_534 = tpu.memref_slice %arg12[%run_scoped3A, %arg1, %dma_wait3A_533] : memref<16x16x2048xf32, #tpu.memory_space<vmem_shared>> -> memref<1x1x2048xf32, #tpu.memory_space<vmem_shared>>
        %dma_wait3A_535 = tpu.memref_squeeze %dma_wait3A_534 : memref<1x1x2048xf32, #tpu.memory_space<vmem_shared>> -> memref<2048xf32, #tpu.memory_space<vmem_shared>>
        %dma_wait3A_536 = arith.constant 12288 : i32
        %dma_wait3A_537 = tpu.memref_slice %arg7[%dma_wait3A_536] : memref<32768xf32, #tpu.memory_space<vmem>> -> memref<2048xf32, #tpu.memory_space<vmem>>
        tpu.wait_dma2 semaphore(%run_scoped3A_519 : memref<!tpu.dma_semaphore, #tpu.memory_space<semaphore_mem>>) src(%dma_wait3A_537 : memref<2048xf32, #tpu.memory_space<vmem>>) dst(%dma_wait3A_535 : memref<2048xf32, #tpu.memory_space<vmem_shared>>)
        tpu.yield
      }) : () -> ()
    } else {
    }
    %lt3A_213 = arith.constant 2048 : i32
    %lt3A_214 = arith.cmpi slt, %squeeze3A, %lt3A_213 : i32
    %ge3A_215 = arith.constant 1792 : i32
    %ge3A_216 = arith.cmpi sge, %squeeze3A_19, %ge3A_215 : i32
    %and3A_217 = arith.andi %lt3A_214, %ge3A_216 : i1
    %convert_element_type3A_218 = arith.extui %and3A_217 : i1 to i32
    %cond3A_219 = arith.constant 0 : i32
    %cond3A_220 = arith.cmpi ne, %convert_element_type3A_218, %cond3A_219 : i32
    scf.if %cond3A_220 {
      %run_scoped3A = arith.constant 7 : i32
      "tpu.region"() ({
        %run_scoped3A_519 = tpu.sem_alloc : memref<!tpu.dma_semaphore, #tpu.memory_space<semaphore_mem>>
        %dma_start3A = arith.constant 14336 : i32
        %dma_start3A_520 = tpu.memref_slice %arg7[%dma_start3A] : memref<32768xf32, #tpu.memory_space<vmem>> -> memref<2048xf32, #tpu.memory_space<vmem>>
        %dma_start3A_521 = arith.constant 0 : i32
        %dma_start3A_522 = tpu.memref_slice %arg12[%run_scoped3A, %arg1, %dma_start3A_521] : memref<16x16x2048xf32, #tpu.memory_space<vmem_shared>> -> memref<1x1x2048xf32, #tpu.memory_space<vmem_shared>>
        %dma_start3A_523 = tpu.memref_squeeze %dma_start3A_522 : memref<1x1x2048xf32, #tpu.memory_space<vmem_shared>> -> memref<2048xf32, #tpu.memory_space<vmem_shared>>
        %dma_start3A_524 = arith.constant 0 : i32
        %dma_start3A_525 = tpu.memref_slice %arg12[%run_scoped3A, %arg1, %dma_start3A_524] : memref<16x16x2048xf32, #tpu.memory_space<vmem_shared>> -> memref<1x1x2048xf32, #tpu.memory_space<vmem_shared>>
        %dma_start3A_526 = tpu.memref_squeeze %dma_start3A_525 : memref<1x1x2048xf32, #tpu.memory_space<vmem_shared>> -> memref<2048xf32, #tpu.memory_space<vmem_shared>>
        %dma_start3A_527 = arith.constant 14336 : i32
        %dma_start3A_528 = tpu.memref_slice %arg7[%dma_start3A_527] : memref<32768xf32, #tpu.memory_space<vmem>> -> memref<2048xf32, #tpu.memory_space<vmem>>
        tpu.enqueue_dma source(%dma_start3A_528 : memref<2048xf32, #tpu.memory_space<vmem>>) target(%dma_start3A_526 : memref<2048xf32, #tpu.memory_space<vmem_shared>>) target_semaphore(%run_scoped3A_519 : memref<!tpu.dma_semaphore, #tpu.memory_space<semaphore_mem>>)
        %dma_wait3A = arith.constant 14336 : i32
        %dma_wait3A_529 = tpu.memref_slice %arg7[%dma_wait3A] : memref<32768xf32, #tpu.memory_space<vmem>> -> memref<2048xf32, #tpu.memory_space<vmem>>
        %dma_wait3A_530 = arith.constant 0 : i32
        %dma_wait3A_531 = tpu.memref_slice %arg12[%run_scoped3A, %arg1, %dma_wait3A_530] : memref<16x16x2048xf32, #tpu.memory_space<vmem_shared>> -> memref<1x1x2048xf32, #tpu.memory_space<vmem_shared>>
        %dma_wait3A_532 = tpu.memref_squeeze %dma_wait3A_531 : memref<1x1x2048xf32, #tpu.memory_space<vmem_shared>> -> memref<2048xf32, #tpu.memory_space<vmem_shared>>
        %dma_wait3A_533 = arith.constant 0 : i32
        %dma_wait3A_534 = tpu.memref_slice %arg12[%run_scoped3A, %arg1, %dma_wait3A_533] : memref<16x16x2048xf32, #tpu.memory_space<vmem_shared>> -> memref<1x1x2048xf32, #tpu.memory_space<vmem_shared>>
        %dma_wait3A_535 = tpu.memref_squeeze %dma_wait3A_534 : memref<1x1x2048xf32, #tpu.memory_space<vmem_shared>> -> memref<2048xf32, #tpu.memory_space<vmem_shared>>
        %dma_wait3A_536 = arith.constant 14336 : i32
        %dma_wait3A_537 = tpu.memref_slice %arg7[%dma_wait3A_536] : memref<32768xf32, #tpu.memory_space<vmem>> -> memref<2048xf32, #tpu.memory_space<vmem>>
        tpu.wait_dma2 semaphore(%run_scoped3A_519 : memref<!tpu.dma_semaphore, #tpu.memory_space<semaphore_mem>>) src(%dma_wait3A_537 : memref<2048xf32, #tpu.memory_space<vmem>>) dst(%dma_wait3A_535 : memref<2048xf32, #tpu.memory_space<vmem_shared>>)
        tpu.yield
      }) : () -> ()
    } else {
    }
    %lt3A_221 = arith.constant 2304 : i32
    %lt3A_222 = arith.cmpi slt, %squeeze3A, %lt3A_221 : i32
    %ge3A_223 = arith.constant 2048 : i32
    %ge3A_224 = arith.cmpi sge, %squeeze3A_19, %ge3A_223 : i32
    %and3A_225 = arith.andi %lt3A_222, %ge3A_224 : i1
    %convert_element_type3A_226 = arith.extui %and3A_225 : i1 to i32
    %cond3A_227 = arith.constant 0 : i32
    %cond3A_228 = arith.cmpi ne, %convert_element_type3A_226, %cond3A_227 : i32
    scf.if %cond3A_228 {
      %run_scoped3A = arith.constant 8 : i32
      "tpu.region"() ({
        %run_scoped3A_519 = tpu.sem_alloc : memref<!tpu.dma_semaphore, #tpu.memory_space<semaphore_mem>>
        %dma_start3A = arith.constant 16384 : i32
        %dma_start3A_520 = tpu.memref_slice %arg7[%dma_start3A] : memref<32768xf32, #tpu.memory_space<vmem>> -> memref<2048xf32, #tpu.memory_space<vmem>>
        %dma_start3A_521 = arith.constant 0 : i32
        %dma_start3A_522 = tpu.memref_slice %arg12[%run_scoped3A, %arg1, %dma_start3A_521] : memref<16x16x2048xf32, #tpu.memory_space<vmem_shared>> -> memref<1x1x2048xf32, #tpu.memory_space<vmem_shared>>
        %dma_start3A_523 = tpu.memref_squeeze %dma_start3A_522 : memref<1x1x2048xf32, #tpu.memory_space<vmem_shared>> -> memref<2048xf32, #tpu.memory_space<vmem_shared>>
        %dma_start3A_524 = arith.constant 0 : i32
        %dma_start3A_525 = tpu.memref_slice %arg12[%run_scoped3A, %arg1, %dma_start3A_524] : memref<16x16x2048xf32, #tpu.memory_space<vmem_shared>> -> memref<1x1x2048xf32, #tpu.memory_space<vmem_shared>>
        %dma_start3A_526 = tpu.memref_squeeze %dma_start3A_525 : memref<1x1x2048xf32, #tpu.memory_space<vmem_shared>> -> memref<2048xf32, #tpu.memory_space<vmem_shared>>
        %dma_start3A_527 = arith.constant 16384 : i32
        %dma_start3A_528 = tpu.memref_slice %arg7[%dma_start3A_527] : memref<32768xf32, #tpu.memory_space<vmem>> -> memref<2048xf32, #tpu.memory_space<vmem>>
        tpu.enqueue_dma source(%dma_start3A_528 : memref<2048xf32, #tpu.memory_space<vmem>>) target(%dma_start3A_526 : memref<2048xf32, #tpu.memory_space<vmem_shared>>) target_semaphore(%run_scoped3A_519 : memref<!tpu.dma_semaphore, #tpu.memory_space<semaphore_mem>>)
        %dma_wait3A = arith.constant 16384 : i32
        %dma_wait3A_529 = tpu.memref_slice %arg7[%dma_wait3A] : memref<32768xf32, #tpu.memory_space<vmem>> -> memref<2048xf32, #tpu.memory_space<vmem>>
        %dma_wait3A_530 = arith.constant 0 : i32
        %dma_wait3A_531 = tpu.memref_slice %arg12[%run_scoped3A, %arg1, %dma_wait3A_530] : memref<16x16x2048xf32, #tpu.memory_space<vmem_shared>> -> memref<1x1x2048xf32, #tpu.memory_space<vmem_shared>>
        %dma_wait3A_532 = tpu.memref_squeeze %dma_wait3A_531 : memref<1x1x2048xf32, #tpu.memory_space<vmem_shared>> -> memref<2048xf32, #tpu.memory_space<vmem_shared>>
        %dma_wait3A_533 = arith.constant 0 : i32
        %dma_wait3A_534 = tpu.memref_slice %arg12[%run_scoped3A, %arg1, %dma_wait3A_533] : memref<16x16x2048xf32, #tpu.memory_space<vmem_shared>> -> memref<1x1x2048xf32, #tpu.memory_space<vmem_shared>>
        %dma_wait3A_535 = tpu.memref_squeeze %dma_wait3A_534 : memref<1x1x2048xf32, #tpu.memory_space<vmem_shared>> -> memref<2048xf32, #tpu.memory_space<vmem_shared>>
        %dma_wait3A_536 = arith.constant 16384 : i32
        %dma_wait3A_537 = tpu.memref_slice %arg7[%dma_wait3A_536] : memref<32768xf32, #tpu.memory_space<vmem>> -> memref<2048xf32, #tpu.memory_space<vmem>>
        tpu.wait_dma2 semaphore(%run_scoped3A_519 : memref<!tpu.dma_semaphore, #tpu.memory_space<semaphore_mem>>) src(%dma_wait3A_537 : memref<2048xf32, #tpu.memory_space<vmem>>) dst(%dma_wait3A_535 : memref<2048xf32, #tpu.memory_space<vmem_shared>>)
        tpu.yield
      }) : () -> ()
    } else {
    }
    %lt3A_229 = arith.constant 2560 : i32
    %lt3A_230 = arith.cmpi slt, %squeeze3A, %lt3A_229 : i32
    %ge3A_231 = arith.constant 2304 : i32
    %ge3A_232 = arith.cmpi sge, %squeeze3A_19, %ge3A_231 : i32
    %and3A_233 = arith.andi %lt3A_230, %ge3A_232 : i1
    %convert_element_type3A_234 = arith.extui %and3A_233 : i1 to i32
    %cond3A_235 = arith.constant 0 : i32
    %cond3A_236 = arith.cmpi ne, %convert_element_type3A_234, %cond3A_235 : i32
    scf.if %cond3A_236 {
      %run_scoped3A = arith.constant 9 : i32
      "tpu.region"() ({
        %run_scoped3A_519 = tpu.sem_alloc : memref<!tpu.dma_semaphore, #tpu.memory_space<semaphore_mem>>
        %dma_start3A = arith.constant 18432 : i32
        %dma_start3A_520 = tpu.memref_slice %arg7[%dma_start3A] : memref<32768xf32, #tpu.memory_space<vmem>> -> memref<2048xf32, #tpu.memory_space<vmem>>
        %dma_start3A_521 = arith.constant 0 : i32
        %dma_start3A_522 = tpu.memref_slice %arg12[%run_scoped3A, %arg1, %dma_start3A_521] : memref<16x16x2048xf32, #tpu.memory_space<vmem_shared>> -> memref<1x1x2048xf32, #tpu.memory_space<vmem_shared>>
        %dma_start3A_523 = tpu.memref_squeeze %dma_start3A_522 : memref<1x1x2048xf32, #tpu.memory_space<vmem_shared>> -> memref<2048xf32, #tpu.memory_space<vmem_shared>>
        %dma_start3A_524 = arith.constant 0 : i32
        %dma_start3A_525 = tpu.memref_slice %arg12[%run_scoped3A, %arg1, %dma_start3A_524] : memref<16x16x2048xf32, #tpu.memory_space<vmem_shared>> -> memref<1x1x2048xf32, #tpu.memory_space<vmem_shared>>
        %dma_start3A_526 = tpu.memref_squeeze %dma_start3A_525 : memref<1x1x2048xf32, #tpu.memory_space<vmem_shared>> -> memref<2048xf32, #tpu.memory_space<vmem_shared>>
        %dma_start3A_527 = arith.constant 18432 : i32
        %dma_start3A_528 = tpu.memref_slice %arg7[%dma_start3A_527] : memref<32768xf32, #tpu.memory_space<vmem>> -> memref<2048xf32, #tpu.memory_space<vmem>>
        tpu.enqueue_dma source(%dma_start3A_528 : memref<2048xf32, #tpu.memory_space<vmem>>) target(%dma_start3A_526 : memref<2048xf32, #tpu.memory_space<vmem_shared>>) target_semaphore(%run_scoped3A_519 : memref<!tpu.dma_semaphore, #tpu.memory_space<semaphore_mem>>)
        %dma_wait3A = arith.constant 18432 : i32
        %dma_wait3A_529 = tpu.memref_slice %arg7[%dma_wait3A] : memref<32768xf32, #tpu.memory_space<vmem>> -> memref<2048xf32, #tpu.memory_space<vmem>>
        %dma_wait3A_530 = arith.constant 0 : i32
        %dma_wait3A_531 = tpu.memref_slice %arg12[%run_scoped3A, %arg1, %dma_wait3A_530] : memref<16x16x2048xf32, #tpu.memory_space<vmem_shared>> -> memref<1x1x2048xf32, #tpu.memory_space<vmem_shared>>
        %dma_wait3A_532 = tpu.memref_squeeze %dma_wait3A_531 : memref<1x1x2048xf32, #tpu.memory_space<vmem_shared>> -> memref<2048xf32, #tpu.memory_space<vmem_shared>>
        %dma_wait3A_533 = arith.constant 0 : i32
        %dma_wait3A_534 = tpu.memref_slice %arg12[%run_scoped3A, %arg1, %dma_wait3A_533] : memref<16x16x2048xf32, #tpu.memory_space<vmem_shared>> -> memref<1x1x2048xf32, #tpu.memory_space<vmem_shared>>
        %dma_wait3A_535 = tpu.memref_squeeze %dma_wait3A_534 : memref<1x1x2048xf32, #tpu.memory_space<vmem_shared>> -> memref<2048xf32, #tpu.memory_space<vmem_shared>>
        %dma_wait3A_536 = arith.constant 18432 : i32
        %dma_wait3A_537 = tpu.memref_slice %arg7[%dma_wait3A_536] : memref<32768xf32, #tpu.memory_space<vmem>> -> memref<2048xf32, #tpu.memory_space<vmem>>
        tpu.wait_dma2 semaphore(%run_scoped3A_519 : memref<!tpu.dma_semaphore, #tpu.memory_space<semaphore_mem>>) src(%dma_wait3A_537 : memref<2048xf32, #tpu.memory_space<vmem>>) dst(%dma_wait3A_535 : memref<2048xf32, #tpu.memory_space<vmem_shared>>)
        tpu.yield
      }) : () -> ()
    } else {
    }
    %lt3A_237 = arith.constant 2816 : i32
    %lt3A_238 = arith.cmpi slt, %squeeze3A, %lt3A_237 : i32
    %ge3A_239 = arith.constant 2560 : i32
    %ge3A_240 = arith.cmpi sge, %squeeze3A_19, %ge3A_239 : i32
    %and3A_241 = arith.andi %lt3A_238, %ge3A_240 : i1
    %convert_element_type3A_242 = arith.extui %and3A_241 : i1 to i32
    %cond3A_243 = arith.constant 0 : i32
    %cond3A_244 = arith.cmpi ne, %convert_element_type3A_242, %cond3A_243 : i32
    scf.if %cond3A_244 {
      %run_scoped3A = arith.constant 10 : i32
      "tpu.region"() ({
        %run_scoped3A_519 = tpu.sem_alloc : memref<!tpu.dma_semaphore, #tpu.memory_space<semaphore_mem>>
        %dma_start3A = arith.constant 20480 : i32
        %dma_start3A_520 = tpu.memref_slice %arg7[%dma_start3A] : memref<32768xf32, #tpu.memory_space<vmem>> -> memref<2048xf32, #tpu.memory_space<vmem>>
        %dma_start3A_521 = arith.constant 0 : i32
        %dma_start3A_522 = tpu.memref_slice %arg12[%run_scoped3A, %arg1, %dma_start3A_521] : memref<16x16x2048xf32, #tpu.memory_space<vmem_shared>> -> memref<1x1x2048xf32, #tpu.memory_space<vmem_shared>>
        %dma_start3A_523 = tpu.memref_squeeze %dma_start3A_522 : memref<1x1x2048xf32, #tpu.memory_space<vmem_shared>> -> memref<2048xf32, #tpu.memory_space<vmem_shared>>
        %dma_start3A_524 = arith.constant 0 : i32
        %dma_start3A_525 = tpu.memref_slice %arg12[%run_scoped3A, %arg1, %dma_start3A_524] : memref<16x16x2048xf32, #tpu.memory_space<vmem_shared>> -> memref<1x1x2048xf32, #tpu.memory_space<vmem_shared>>
        %dma_start3A_526 = tpu.memref_squeeze %dma_start3A_525 : memref<1x1x2048xf32, #tpu.memory_space<vmem_shared>> -> memref<2048xf32, #tpu.memory_space<vmem_shared>>
        %dma_start3A_527 = arith.constant 20480 : i32
        %dma_start3A_528 = tpu.memref_slice %arg7[%dma_start3A_527] : memref<32768xf32, #tpu.memory_space<vmem>> -> memref<2048xf32, #tpu.memory_space<vmem>>
        tpu.enqueue_dma source(%dma_start3A_528 : memref<2048xf32, #tpu.memory_space<vmem>>) target(%dma_start3A_526 : memref<2048xf32, #tpu.memory_space<vmem_shared>>) target_semaphore(%run_scoped3A_519 : memref<!tpu.dma_semaphore, #tpu.memory_space<semaphore_mem>>)
        %dma_wait3A = arith.constant 20480 : i32
        %dma_wait3A_529 = tpu.memref_slice %arg7[%dma_wait3A] : memref<32768xf32, #tpu.memory_space<vmem>> -> memref<2048xf32, #tpu.memory_space<vmem>>
        %dma_wait3A_530 = arith.constant 0 : i32
        %dma_wait3A_531 = tpu.memref_slice %arg12[%run_scoped3A, %arg1, %dma_wait3A_530] : memref<16x16x2048xf32, #tpu.memory_space<vmem_shared>> -> memref<1x1x2048xf32, #tpu.memory_space<vmem_shared>>
        %dma_wait3A_532 = tpu.memref_squeeze %dma_wait3A_531 : memref<1x1x2048xf32, #tpu.memory_space<vmem_shared>> -> memref<2048xf32, #tpu.memory_space<vmem_shared>>
        %dma_wait3A_533 = arith.constant 0 : i32
        %dma_wait3A_534 = tpu.memref_slice %arg12[%run_scoped3A, %arg1, %dma_wait3A_533] : memref<16x16x2048xf32, #tpu.memory_space<vmem_shared>> -> memref<1x1x2048xf32, #tpu.memory_space<vmem_shared>>
        %dma_wait3A_535 = tpu.memref_squeeze %dma_wait3A_534 : memref<1x1x2048xf32, #tpu.memory_space<vmem_shared>> -> memref<2048xf32, #tpu.memory_space<vmem_shared>>
        %dma_wait3A_536 = arith.constant 20480 : i32
        %dma_wait3A_537 = tpu.memref_slice %arg7[%dma_wait3A_536] : memref<32768xf32, #tpu.memory_space<vmem>> -> memref<2048xf32, #tpu.memory_space<vmem>>
        tpu.wait_dma2 semaphore(%run_scoped3A_519 : memref<!tpu.dma_semaphore, #tpu.memory_space<semaphore_mem>>) src(%dma_wait3A_537 : memref<2048xf32, #tpu.memory_space<vmem>>) dst(%dma_wait3A_535 : memref<2048xf32, #tpu.memory_space<vmem_shared>>)
        tpu.yield
      }) : () -> ()
    } else {
    }
    %lt3A_245 = arith.constant 3072 : i32
    %lt3A_246 = arith.cmpi slt, %squeeze3A, %lt3A_245 : i32
    %ge3A_247 = arith.constant 2816 : i32
    %ge3A_248 = arith.cmpi sge, %squeeze3A_19, %ge3A_247 : i32
    %and3A_249 = arith.andi %lt3A_246, %ge3A_248 : i1
    %convert_element_type3A_250 = arith.extui %and3A_249 : i1 to i32
    %cond3A_251 = arith.constant 0 : i32
    %cond3A_252 = arith.cmpi ne, %convert_element_type3A_250, %cond3A_251 : i32
    scf.if %cond3A_252 {
      %run_scoped3A = arith.constant 11 : i32
      "tpu.region"() ({
        %run_scoped3A_519 = tpu.sem_alloc : memref<!tpu.dma_semaphore, #tpu.memory_space<semaphore_mem>>
        %dma_start3A = arith.constant 22528 : i32
        %dma_start3A_520 = tpu.memref_slice %arg7[%dma_start3A] : memref<32768xf32, #tpu.memory_space<vmem>> -> memref<2048xf32, #tpu.memory_space<vmem>>
        %dma_start3A_521 = arith.constant 0 : i32
        %dma_start3A_522 = tpu.memref_slice %arg12[%run_scoped3A, %arg1, %dma_start3A_521] : memref<16x16x2048xf32, #tpu.memory_space<vmem_shared>> -> memref<1x1x2048xf32, #tpu.memory_space<vmem_shared>>
        %dma_start3A_523 = tpu.memref_squeeze %dma_start3A_522 : memref<1x1x2048xf32, #tpu.memory_space<vmem_shared>> -> memref<2048xf32, #tpu.memory_space<vmem_shared>>
        %dma_start3A_524 = arith.constant 0 : i32
        %dma_start3A_525 = tpu.memref_slice %arg12[%run_scoped3A, %arg1, %dma_start3A_524] : memref<16x16x2048xf32, #tpu.memory_space<vmem_shared>> -> memref<1x1x2048xf32, #tpu.memory_space<vmem_shared>>
        %dma_start3A_526 = tpu.memref_squeeze %dma_start3A_525 : memref<1x1x2048xf32, #tpu.memory_space<vmem_shared>> -> memref<2048xf32, #tpu.memory_space<vmem_shared>>
        %dma_start3A_527 = arith.constant 22528 : i32
        %dma_start3A_528 = tpu.memref_slice %arg7[%dma_start3A_527] : memref<32768xf32, #tpu.memory_space<vmem>> -> memref<2048xf32, #tpu.memory_space<vmem>>
        tpu.enqueue_dma source(%dma_start3A_528 : memref<2048xf32, #tpu.memory_space<vmem>>) target(%dma_start3A_526 : memref<2048xf32, #tpu.memory_space<vmem_shared>>) target_semaphore(%run_scoped3A_519 : memref<!tpu.dma_semaphore, #tpu.memory_space<semaphore_mem>>)
        %dma_wait3A = arith.constant 22528 : i32
        %dma_wait3A_529 = tpu.memref_slice %arg7[%dma_wait3A] : memref<32768xf32, #tpu.memory_space<vmem>> -> memref<2048xf32, #tpu.memory_space<vmem>>
        %dma_wait3A_530 = arith.constant 0 : i32
        %dma_wait3A_531 = tpu.memref_slice %arg12[%run_scoped3A, %arg1, %dma_wait3A_530] : memref<16x16x2048xf32, #tpu.memory_space<vmem_shared>> -> memref<1x1x2048xf32, #tpu.memory_space<vmem_shared>>
        %dma_wait3A_532 = tpu.memref_squeeze %dma_wait3A_531 : memref<1x1x2048xf32, #tpu.memory_space<vmem_shared>> -> memref<2048xf32, #tpu.memory_space<vmem_shared>>
        %dma_wait3A_533 = arith.constant 0 : i32
        %dma_wait3A_534 = tpu.memref_slice %arg12[%run_scoped3A, %arg1, %dma_wait3A_533] : memref<16x16x2048xf32, #tpu.memory_space<vmem_shared>> -> memref<1x1x2048xf32, #tpu.memory_space<vmem_shared>>
        %dma_wait3A_535 = tpu.memref_squeeze %dma_wait3A_534 : memref<1x1x2048xf32, #tpu.memory_space<vmem_shared>> -> memref<2048xf32, #tpu.memory_space<vmem_shared>>
        %dma_wait3A_536 = arith.constant 22528 : i32
        %dma_wait3A_537 = tpu.memref_slice %arg7[%dma_wait3A_536] : memref<32768xf32, #tpu.memory_space<vmem>> -> memref<2048xf32, #tpu.memory_space<vmem>>
        tpu.wait_dma2 semaphore(%run_scoped3A_519 : memref<!tpu.dma_semaphore, #tpu.memory_space<semaphore_mem>>) src(%dma_wait3A_537 : memref<2048xf32, #tpu.memory_space<vmem>>) dst(%dma_wait3A_535 : memref<2048xf32, #tpu.memory_space<vmem_shared>>)
        tpu.yield
      }) : () -> ()
    } else {
    }
    %lt3A_253 = arith.constant 3328 : i32
    %lt3A_254 = arith.cmpi slt, %squeeze3A, %lt3A_253 : i32
    %ge3A_255 = arith.constant 3072 : i32
    %ge3A_256 = arith.cmpi sge, %squeeze3A_19, %ge3A_255 : i32
    %and3A_257 = arith.andi %lt3A_254, %ge3A_256 : i1
    %convert_element_type3A_258 = arith.extui %and3A_257 : i1 to i32
    %cond3A_259 = arith.constant 0 : i32
    %cond3A_260 = arith.cmpi ne, %convert_element_type3A_258, %cond3A_259 : i32
    scf.if %cond3A_260 {
      %run_scoped3A = arith.constant 12 : i32
      "tpu.region"() ({
        %run_scoped3A_519 = tpu.sem_alloc : memref<!tpu.dma_semaphore, #tpu.memory_space<semaphore_mem>>
        %dma_start3A = arith.constant 24576 : i32
        %dma_start3A_520 = tpu.memref_slice %arg7[%dma_start3A] : memref<32768xf32, #tpu.memory_space<vmem>> -> memref<2048xf32, #tpu.memory_space<vmem>>
        %dma_start3A_521 = arith.constant 0 : i32
        %dma_start3A_522 = tpu.memref_slice %arg12[%run_scoped3A, %arg1, %dma_start3A_521] : memref<16x16x2048xf32, #tpu.memory_space<vmem_shared>> -> memref<1x1x2048xf32, #tpu.memory_space<vmem_shared>>
        %dma_start3A_523 = tpu.memref_squeeze %dma_start3A_522 : memref<1x1x2048xf32, #tpu.memory_space<vmem_shared>> -> memref<2048xf32, #tpu.memory_space<vmem_shared>>
        %dma_start3A_524 = arith.constant 0 : i32
        %dma_start3A_525 = tpu.memref_slice %arg12[%run_scoped3A, %arg1, %dma_start3A_524] : memref<16x16x2048xf32, #tpu.memory_space<vmem_shared>> -> memref<1x1x2048xf32, #tpu.memory_space<vmem_shared>>
        %dma_start3A_526 = tpu.memref_squeeze %dma_start3A_525 : memref<1x1x2048xf32, #tpu.memory_space<vmem_shared>> -> memref<2048xf32, #tpu.memory_space<vmem_shared>>
        %dma_start3A_527 = arith.constant 24576 : i32
        %dma_start3A_528 = tpu.memref_slice %arg7[%dma_start3A_527] : memref<32768xf32, #tpu.memory_space<vmem>> -> memref<2048xf32, #tpu.memory_space<vmem>>
        tpu.enqueue_dma source(%dma_start3A_528 : memref<2048xf32, #tpu.memory_space<vmem>>) target(%dma_start3A_526 : memref<2048xf32, #tpu.memory_space<vmem_shared>>) target_semaphore(%run_scoped3A_519 : memref<!tpu.dma_semaphore, #tpu.memory_space<semaphore_mem>>)
        %dma_wait3A = arith.constant 24576 : i32
        %dma_wait3A_529 = tpu.memref_slice %arg7[%dma_wait3A] : memref<32768xf32, #tpu.memory_space<vmem>> -> memref<2048xf32, #tpu.memory_space<vmem>>
        %dma_wait3A_530 = arith.constant 0 : i32
        %dma_wait3A_531 = tpu.memref_slice %arg12[%run_scoped3A, %arg1, %dma_wait3A_530] : memref<16x16x2048xf32, #tpu.memory_space<vmem_shared>> -> memref<1x1x2048xf32, #tpu.memory_space<vmem_shared>>
        %dma_wait3A_532 = tpu.memref_squeeze %dma_wait3A_531 : memref<1x1x2048xf32, #tpu.memory_space<vmem_shared>> -> memref<2048xf32, #tpu.memory_space<vmem_shared>>
        %dma_wait3A_533 = arith.constant 0 : i32
        %dma_wait3A_534 = tpu.memref_slice %arg12[%run_scoped3A, %arg1, %dma_wait3A_533] : memref<16x16x2048xf32, #tpu.memory_space<vmem_shared>> -> memref<1x1x2048xf32, #tpu.memory_space<vmem_shared>>
        %dma_wait3A_535 = tpu.memref_squeeze %dma_wait3A_534 : memref<1x1x2048xf32, #tpu.memory_space<vmem_shared>> -> memref<2048xf32, #tpu.memory_space<vmem_shared>>
        %dma_wait3A_536 = arith.constant 24576 : i32
        %dma_wait3A_537 = tpu.memref_slice %arg7[%dma_wait3A_536] : memref<32768xf32, #tpu.memory_space<vmem>> -> memref<2048xf32, #tpu.memory_space<vmem>>
        tpu.wait_dma2 semaphore(%run_scoped3A_519 : memref<!tpu.dma_semaphore, #tpu.memory_space<semaphore_mem>>) src(%dma_wait3A_537 : memref<2048xf32, #tpu.memory_space<vmem>>) dst(%dma_wait3A_535 : memref<2048xf32, #tpu.memory_space<vmem_shared>>)
        tpu.yield
      }) : () -> ()
    } else {
    }
    %lt3A_261 = arith.constant 3584 : i32
    %lt3A_262 = arith.cmpi slt, %squeeze3A, %lt3A_261 : i32
    %ge3A_263 = arith.constant 3328 : i32
    %ge3A_264 = arith.cmpi sge, %squeeze3A_19, %ge3A_263 : i32
    %and3A_265 = arith.andi %lt3A_262, %ge3A_264 : i1
    %convert_element_type3A_266 = arith.extui %and3A_265 : i1 to i32
    %cond3A_267 = arith.constant 0 : i32
    %cond3A_268 = arith.cmpi ne, %convert_element_type3A_266, %cond3A_267 : i32
    scf.if %cond3A_268 {
      %run_scoped3A = arith.constant 13 : i32
      "tpu.region"() ({
        %run_scoped3A_519 = tpu.sem_alloc : memref<!tpu.dma_semaphore, #tpu.memory_space<semaphore_mem>>
        %dma_start3A = arith.constant 26624 : i32
        %dma_start3A_520 = tpu.memref_slice %arg7[%dma_start3A] : memref<32768xf32, #tpu.memory_space<vmem>> -> memref<2048xf32, #tpu.memory_space<vmem>>
        %dma_start3A_521 = arith.constant 0 : i32
        %dma_start3A_522 = tpu.memref_slice %arg12[%run_scoped3A, %arg1, %dma_start3A_521] : memref<16x16x2048xf32, #tpu.memory_space<vmem_shared>> -> memref<1x1x2048xf32, #tpu.memory_space<vmem_shared>>
        %dma_start3A_523 = tpu.memref_squeeze %dma_start3A_522 : memref<1x1x2048xf32, #tpu.memory_space<vmem_shared>> -> memref<2048xf32, #tpu.memory_space<vmem_shared>>
        %dma_start3A_524 = arith.constant 0 : i32
        %dma_start3A_525 = tpu.memref_slice %arg12[%run_scoped3A, %arg1, %dma_start3A_524] : memref<16x16x2048xf32, #tpu.memory_space<vmem_shared>> -> memref<1x1x2048xf32, #tpu.memory_space<vmem_shared>>
        %dma_start3A_526 = tpu.memref_squeeze %dma_start3A_525 : memref<1x1x2048xf32, #tpu.memory_space<vmem_shared>> -> memref<2048xf32, #tpu.memory_space<vmem_shared>>
        %dma_start3A_527 = arith.constant 26624 : i32
        %dma_start3A_528 = tpu.memref_slice %arg7[%dma_start3A_527] : memref<32768xf32, #tpu.memory_space<vmem>> -> memref<2048xf32, #tpu.memory_space<vmem>>
        tpu.enqueue_dma source(%dma_start3A_528 : memref<2048xf32, #tpu.memory_space<vmem>>) target(%dma_start3A_526 : memref<2048xf32, #tpu.memory_space<vmem_shared>>) target_semaphore(%run_scoped3A_519 : memref<!tpu.dma_semaphore, #tpu.memory_space<semaphore_mem>>)
        %dma_wait3A = arith.constant 26624 : i32
        %dma_wait3A_529 = tpu.memref_slice %arg7[%dma_wait3A] : memref<32768xf32, #tpu.memory_space<vmem>> -> memref<2048xf32, #tpu.memory_space<vmem>>
        %dma_wait3A_530 = arith.constant 0 : i32
        %dma_wait3A_531 = tpu.memref_slice %arg12[%run_scoped3A, %arg1, %dma_wait3A_530] : memref<16x16x2048xf32, #tpu.memory_space<vmem_shared>> -> memref<1x1x2048xf32, #tpu.memory_space<vmem_shared>>
        %dma_wait3A_532 = tpu.memref_squeeze %dma_wait3A_531 : memref<1x1x2048xf32, #tpu.memory_space<vmem_shared>> -> memref<2048xf32, #tpu.memory_space<vmem_shared>>
        %dma_wait3A_533 = arith.constant 0 : i32
        %dma_wait3A_534 = tpu.memref_slice %arg12[%run_scoped3A, %arg1, %dma_wait3A_533] : memref<16x16x2048xf32, #tpu.memory_space<vmem_shared>> -> memref<1x1x2048xf32, #tpu.memory_space<vmem_shared>>
        %dma_wait3A_535 = tpu.memref_squeeze %dma_wait3A_534 : memref<1x1x2048xf32, #tpu.memory_space<vmem_shared>> -> memref<2048xf32, #tpu.memory_space<vmem_shared>>
        %dma_wait3A_536 = arith.constant 26624 : i32
        %dma_wait3A_537 = tpu.memref_slice %arg7[%dma_wait3A_536] : memref<32768xf32, #tpu.memory_space<vmem>> -> memref<2048xf32, #tpu.memory_space<vmem>>
        tpu.wait_dma2 semaphore(%run_scoped3A_519 : memref<!tpu.dma_semaphore, #tpu.memory_space<semaphore_mem>>) src(%dma_wait3A_537 : memref<2048xf32, #tpu.memory_space<vmem>>) dst(%dma_wait3A_535 : memref<2048xf32, #tpu.memory_space<vmem_shared>>)
        tpu.yield
      }) : () -> ()
    } else {
    }
    %lt3A_269 = arith.constant 3840 : i32
    %lt3A_270 = arith.cmpi slt, %squeeze3A, %lt3A_269 : i32
    %ge3A_271 = arith.constant 3584 : i32
    %ge3A_272 = arith.cmpi sge, %squeeze3A_19, %ge3A_271 : i32
    %and3A_273 = arith.andi %lt3A_270, %ge3A_272 : i1
    %convert_element_type3A_274 = arith.extui %and3A_273 : i1 to i32
    %cond3A_275 = arith.constant 0 : i32
    %cond3A_276 = arith.cmpi ne, %convert_element_type3A_274, %cond3A_275 : i32
    scf.if %cond3A_276 {
      %run_scoped3A = arith.constant 14 : i32
      "tpu.region"() ({
        %run_scoped3A_519 = tpu.sem_alloc : memref<!tpu.dma_semaphore, #tpu.memory_space<semaphore_mem>>
        %dma_start3A = arith.constant 28672 : i32
        %dma_start3A_520 = tpu.memref_slice %arg7[%dma_start3A] : memref<32768xf32, #tpu.memory_space<vmem>> -> memref<2048xf32, #tpu.memory_space<vmem>>
        %dma_start3A_521 = arith.constant 0 : i32
        %dma_start3A_522 = tpu.memref_slice %arg12[%run_scoped3A, %arg1, %dma_start3A_521] : memref<16x16x2048xf32, #tpu.memory_space<vmem_shared>> -> memref<1x1x2048xf32, #tpu.memory_space<vmem_shared>>
        %dma_start3A_523 = tpu.memref_squeeze %dma_start3A_522 : memref<1x1x2048xf32, #tpu.memory_space<vmem_shared>> -> memref<2048xf32, #tpu.memory_space<vmem_shared>>
        %dma_start3A_524 = arith.constant 0 : i32
        %dma_start3A_525 = tpu.memref_slice %arg12[%run_scoped3A, %arg1, %dma_start3A_524] : memref<16x16x2048xf32, #tpu.memory_space<vmem_shared>> -> memref<1x1x2048xf32, #tpu.memory_space<vmem_shared>>
        %dma_start3A_526 = tpu.memref_squeeze %dma_start3A_525 : memref<1x1x2048xf32, #tpu.memory_space<vmem_shared>> -> memref<2048xf32, #tpu.memory_space<vmem_shared>>
        %dma_start3A_527 = arith.constant 28672 : i32
        %dma_start3A_528 = tpu.memref_slice %arg7[%dma_start3A_527] : memref<32768xf32, #tpu.memory_space<vmem>> -> memref<2048xf32, #tpu.memory_space<vmem>>
        tpu.enqueue_dma source(%dma_start3A_528 : memref<2048xf32, #tpu.memory_space<vmem>>) target(%dma_start3A_526 : memref<2048xf32, #tpu.memory_space<vmem_shared>>) target_semaphore(%run_scoped3A_519 : memref<!tpu.dma_semaphore, #tpu.memory_space<semaphore_mem>>)
        %dma_wait3A = arith.constant 28672 : i32
        %dma_wait3A_529 = tpu.memref_slice %arg7[%dma_wait3A] : memref<32768xf32, #tpu.memory_space<vmem>> -> memref<2048xf32, #tpu.memory_space<vmem>>
        %dma_wait3A_530 = arith.constant 0 : i32
        %dma_wait3A_531 = tpu.memref_slice %arg12[%run_scoped3A, %arg1, %dma_wait3A_530] : memref<16x16x2048xf32, #tpu.memory_space<vmem_shared>> -> memref<1x1x2048xf32, #tpu.memory_space<vmem_shared>>
        %dma_wait3A_532 = tpu.memref_squeeze %dma_wait3A_531 : memref<1x1x2048xf32, #tpu.memory_space<vmem_shared>> -> memref<2048xf32, #tpu.memory_space<vmem_shared>>
        %dma_wait3A_533 = arith.constant 0 : i32
        %dma_wait3A_534 = tpu.memref_slice %arg12[%run_scoped3A, %arg1, %dma_wait3A_533] : memref<16x16x2048xf32, #tpu.memory_space<vmem_shared>> -> memref<1x1x2048xf32, #tpu.memory_space<vmem_shared>>
        %dma_wait3A_535 = tpu.memref_squeeze %dma_wait3A_534 : memref<1x1x2048xf32, #tpu.memory_space<vmem_shared>> -> memref<2048xf32, #tpu.memory_space<vmem_shared>>
        %dma_wait3A_536 = arith.constant 28672 : i32
        %dma_wait3A_537 = tpu.memref_slice %arg7[%dma_wait3A_536] : memref<32768xf32, #tpu.memory_space<vmem>> -> memref<2048xf32, #tpu.memory_space<vmem>>
        tpu.wait_dma2 semaphore(%run_scoped3A_519 : memref<!tpu.dma_semaphore, #tpu.memory_space<semaphore_mem>>) src(%dma_wait3A_537 : memref<2048xf32, #tpu.memory_space<vmem>>) dst(%dma_wait3A_535 : memref<2048xf32, #tpu.memory_space<vmem_shared>>)
        tpu.yield
      }) : () -> ()
    } else {
    }
    %lt3A_277 = arith.constant 4096 : i32
    %lt3A_278 = arith.cmpi slt, %squeeze3A, %lt3A_277 : i32
    %ge3A_279 = arith.constant 3840 : i32
    %ge3A_280 = arith.cmpi sge, %squeeze3A_19, %ge3A_279 : i32
    %and3A_281 = arith.andi %lt3A_278, %ge3A_280 : i1
    %convert_element_type3A_282 = arith.extui %and3A_281 : i1 to i32
    %cond3A_283 = arith.constant 0 : i32
    %cond3A_284 = arith.cmpi ne, %convert_element_type3A_282, %cond3A_283 : i32
    scf.if %cond3A_284 {
      %run_scoped3A = arith.constant 15 : i32
      "tpu.region"() ({
        %run_scoped3A_519 = tpu.sem_alloc : memref<!tpu.dma_semaphore, #tpu.memory_space<semaphore_mem>>
        %dma_start3A = arith.constant 30720 : i32
        %dma_start3A_520 = tpu.memref_slice %arg7[%dma_start3A] : memref<32768xf32, #tpu.memory_space<vmem>> -> memref<2048xf32, #tpu.memory_space<vmem>>
        %dma_start3A_521 = arith.constant 0 : i32
        %dma_start3A_522 = tpu.memref_slice %arg12[%run_scoped3A, %arg1, %dma_start3A_521] : memref<16x16x2048xf32, #tpu.memory_space<vmem_shared>> -> memref<1x1x2048xf32, #tpu.memory_space<vmem_shared>>
        %dma_start3A_523 = tpu.memref_squeeze %dma_start3A_522 : memref<1x1x2048xf32, #tpu.memory_space<vmem_shared>> -> memref<2048xf32, #tpu.memory_space<vmem_shared>>
        %dma_start3A_524 = arith.constant 0 : i32
        %dma_start3A_525 = tpu.memref_slice %arg12[%run_scoped3A, %arg1, %dma_start3A_524] : memref<16x16x2048xf32, #tpu.memory_space<vmem_shared>> -> memref<1x1x2048xf32, #tpu.memory_space<vmem_shared>>
        %dma_start3A_526 = tpu.memref_squeeze %dma_start3A_525 : memref<1x1x2048xf32, #tpu.memory_space<vmem_shared>> -> memref<2048xf32, #tpu.memory_space<vmem_shared>>
        %dma_start3A_527 = arith.constant 30720 : i32
        %dma_start3A_528 = tpu.memref_slice %arg7[%dma_start3A_527] : memref<32768xf32, #tpu.memory_space<vmem>> -> memref<2048xf32, #tpu.memory_space<vmem>>
        tpu.enqueue_dma source(%dma_start3A_528 : memref<2048xf32, #tpu.memory_space<vmem>>) target(%dma_start3A_526 : memref<2048xf32, #tpu.memory_space<vmem_shared>>) target_semaphore(%run_scoped3A_519 : memref<!tpu.dma_semaphore, #tpu.memory_space<semaphore_mem>>)
        %dma_wait3A = arith.constant 30720 : i32
        %dma_wait3A_529 = tpu.memref_slice %arg7[%dma_wait3A] : memref<32768xf32, #tpu.memory_space<vmem>> -> memref<2048xf32, #tpu.memory_space<vmem>>
        %dma_wait3A_530 = arith.constant 0 : i32
        %dma_wait3A_531 = tpu.memref_slice %arg12[%run_scoped3A, %arg1, %dma_wait3A_530] : memref<16x16x2048xf32, #tpu.memory_space<vmem_shared>> -> memref<1x1x2048xf32, #tpu.memory_space<vmem_shared>>
        %dma_wait3A_532 = tpu.memref_squeeze %dma_wait3A_531 : memref<1x1x2048xf32, #tpu.memory_space<vmem_shared>> -> memref<2048xf32, #tpu.memory_space<vmem_shared>>
        %dma_wait3A_533 = arith.constant 0 : i32
        %dma_wait3A_534 = tpu.memref_slice %arg12[%run_scoped3A, %arg1, %dma_wait3A_533] : memref<16x16x2048xf32, #tpu.memory_space<vmem_shared>> -> memref<1x1x2048xf32, #tpu.memory_space<vmem_shared>>
        %dma_wait3A_535 = tpu.memref_squeeze %dma_wait3A_534 : memref<1x1x2048xf32, #tpu.memory_space<vmem_shared>> -> memref<2048xf32, #tpu.memory_space<vmem_shared>>
        %dma_wait3A_536 = arith.constant 30720 : i32
        %dma_wait3A_537 = tpu.memref_slice %arg7[%dma_wait3A_536] : memref<32768xf32, #tpu.memory_space<vmem>> -> memref<2048xf32, #tpu.memory_space<vmem>>
        tpu.wait_dma2 semaphore(%run_scoped3A_519 : memref<!tpu.dma_semaphore, #tpu.memory_space<semaphore_mem>>) src(%dma_wait3A_537 : memref<2048xf32, #tpu.memory_space<vmem>>) dst(%dma_wait3A_535 : memref<2048xf32, #tpu.memory_space<vmem_shared>>)
        tpu.yield
      }) : () -> ()
    } else {
    }
    %barrier3A = arith.constant 0 : index
    tpu.barrier barrier_id(%barrier3A)
    "tpu.region"() ({
      %run_scoped3A = tpu.sem_alloc : memref<!tpu.dma_semaphore, #tpu.memory_space<semaphore_mem>>
      tpu.enqueue_dma source(%arg13 : memref<256xi32, #tpu.memory_space<vmem_shared>>) target(%arg11 : memref<256xi32, #tpu.memory_space<vmem>>) target_semaphore(%run_scoped3A : memref<!tpu.dma_semaphore, #tpu.memory_space<semaphore_mem>>)
      tpu.wait_dma2 semaphore(%run_scoped3A : memref<!tpu.dma_semaphore, #tpu.memory_space<semaphore_mem>>) src(%arg13 : memref<256xi32, #tpu.memory_space<vmem_shared>>) dst(%arg11 : memref<256xi32, #tpu.memory_space<vmem>>)
      tpu.yield
    }) : () -> ()
    %scan3A_285 = arith.constant 0 : i32
    %scan3A_286 = arith.constant 0 : i32
    %scan3A_287 = arith.constant 128 : i32
    %scan3A_288 = arith.addi %scan3A_286, %scan3A_287 : i32
    %scan3A_289 = arith.constant 1 : i32
    scf.for %scan3A_519 = %scan3A_286 to %scan3A_288 step %scan3A_289  : i32 {
      %mul3A_520 = arith.constant 16 : i32
      %mul3A_521 = arith.muli %scan3A_519, %mul3A_520 : i32
      %swap3A_522 = arith.index_cast %mul3A_521 : i32 to index
      %swap3A_523 = tpu.vector_load %arg9[%swap3A_522] {strides = array<i32>} : memref<2048xf32, #tpu.memory_space<vmem>>, vector<16xf32>,
      tpu.vector_store %arg9[%swap3A_522], %broadcast_in_dim3A_10 {strides = array<i32>} : memref<2048xf32, #tpu.memory_space<vmem>>, vector<16xf32>,
    }
    %scan3A_290 = arith.constant 128 : i32
    %mul3A_291 = arith.constant 256 : i32
    %mul3A_292 = arith.muli %arg1, %mul3A_291 : i32
    %get3A_293 = arith.constant 0 : index
    %get3A_294 = tpu.vector_load %arg11[%get3A_293] {strides = array<i32>} : memref<256xi32, #tpu.memory_space<vmem>>, vector<16xi32>,
    %slice3A_295 = vector.extract_strided_slice %get3A_294 {offsets = [0], sizes = [1], strides = [1]} : vector<16xi32> to vector<1xi32>
    %squeeze3A_296 = vector.extract %slice3A_295[0] : i32 from vector<1xi32>
    %slice3A_297 = vector.extract_strided_slice %get3A_294 {offsets = [8], sizes = [1], strides = [1]} : vector<16xi32> to vector<1xi32>
    %squeeze3A_298 = vector.extract %slice3A_297[0] : i32 from vector<1xi32>
    %add3A_299 = arith.constant 256 : i32
    %add3A_300 = arith.addi %mul3A_292, %add3A_299 : i32
    %lt3A_301 = arith.cmpi slt, %squeeze3A_296, %add3A_300 : i32
    %ge3A_302 = arith.cmpi sge, %squeeze3A_298, %mul3A_292 : i32
    %and3A_303 = arith.andi %lt3A_301, %ge3A_302 : i1
    %convert_element_type3A_304 = arith.extui %and3A_303 : i1 to i32
    %cond3A_305 = arith.constant 0 : i32
    %cond3A_306 = arith.cmpi ne, %convert_element_type3A_304, %cond3A_305 : i32
    scf.if %cond3A_306 {
      %run_scoped3A = arith.constant 0 : i32
      "tpu.region"() ({
        %run_scoped3A_525 = tpu.sem_alloc : memref<!tpu.dma_semaphore, #tpu.memory_space<semaphore_mem>>
        %dma_start3A = arith.constant 0 : i32
        %dma_start3A_526 = tpu.memref_slice %arg12[%arg1, %run_scoped3A, %dma_start3A] : memref<16x16x2048xf32, #tpu.memory_space<vmem_shared>> -> memref<1x1x2048xf32, #tpu.memory_space<vmem_shared>>
        %dma_start3A_527 = tpu.memref_squeeze %dma_start3A_526 : memref<1x1x2048xf32, #tpu.memory_space<vmem_shared>> -> memref<2048xf32, #tpu.memory_space<vmem_shared>>
        %dma_start3A_528 = arith.constant 0 : i32
        %dma_start3A_529 = tpu.memref_slice %arg12[%arg1, %run_scoped3A, %dma_start3A_528] : memref<16x16x2048xf32, #tpu.memory_space<vmem_shared>> -> memref<1x1x2048xf32, #tpu.memory_space<vmem_shared>>
        %dma_start3A_530 = tpu.memref_squeeze %dma_start3A_529 : memref<1x1x2048xf32, #tpu.memory_space<vmem_shared>> -> memref<2048xf32, #tpu.memory_space<vmem_shared>>
        tpu.enqueue_dma source(%dma_start3A_530 : memref<2048xf32, #tpu.memory_space<vmem_shared>>) target(%arg8 : memref<2048xf32, #tpu.memory_space<vmem>>) target_semaphore(%run_scoped3A_525 : memref<!tpu.dma_semaphore, #tpu.memory_space<semaphore_mem>>)
        %dma_wait3A = arith.constant 0 : i32
        %dma_wait3A_531 = tpu.memref_slice %arg12[%arg1, %run_scoped3A, %dma_wait3A] : memref<16x16x2048xf32, #tpu.memory_space<vmem_shared>> -> memref<1x1x2048xf32, #tpu.memory_space<vmem_shared>>
        %dma_wait3A_532 = tpu.memref_squeeze %dma_wait3A_531 : memref<1x1x2048xf32, #tpu.memory_space<vmem_shared>> -> memref<2048xf32, #tpu.memory_space<vmem_shared>>
        %dma_wait3A_533 = arith.constant 0 : i32
        %dma_wait3A_534 = tpu.memref_slice %arg12[%arg1, %run_scoped3A, %dma_wait3A_533] : memref<16x16x2048xf32, #tpu.memory_space<vmem_shared>> -> memref<1x1x2048xf32, #tpu.memory_space<vmem_shared>>
        %dma_wait3A_535 = tpu.memref_squeeze %dma_wait3A_534 : memref<1x1x2048xf32, #tpu.memory_space<vmem_shared>> -> memref<2048xf32, #tpu.memory_space<vmem_shared>>
        tpu.wait_dma2 semaphore(%run_scoped3A_525 : memref<!tpu.dma_semaphore, #tpu.memory_space<semaphore_mem>>) src(%dma_wait3A_535 : memref<2048xf32, #tpu.memory_space<vmem_shared>>) dst(%arg8 : memref<2048xf32, #tpu.memory_space<vmem>>)
        tpu.yield
      }) : () -> ()
      %scan3A_519 = arith.constant 0 : i32
      %scan3A_520 = arith.constant 0 : i32
      %scan3A_521 = arith.constant 128 : i32
      %scan3A_522 = arith.addi %scan3A_520, %scan3A_521 : i32
      %scan3A_523 = arith.constant 1 : i32
      scf.for %scan3A_525 = %scan3A_520 to %scan3A_522 step %scan3A_523  : i32 {
        %mul3A_526 = arith.constant 16 : i32
        %mul3A_527 = arith.muli %scan3A_525, %mul3A_526 : i32
        %get3A_528 = arith.index_cast %mul3A_527 : i32 to index
        %get3A_529 = tpu.vector_load %arg9[%get3A_528] {strides = array<i32>} : memref<2048xf32, #tpu.memory_space<vmem>>, vector<16xf32>,
        %get3A_530 = arith.index_cast %mul3A_527 : i32 to index
        %get3A_531 = tpu.vector_load %arg8[%get3A_530] {strides = array<i32>} : memref<2048xf32, #tpu.memory_space<vmem>>, vector<16xf32>,
        %add3A_532 = arith.addf %get3A_529, %get3A_531 : vector<16xf32>
        %swap3A_533 = arith.index_cast %mul3A_527 : i32 to index
        %swap3A_534 = tpu.vector_load %arg9[%swap3A_533] {strides = array<i32>} : memref<2048xf32, #tpu.memory_space<vmem>>, vector<16xf32>,
        tpu.vector_store %arg9[%swap3A_533], %add3A_532 {strides = array<i32>} : memref<2048xf32, #tpu.memory_space<vmem>>, vector<16xf32>,
      }
      %scan3A_524 = arith.constant 128 : i32
    } else {
    }
    %get3A_307 = arith.constant 16 : index
    %get3A_308 = tpu.vector_load %arg11[%get3A_307] {strides = array<i32>} : memref<256xi32, #tpu.memory_space<vmem>>, vector<16xi32>,
    %slice3A_309 = vector.extract_strided_slice %get3A_308 {offsets = [0], sizes = [1], strides = [1]} : vector<16xi32> to vector<1xi32>
    %squeeze3A_310 = vector.extract %slice3A_309[0] : i32 from vector<1xi32>
    %slice3A_311 = vector.extract_strided_slice %get3A_308 {offsets = [8], sizes = [1], strides = [1]} : vector<16xi32> to vector<1xi32>
    %squeeze3A_312 = vector.extract %slice3A_311[0] : i32 from vector<1xi32>
    %add3A_313 = arith.constant 256 : i32
    %add3A_314 = arith.addi %mul3A_292, %add3A_313 : i32
    %lt3A_315 = arith.cmpi slt, %squeeze3A_310, %add3A_314 : i32
    %ge3A_316 = arith.cmpi sge, %squeeze3A_312, %mul3A_292 : i32
    %and3A_317 = arith.andi %lt3A_315, %ge3A_316 : i1
    %convert_element_type3A_318 = arith.extui %and3A_317 : i1 to i32
    %cond3A_319 = arith.constant 0 : i32
    %cond3A_320 = arith.cmpi ne, %convert_element_type3A_318, %cond3A_319 : i32
    scf.if %cond3A_320 {
      %run_scoped3A = arith.constant 1 : i32
      "tpu.region"() ({
        %run_scoped3A_525 = tpu.sem_alloc : memref<!tpu.dma_semaphore, #tpu.memory_space<semaphore_mem>>
        %dma_start3A = arith.constant 0 : i32
        %dma_start3A_526 = tpu.memref_slice %arg12[%arg1, %run_scoped3A, %dma_start3A] : memref<16x16x2048xf32, #tpu.memory_space<vmem_shared>> -> memref<1x1x2048xf32, #tpu.memory_space<vmem_shared>>
        %dma_start3A_527 = tpu.memref_squeeze %dma_start3A_526 : memref<1x1x2048xf32, #tpu.memory_space<vmem_shared>> -> memref<2048xf32, #tpu.memory_space<vmem_shared>>
        %dma_start3A_528 = arith.constant 0 : i32
        %dma_start3A_529 = tpu.memref_slice %arg12[%arg1, %run_scoped3A, %dma_start3A_528] : memref<16x16x2048xf32, #tpu.memory_space<vmem_shared>> -> memref<1x1x2048xf32, #tpu.memory_space<vmem_shared>>
        %dma_start3A_530 = tpu.memref_squeeze %dma_start3A_529 : memref<1x1x2048xf32, #tpu.memory_space<vmem_shared>> -> memref<2048xf32, #tpu.memory_space<vmem_shared>>
        tpu.enqueue_dma source(%dma_start3A_530 : memref<2048xf32, #tpu.memory_space<vmem_shared>>) target(%arg8 : memref<2048xf32, #tpu.memory_space<vmem>>) target_semaphore(%run_scoped3A_525 : memref<!tpu.dma_semaphore, #tpu.memory_space<semaphore_mem>>)
        %dma_wait3A = arith.constant 0 : i32
        %dma_wait3A_531 = tpu.memref_slice %arg12[%arg1, %run_scoped3A, %dma_wait3A] : memref<16x16x2048xf32, #tpu.memory_space<vmem_shared>> -> memref<1x1x2048xf32, #tpu.memory_space<vmem_shared>>
        %dma_wait3A_532 = tpu.memref_squeeze %dma_wait3A_531 : memref<1x1x2048xf32, #tpu.memory_space<vmem_shared>> -> memref<2048xf32, #tpu.memory_space<vmem_shared>>
        %dma_wait3A_533 = arith.constant 0 : i32
        %dma_wait3A_534 = tpu.memref_slice %arg12[%arg1, %run_scoped3A, %dma_wait3A_533] : memref<16x16x2048xf32, #tpu.memory_space<vmem_shared>> -> memref<1x1x2048xf32, #tpu.memory_space<vmem_shared>>
        %dma_wait3A_535 = tpu.memref_squeeze %dma_wait3A_534 : memref<1x1x2048xf32, #tpu.memory_space<vmem_shared>> -> memref<2048xf32, #tpu.memory_space<vmem_shared>>
        tpu.wait_dma2 semaphore(%run_scoped3A_525 : memref<!tpu.dma_semaphore, #tpu.memory_space<semaphore_mem>>) src(%dma_wait3A_535 : memref<2048xf32, #tpu.memory_space<vmem_shared>>) dst(%arg8 : memref<2048xf32, #tpu.memory_space<vmem>>)
        tpu.yield
      }) : () -> ()
      %scan3A_519 = arith.constant 0 : i32
      %scan3A_520 = arith.constant 0 : i32
      %scan3A_521 = arith.constant 128 : i32
      %scan3A_522 = arith.addi %scan3A_520, %scan3A_521 : i32
      %scan3A_523 = arith.constant 1 : i32
      scf.for %scan3A_525 = %scan3A_520 to %scan3A_522 step %scan3A_523  : i32 {
        %mul3A_526 = arith.constant 16 : i32
        %mul3A_527 = arith.muli %scan3A_525, %mul3A_526 : i32
        %get3A_528 = arith.index_cast %mul3A_527 : i32 to index
        %get3A_529 = tpu.vector_load %arg9[%get3A_528] {strides = array<i32>} : memref<2048xf32, #tpu.memory_space<vmem>>, vector<16xf32>,
        %get3A_530 = arith.index_cast %mul3A_527 : i32 to index
        %get3A_531 = tpu.vector_load %arg8[%get3A_530] {strides = array<i32>} : memref<2048xf32, #tpu.memory_space<vmem>>, vector<16xf32>,
        %add3A_532 = arith.addf %get3A_529, %get3A_531 : vector<16xf32>
        %swap3A_533 = arith.index_cast %mul3A_527 : i32 to index
        %swap3A_534 = tpu.vector_load %arg9[%swap3A_533] {strides = array<i32>} : memref<2048xf32, #tpu.memory_space<vmem>>, vector<16xf32>,
        tpu.vector_store %arg9[%swap3A_533], %add3A_532 {strides = array<i32>} : memref<2048xf32, #tpu.memory_space<vmem>>, vector<16xf32>,
      }
      %scan3A_524 = arith.constant 128 : i32
    } else {
    }
    %get3A_321 = arith.constant 32 : index
    %get3A_322 = tpu.vector_load %arg11[%get3A_321] {strides = array<i32>} : memref<256xi32, #tpu.memory_space<vmem>>, vector<16xi32>,
    %slice3A_323 = vector.extract_strided_slice %get3A_322 {offsets = [0], sizes = [1], strides = [1]} : vector<16xi32> to vector<1xi32>
    %squeeze3A_324 = vector.extract %slice3A_323[0] : i32 from vector<1xi32>
    %slice3A_325 = vector.extract_strided_slice %get3A_322 {offsets = [8], sizes = [1], strides = [1]} : vector<16xi32> to vector<1xi32>
    %squeeze3A_326 = vector.extract %slice3A_325[0] : i32 from vector<1xi32>
    %add3A_327 = arith.constant 256 : i32
    %add3A_328 = arith.addi %mul3A_292, %add3A_327 : i32
    %lt3A_329 = arith.cmpi slt, %squeeze3A_324, %add3A_328 : i32
    %ge3A_330 = arith.cmpi sge, %squeeze3A_326, %mul3A_292 : i32
    %and3A_331 = arith.andi %lt3A_329, %ge3A_330 : i1
    %convert_element_type3A_332 = arith.extui %and3A_331 : i1 to i32
    %cond3A_333 = arith.constant 0 : i32
    %cond3A_334 = arith.cmpi ne, %convert_element_type3A_332, %cond3A_333 : i32
    scf.if %cond3A_334 {
      %run_scoped3A = arith.constant 2 : i32
      "tpu.region"() ({
        %run_scoped3A_525 = tpu.sem_alloc : memref<!tpu.dma_semaphore, #tpu.memory_space<semaphore_mem>>
        %dma_start3A = arith.constant 0 : i32
        %dma_start3A_526 = tpu.memref_slice %arg12[%arg1, %run_scoped3A, %dma_start3A] : memref<16x16x2048xf32, #tpu.memory_space<vmem_shared>> -> memref<1x1x2048xf32, #tpu.memory_space<vmem_shared>>
        %dma_start3A_527 = tpu.memref_squeeze %dma_start3A_526 : memref<1x1x2048xf32, #tpu.memory_space<vmem_shared>> -> memref<2048xf32, #tpu.memory_space<vmem_shared>>
        %dma_start3A_528 = arith.constant 0 : i32
        %dma_start3A_529 = tpu.memref_slice %arg12[%arg1, %run_scoped3A, %dma_start3A_528] : memref<16x16x2048xf32, #tpu.memory_space<vmem_shared>> -> memref<1x1x2048xf32, #tpu.memory_space<vmem_shared>>
        %dma_start3A_530 = tpu.memref_squeeze %dma_start3A_529 : memref<1x1x2048xf32, #tpu.memory_space<vmem_shared>> -> memref<2048xf32, #tpu.memory_space<vmem_shared>>
        tpu.enqueue_dma source(%dma_start3A_530 : memref<2048xf32, #tpu.memory_space<vmem_shared>>) target(%arg8 : memref<2048xf32, #tpu.memory_space<vmem>>) target_semaphore(%run_scoped3A_525 : memref<!tpu.dma_semaphore, #tpu.memory_space<semaphore_mem>>)
        %dma_wait3A = arith.constant 0 : i32
        %dma_wait3A_531 = tpu.memref_slice %arg12[%arg1, %run_scoped3A, %dma_wait3A] : memref<16x16x2048xf32, #tpu.memory_space<vmem_shared>> -> memref<1x1x2048xf32, #tpu.memory_space<vmem_shared>>
        %dma_wait3A_532 = tpu.memref_squeeze %dma_wait3A_531 : memref<1x1x2048xf32, #tpu.memory_space<vmem_shared>> -> memref<2048xf32, #tpu.memory_space<vmem_shared>>
        %dma_wait3A_533 = arith.constant 0 : i32
        %dma_wait3A_534 = tpu.memref_slice %arg12[%arg1, %run_scoped3A, %dma_wait3A_533] : memref<16x16x2048xf32, #tpu.memory_space<vmem_shared>> -> memref<1x1x2048xf32, #tpu.memory_space<vmem_shared>>
        %dma_wait3A_535 = tpu.memref_squeeze %dma_wait3A_534 : memref<1x1x2048xf32, #tpu.memory_space<vmem_shared>> -> memref<2048xf32, #tpu.memory_space<vmem_shared>>
        tpu.wait_dma2 semaphore(%run_scoped3A_525 : memref<!tpu.dma_semaphore, #tpu.memory_space<semaphore_mem>>) src(%dma_wait3A_535 : memref<2048xf32, #tpu.memory_space<vmem_shared>>) dst(%arg8 : memref<2048xf32, #tpu.memory_space<vmem>>)
        tpu.yield
      }) : () -> ()
      %scan3A_519 = arith.constant 0 : i32
      %scan3A_520 = arith.constant 0 : i32
      %scan3A_521 = arith.constant 128 : i32
      %scan3A_522 = arith.addi %scan3A_520, %scan3A_521 : i32
      %scan3A_523 = arith.constant 1 : i32
      scf.for %scan3A_525 = %scan3A_520 to %scan3A_522 step %scan3A_523  : i32 {
        %mul3A_526 = arith.constant 16 : i32
        %mul3A_527 = arith.muli %scan3A_525, %mul3A_526 : i32
        %get3A_528 = arith.index_cast %mul3A_527 : i32 to index
        %get3A_529 = tpu.vector_load %arg9[%get3A_528] {strides = array<i32>} : memref<2048xf32, #tpu.memory_space<vmem>>, vector<16xf32>,
        %get3A_530 = arith.index_cast %mul3A_527 : i32 to index
        %get3A_531 = tpu.vector_load %arg8[%get3A_530] {strides = array<i32>} : memref<2048xf32, #tpu.memory_space<vmem>>, vector<16xf32>,
        %add3A_532 = arith.addf %get3A_529, %get3A_531 : vector<16xf32>
        %swap3A_533 = arith.index_cast %mul3A_527 : i32 to index
        %swap3A_534 = tpu.vector_load %arg9[%swap3A_533] {strides = array<i32>} : memref<2048xf32, #tpu.memory_space<vmem>>, vector<16xf32>,
        tpu.vector_store %arg9[%swap3A_533], %add3A_532 {strides = array<i32>} : memref<2048xf32, #tpu.memory_space<vmem>>, vector<16xf32>,
      }
      %scan3A_524 = arith.constant 128 : i32
    } else {
    }
    %get3A_335 = arith.constant 48 : index
    %get3A_336 = tpu.vector_load %arg11[%get3A_335] {strides = array<i32>} : memref<256xi32, #tpu.memory_space<vmem>>, vector<16xi32>,
    %slice3A_337 = vector.extract_strided_slice %get3A_336 {offsets = [0], sizes = [1], strides = [1]} : vector<16xi32> to vector<1xi32>
    %squeeze3A_338 = vector.extract %slice3A_337[0] : i32 from vector<1xi32>
    %slice3A_339 = vector.extract_strided_slice %get3A_336 {offsets = [8], sizes = [1], strides = [1]} : vector<16xi32> to vector<1xi32>
    %squeeze3A_340 = vector.extract %slice3A_339[0] : i32 from vector<1xi32>
    %add3A_341 = arith.constant 256 : i32
    %add3A_342 = arith.addi %mul3A_292, %add3A_341 : i32
    %lt3A_343 = arith.cmpi slt, %squeeze3A_338, %add3A_342 : i32
    %ge3A_344 = arith.cmpi sge, %squeeze3A_340, %mul3A_292 : i32
    %and3A_345 = arith.andi %lt3A_343, %ge3A_344 : i1
    %convert_element_type3A_346 = arith.extui %and3A_345 : i1 to i32
    %cond3A_347 = arith.constant 0 : i32
    %cond3A_348 = arith.cmpi ne, %convert_element_type3A_346, %cond3A_347 : i32
    scf.if %cond3A_348 {
      %run_scoped3A = arith.constant 3 : i32
      "tpu.region"() ({
        %run_scoped3A_525 = tpu.sem_alloc : memref<!tpu.dma_semaphore, #tpu.memory_space<semaphore_mem>>
        %dma_start3A = arith.constant 0 : i32
        %dma_start3A_526 = tpu.memref_slice %arg12[%arg1, %run_scoped3A, %dma_start3A] : memref<16x16x2048xf32, #tpu.memory_space<vmem_shared>> -> memref<1x1x2048xf32, #tpu.memory_space<vmem_shared>>
        %dma_start3A_527 = tpu.memref_squeeze %dma_start3A_526 : memref<1x1x2048xf32, #tpu.memory_space<vmem_shared>> -> memref<2048xf32, #tpu.memory_space<vmem_shared>>
        %dma_start3A_528 = arith.constant 0 : i32
        %dma_start3A_529 = tpu.memref_slice %arg12[%arg1, %run_scoped3A, %dma_start3A_528] : memref<16x16x2048xf32, #tpu.memory_space<vmem_shared>> -> memref<1x1x2048xf32, #tpu.memory_space<vmem_shared>>
        %dma_start3A_530 = tpu.memref_squeeze %dma_start3A_529 : memref<1x1x2048xf32, #tpu.memory_space<vmem_shared>> -> memref<2048xf32, #tpu.memory_space<vmem_shared>>
        tpu.enqueue_dma source(%dma_start3A_530 : memref<2048xf32, #tpu.memory_space<vmem_shared>>) target(%arg8 : memref<2048xf32, #tpu.memory_space<vmem>>) target_semaphore(%run_scoped3A_525 : memref<!tpu.dma_semaphore, #tpu.memory_space<semaphore_mem>>)
        %dma_wait3A = arith.constant 0 : i32
        %dma_wait3A_531 = tpu.memref_slice %arg12[%arg1, %run_scoped3A, %dma_wait3A] : memref<16x16x2048xf32, #tpu.memory_space<vmem_shared>> -> memref<1x1x2048xf32, #tpu.memory_space<vmem_shared>>
        %dma_wait3A_532 = tpu.memref_squeeze %dma_wait3A_531 : memref<1x1x2048xf32, #tpu.memory_space<vmem_shared>> -> memref<2048xf32, #tpu.memory_space<vmem_shared>>
        %dma_wait3A_533 = arith.constant 0 : i32
        %dma_wait3A_534 = tpu.memref_slice %arg12[%arg1, %run_scoped3A, %dma_wait3A_533] : memref<16x16x2048xf32, #tpu.memory_space<vmem_shared>> -> memref<1x1x2048xf32, #tpu.memory_space<vmem_shared>>
        %dma_wait3A_535 = tpu.memref_squeeze %dma_wait3A_534 : memref<1x1x2048xf32, #tpu.memory_space<vmem_shared>> -> memref<2048xf32, #tpu.memory_space<vmem_shared>>
        tpu.wait_dma2 semaphore(%run_scoped3A_525 : memref<!tpu.dma_semaphore, #tpu.memory_space<semaphore_mem>>) src(%dma_wait3A_535 : memref<2048xf32, #tpu.memory_space<vmem_shared>>) dst(%arg8 : memref<2048xf32, #tpu.memory_space<vmem>>)
        tpu.yield
      }) : () -> ()
      %scan3A_519 = arith.constant 0 : i32
      %scan3A_520 = arith.constant 0 : i32
      %scan3A_521 = arith.constant 128 : i32
      %scan3A_522 = arith.addi %scan3A_520, %scan3A_521 : i32
      %scan3A_523 = arith.constant 1 : i32
      scf.for %scan3A_525 = %scan3A_520 to %scan3A_522 step %scan3A_523  : i32 {
        %mul3A_526 = arith.constant 16 : i32
        %mul3A_527 = arith.muli %scan3A_525, %mul3A_526 : i32
        %get3A_528 = arith.index_cast %mul3A_527 : i32 to index
        %get3A_529 = tpu.vector_load %arg9[%get3A_528] {strides = array<i32>} : memref<2048xf32, #tpu.memory_space<vmem>>, vector<16xf32>,
        %get3A_530 = arith.index_cast %mul3A_527 : i32 to index
        %get3A_531 = tpu.vector_load %arg8[%get3A_530] {strides = array<i32>} : memref<2048xf32, #tpu.memory_space<vmem>>, vector<16xf32>,
        %add3A_532 = arith.addf %get3A_529, %get3A_531 : vector<16xf32>
        %swap3A_533 = arith.index_cast %mul3A_527 : i32 to index
        %swap3A_534 = tpu.vector_load %arg9[%swap3A_533] {strides = array<i32>} : memref<2048xf32, #tpu.memory_space<vmem>>, vector<16xf32>,
        tpu.vector_store %arg9[%swap3A_533], %add3A_532 {strides = array<i32>} : memref<2048xf32, #tpu.memory_space<vmem>>, vector<16xf32>,
      }
      %scan3A_524 = arith.constant 128 : i32
    } else {
    }
    %get3A_349 = arith.constant 64 : index
    %get3A_350 = tpu.vector_load %arg11[%get3A_349] {strides = array<i32>} : memref<256xi32, #tpu.memory_space<vmem>>, vector<16xi32>,
    %slice3A_351 = vector.extract_strided_slice %get3A_350 {offsets = [0], sizes = [1], strides = [1]} : vector<16xi32> to vector<1xi32>
    %squeeze3A_352 = vector.extract %slice3A_351[0] : i32 from vector<1xi32>
    %slice3A_353 = vector.extract_strided_slice %get3A_350 {offsets = [8], sizes = [1], strides = [1]} : vector<16xi32> to vector<1xi32>
    %squeeze3A_354 = vector.extract %slice3A_353[0] : i32 from vector<1xi32>
    %add3A_355 = arith.constant 256 : i32
    %add3A_356 = arith.addi %mul3A_292, %add3A_355 : i32
    %lt3A_357 = arith.cmpi slt, %squeeze3A_352, %add3A_356 : i32
    %ge3A_358 = arith.cmpi sge, %squeeze3A_354, %mul3A_292 : i32
    %and3A_359 = arith.andi %lt3A_357, %ge3A_358 : i1
    %convert_element_type3A_360 = arith.extui %and3A_359 : i1 to i32
    %cond3A_361 = arith.constant 0 : i32
    %cond3A_362 = arith.cmpi ne, %convert_element_type3A_360, %cond3A_361 : i32
    scf.if %cond3A_362 {
      %run_scoped3A = arith.constant 4 : i32
      "tpu.region"() ({
        %run_scoped3A_525 = tpu.sem_alloc : memref<!tpu.dma_semaphore, #tpu.memory_space<semaphore_mem>>
        %dma_start3A = arith.constant 0 : i32
        %dma_start3A_526 = tpu.memref_slice %arg12[%arg1, %run_scoped3A, %dma_start3A] : memref<16x16x2048xf32, #tpu.memory_space<vmem_shared>> -> memref<1x1x2048xf32, #tpu.memory_space<vmem_shared>>
        %dma_start3A_527 = tpu.memref_squeeze %dma_start3A_526 : memref<1x1x2048xf32, #tpu.memory_space<vmem_shared>> -> memref<2048xf32, #tpu.memory_space<vmem_shared>>
        %dma_start3A_528 = arith.constant 0 : i32
        %dma_start3A_529 = tpu.memref_slice %arg12[%arg1, %run_scoped3A, %dma_start3A_528] : memref<16x16x2048xf32, #tpu.memory_space<vmem_shared>> -> memref<1x1x2048xf32, #tpu.memory_space<vmem_shared>>
        %dma_start3A_530 = tpu.memref_squeeze %dma_start3A_529 : memref<1x1x2048xf32, #tpu.memory_space<vmem_shared>> -> memref<2048xf32, #tpu.memory_space<vmem_shared>>
        tpu.enqueue_dma source(%dma_start3A_530 : memref<2048xf32, #tpu.memory_space<vmem_shared>>) target(%arg8 : memref<2048xf32, #tpu.memory_space<vmem>>) target_semaphore(%run_scoped3A_525 : memref<!tpu.dma_semaphore, #tpu.memory_space<semaphore_mem>>)
        %dma_wait3A = arith.constant 0 : i32
        %dma_wait3A_531 = tpu.memref_slice %arg12[%arg1, %run_scoped3A, %dma_wait3A] : memref<16x16x2048xf32, #tpu.memory_space<vmem_shared>> -> memref<1x1x2048xf32, #tpu.memory_space<vmem_shared>>
        %dma_wait3A_532 = tpu.memref_squeeze %dma_wait3A_531 : memref<1x1x2048xf32, #tpu.memory_space<vmem_shared>> -> memref<2048xf32, #tpu.memory_space<vmem_shared>>
        %dma_wait3A_533 = arith.constant 0 : i32
        %dma_wait3A_534 = tpu.memref_slice %arg12[%arg1, %run_scoped3A, %dma_wait3A_533] : memref<16x16x2048xf32, #tpu.memory_space<vmem_shared>> -> memref<1x1x2048xf32, #tpu.memory_space<vmem_shared>>
        %dma_wait3A_535 = tpu.memref_squeeze %dma_wait3A_534 : memref<1x1x2048xf32, #tpu.memory_space<vmem_shared>> -> memref<2048xf32, #tpu.memory_space<vmem_shared>>
        tpu.wait_dma2 semaphore(%run_scoped3A_525 : memref<!tpu.dma_semaphore, #tpu.memory_space<semaphore_mem>>) src(%dma_wait3A_535 : memref<2048xf32, #tpu.memory_space<vmem_shared>>) dst(%arg8 : memref<2048xf32, #tpu.memory_space<vmem>>)
        tpu.yield
      }) : () -> ()
      %scan3A_519 = arith.constant 0 : i32
      %scan3A_520 = arith.constant 0 : i32
      %scan3A_521 = arith.constant 128 : i32
      %scan3A_522 = arith.addi %scan3A_520, %scan3A_521 : i32
      %scan3A_523 = arith.constant 1 : i32
      scf.for %scan3A_525 = %scan3A_520 to %scan3A_522 step %scan3A_523  : i32 {
        %mul3A_526 = arith.constant 16 : i32
        %mul3A_527 = arith.muli %scan3A_525, %mul3A_526 : i32
        %get3A_528 = arith.index_cast %mul3A_527 : i32 to index
        %get3A_529 = tpu.vector_load %arg9[%get3A_528] {strides = array<i32>} : memref<2048xf32, #tpu.memory_space<vmem>>, vector<16xf32>,
        %get3A_530 = arith.index_cast %mul3A_527 : i32 to index
        %get3A_531 = tpu.vector_load %arg8[%get3A_530] {strides = array<i32>} : memref<2048xf32, #tpu.memory_space<vmem>>, vector<16xf32>,
        %add3A_532 = arith.addf %get3A_529, %get3A_531 : vector<16xf32>
        %swap3A_533 = arith.index_cast %mul3A_527 : i32 to index
        %swap3A_534 = tpu.vector_load %arg9[%swap3A_533] {strides = array<i32>} : memref<2048xf32, #tpu.memory_space<vmem>>, vector<16xf32>,
        tpu.vector_store %arg9[%swap3A_533], %add3A_532 {strides = array<i32>} : memref<2048xf32, #tpu.memory_space<vmem>>, vector<16xf32>,
      }
      %scan3A_524 = arith.constant 128 : i32
    } else {
    }
    %get3A_363 = arith.constant 80 : index
    %get3A_364 = tpu.vector_load %arg11[%get3A_363] {strides = array<i32>} : memref<256xi32, #tpu.memory_space<vmem>>, vector<16xi32>,
    %slice3A_365 = vector.extract_strided_slice %get3A_364 {offsets = [0], sizes = [1], strides = [1]} : vector<16xi32> to vector<1xi32>
    %squeeze3A_366 = vector.extract %slice3A_365[0] : i32 from vector<1xi32>
    %slice3A_367 = vector.extract_strided_slice %get3A_364 {offsets = [8], sizes = [1], strides = [1]} : vector<16xi32> to vector<1xi32>
    %squeeze3A_368 = vector.extract %slice3A_367[0] : i32 from vector<1xi32>
    %add3A_369 = arith.constant 256 : i32
    %add3A_370 = arith.addi %mul3A_292, %add3A_369 : i32
    %lt3A_371 = arith.cmpi slt, %squeeze3A_366, %add3A_370 : i32
    %ge3A_372 = arith.cmpi sge, %squeeze3A_368, %mul3A_292 : i32
    %and3A_373 = arith.andi %lt3A_371, %ge3A_372 : i1
    %convert_element_type3A_374 = arith.extui %and3A_373 : i1 to i32
    %cond3A_375 = arith.constant 0 : i32
    %cond3A_376 = arith.cmpi ne, %convert_element_type3A_374, %cond3A_375 : i32
    scf.if %cond3A_376 {
      %run_scoped3A = arith.constant 5 : i32
      "tpu.region"() ({
        %run_scoped3A_525 = tpu.sem_alloc : memref<!tpu.dma_semaphore, #tpu.memory_space<semaphore_mem>>
        %dma_start3A = arith.constant 0 : i32
        %dma_start3A_526 = tpu.memref_slice %arg12[%arg1, %run_scoped3A, %dma_start3A] : memref<16x16x2048xf32, #tpu.memory_space<vmem_shared>> -> memref<1x1x2048xf32, #tpu.memory_space<vmem_shared>>
        %dma_start3A_527 = tpu.memref_squeeze %dma_start3A_526 : memref<1x1x2048xf32, #tpu.memory_space<vmem_shared>> -> memref<2048xf32, #tpu.memory_space<vmem_shared>>
        %dma_start3A_528 = arith.constant 0 : i32
        %dma_start3A_529 = tpu.memref_slice %arg12[%arg1, %run_scoped3A, %dma_start3A_528] : memref<16x16x2048xf32, #tpu.memory_space<vmem_shared>> -> memref<1x1x2048xf32, #tpu.memory_space<vmem_shared>>
        %dma_start3A_530 = tpu.memref_squeeze %dma_start3A_529 : memref<1x1x2048xf32, #tpu.memory_space<vmem_shared>> -> memref<2048xf32, #tpu.memory_space<vmem_shared>>
        tpu.enqueue_dma source(%dma_start3A_530 : memref<2048xf32, #tpu.memory_space<vmem_shared>>) target(%arg8 : memref<2048xf32, #tpu.memory_space<vmem>>) target_semaphore(%run_scoped3A_525 : memref<!tpu.dma_semaphore, #tpu.memory_space<semaphore_mem>>)
        %dma_wait3A = arith.constant 0 : i32
        %dma_wait3A_531 = tpu.memref_slice %arg12[%arg1, %run_scoped3A, %dma_wait3A] : memref<16x16x2048xf32, #tpu.memory_space<vmem_shared>> -> memref<1x1x2048xf32, #tpu.memory_space<vmem_shared>>
        %dma_wait3A_532 = tpu.memref_squeeze %dma_wait3A_531 : memref<1x1x2048xf32, #tpu.memory_space<vmem_shared>> -> memref<2048xf32, #tpu.memory_space<vmem_shared>>
        %dma_wait3A_533 = arith.constant 0 : i32
        %dma_wait3A_534 = tpu.memref_slice %arg12[%arg1, %run_scoped3A, %dma_wait3A_533] : memref<16x16x2048xf32, #tpu.memory_space<vmem_shared>> -> memref<1x1x2048xf32, #tpu.memory_space<vmem_shared>>
        %dma_wait3A_535 = tpu.memref_squeeze %dma_wait3A_534 : memref<1x1x2048xf32, #tpu.memory_space<vmem_shared>> -> memref<2048xf32, #tpu.memory_space<vmem_shared>>
        tpu.wait_dma2 semaphore(%run_scoped3A_525 : memref<!tpu.dma_semaphore, #tpu.memory_space<semaphore_mem>>) src(%dma_wait3A_535 : memref<2048xf32, #tpu.memory_space<vmem_shared>>) dst(%arg8 : memref<2048xf32, #tpu.memory_space<vmem>>)
        tpu.yield
      }) : () -> ()
      %scan3A_519 = arith.constant 0 : i32
      %scan3A_520 = arith.constant 0 : i32
      %scan3A_521 = arith.constant 128 : i32
      %scan3A_522 = arith.addi %scan3A_520, %scan3A_521 : i32
      %scan3A_523 = arith.constant 1 : i32
      scf.for %scan3A_525 = %scan3A_520 to %scan3A_522 step %scan3A_523  : i32 {
        %mul3A_526 = arith.constant 16 : i32
        %mul3A_527 = arith.muli %scan3A_525, %mul3A_526 : i32
        %get3A_528 = arith.index_cast %mul3A_527 : i32 to index
        %get3A_529 = tpu.vector_load %arg9[%get3A_528] {strides = array<i32>} : memref<2048xf32, #tpu.memory_space<vmem>>, vector<16xf32>,
        %get3A_530 = arith.index_cast %mul3A_527 : i32 to index
        %get3A_531 = tpu.vector_load %arg8[%get3A_530] {strides = array<i32>} : memref<2048xf32, #tpu.memory_space<vmem>>, vector<16xf32>,
        %add3A_532 = arith.addf %get3A_529, %get3A_531 : vector<16xf32>
        %swap3A_533 = arith.index_cast %mul3A_527 : i32 to index
        %swap3A_534 = tpu.vector_load %arg9[%swap3A_533] {strides = array<i32>} : memref<2048xf32, #tpu.memory_space<vmem>>, vector<16xf32>,
        tpu.vector_store %arg9[%swap3A_533], %add3A_532 {strides = array<i32>} : memref<2048xf32, #tpu.memory_space<vmem>>, vector<16xf32>,
      }
      %scan3A_524 = arith.constant 128 : i32
    } else {
    }
    %get3A_377 = arith.constant 96 : index
    %get3A_378 = tpu.vector_load %arg11[%get3A_377] {strides = array<i32>} : memref<256xi32, #tpu.memory_space<vmem>>, vector<16xi32>,
    %slice3A_379 = vector.extract_strided_slice %get3A_378 {offsets = [0], sizes = [1], strides = [1]} : vector<16xi32> to vector<1xi32>
    %squeeze3A_380 = vector.extract %slice3A_379[0] : i32 from vector<1xi32>
    %slice3A_381 = vector.extract_strided_slice %get3A_378 {offsets = [8], sizes = [1], strides = [1]} : vector<16xi32> to vector<1xi32>
    %squeeze3A_382 = vector.extract %slice3A_381[0] : i32 from vector<1xi32>
    %add3A_383 = arith.constant 256 : i32
    %add3A_384 = arith.addi %mul3A_292, %add3A_383 : i32
    %lt3A_385 = arith.cmpi slt, %squeeze3A_380, %add3A_384 : i32
    %ge3A_386 = arith.cmpi sge, %squeeze3A_382, %mul3A_292 : i32
    %and3A_387 = arith.andi %lt3A_385, %ge3A_386 : i1
    %convert_element_type3A_388 = arith.extui %and3A_387 : i1 to i32
    %cond3A_389 = arith.constant 0 : i32
    %cond3A_390 = arith.cmpi ne, %convert_element_type3A_388, %cond3A_389 : i32
    scf.if %cond3A_390 {
      %run_scoped3A = arith.constant 6 : i32
      "tpu.region"() ({
        %run_scoped3A_525 = tpu.sem_alloc : memref<!tpu.dma_semaphore, #tpu.memory_space<semaphore_mem>>
        %dma_start3A = arith.constant 0 : i32
        %dma_start3A_526 = tpu.memref_slice %arg12[%arg1, %run_scoped3A, %dma_start3A] : memref<16x16x2048xf32, #tpu.memory_space<vmem_shared>> -> memref<1x1x2048xf32, #tpu.memory_space<vmem_shared>>
        %dma_start3A_527 = tpu.memref_squeeze %dma_start3A_526 : memref<1x1x2048xf32, #tpu.memory_space<vmem_shared>> -> memref<2048xf32, #tpu.memory_space<vmem_shared>>
        %dma_start3A_528 = arith.constant 0 : i32
        %dma_start3A_529 = tpu.memref_slice %arg12[%arg1, %run_scoped3A, %dma_start3A_528] : memref<16x16x2048xf32, #tpu.memory_space<vmem_shared>> -> memref<1x1x2048xf32, #tpu.memory_space<vmem_shared>>
        %dma_start3A_530 = tpu.memref_squeeze %dma_start3A_529 : memref<1x1x2048xf32, #tpu.memory_space<vmem_shared>> -> memref<2048xf32, #tpu.memory_space<vmem_shared>>
        tpu.enqueue_dma source(%dma_start3A_530 : memref<2048xf32, #tpu.memory_space<vmem_shared>>) target(%arg8 : memref<2048xf32, #tpu.memory_space<vmem>>) target_semaphore(%run_scoped3A_525 : memref<!tpu.dma_semaphore, #tpu.memory_space<semaphore_mem>>)
        %dma_wait3A = arith.constant 0 : i32
        %dma_wait3A_531 = tpu.memref_slice %arg12[%arg1, %run_scoped3A, %dma_wait3A] : memref<16x16x2048xf32, #tpu.memory_space<vmem_shared>> -> memref<1x1x2048xf32, #tpu.memory_space<vmem_shared>>
        %dma_wait3A_532 = tpu.memref_squeeze %dma_wait3A_531 : memref<1x1x2048xf32, #tpu.memory_space<vmem_shared>> -> memref<2048xf32, #tpu.memory_space<vmem_shared>>
        %dma_wait3A_533 = arith.constant 0 : i32
        %dma_wait3A_534 = tpu.memref_slice %arg12[%arg1, %run_scoped3A, %dma_wait3A_533] : memref<16x16x2048xf32, #tpu.memory_space<vmem_shared>> -> memref<1x1x2048xf32, #tpu.memory_space<vmem_shared>>
        %dma_wait3A_535 = tpu.memref_squeeze %dma_wait3A_534 : memref<1x1x2048xf32, #tpu.memory_space<vmem_shared>> -> memref<2048xf32, #tpu.memory_space<vmem_shared>>
        tpu.wait_dma2 semaphore(%run_scoped3A_525 : memref<!tpu.dma_semaphore, #tpu.memory_space<semaphore_mem>>) src(%dma_wait3A_535 : memref<2048xf32, #tpu.memory_space<vmem_shared>>) dst(%arg8 : memref<2048xf32, #tpu.memory_space<vmem>>)
        tpu.yield
      }) : () -> ()
      %scan3A_519 = arith.constant 0 : i32
      %scan3A_520 = arith.constant 0 : i32
      %scan3A_521 = arith.constant 128 : i32
      %scan3A_522 = arith.addi %scan3A_520, %scan3A_521 : i32
      %scan3A_523 = arith.constant 1 : i32
      scf.for %scan3A_525 = %scan3A_520 to %scan3A_522 step %scan3A_523  : i32 {
        %mul3A_526 = arith.constant 16 : i32
        %mul3A_527 = arith.muli %scan3A_525, %mul3A_526 : i32
        %get3A_528 = arith.index_cast %mul3A_527 : i32 to index
        %get3A_529 = tpu.vector_load %arg9[%get3A_528] {strides = array<i32>} : memref<2048xf32, #tpu.memory_space<vmem>>, vector<16xf32>,
        %get3A_530 = arith.index_cast %mul3A_527 : i32 to index
        %get3A_531 = tpu.vector_load %arg8[%get3A_530] {strides = array<i32>} : memref<2048xf32, #tpu.memory_space<vmem>>, vector<16xf32>,
        %add3A_532 = arith.addf %get3A_529, %get3A_531 : vector<16xf32>
        %swap3A_533 = arith.index_cast %mul3A_527 : i32 to index
        %swap3A_534 = tpu.vector_load %arg9[%swap3A_533] {strides = array<i32>} : memref<2048xf32, #tpu.memory_space<vmem>>, vector<16xf32>,
        tpu.vector_store %arg9[%swap3A_533], %add3A_532 {strides = array<i32>} : memref<2048xf32, #tpu.memory_space<vmem>>, vector<16xf32>,
      }
      %scan3A_524 = arith.constant 128 : i32
    } else {
    }
    %get3A_391 = arith.constant 112 : index
    %get3A_392 = tpu.vector_load %arg11[%get3A_391] {strides = array<i32>} : memref<256xi32, #tpu.memory_space<vmem>>, vector<16xi32>,
    %slice3A_393 = vector.extract_strided_slice %get3A_392 {offsets = [0], sizes = [1], strides = [1]} : vector<16xi32> to vector<1xi32>
    %squeeze3A_394 = vector.extract %slice3A_393[0] : i32 from vector<1xi32>
    %slice3A_395 = vector.extract_strided_slice %get3A_392 {offsets = [8], sizes = [1], strides = [1]} : vector<16xi32> to vector<1xi32>
    %squeeze3A_396 = vector.extract %slice3A_395[0] : i32 from vector<1xi32>
    %add3A_397 = arith.constant 256 : i32
    %add3A_398 = arith.addi %mul3A_292, %add3A_397 : i32
    %lt3A_399 = arith.cmpi slt, %squeeze3A_394, %add3A_398 : i32
    %ge3A_400 = arith.cmpi sge, %squeeze3A_396, %mul3A_292 : i32
    %and3A_401 = arith.andi %lt3A_399, %ge3A_400 : i1
    %convert_element_type3A_402 = arith.extui %and3A_401 : i1 to i32
    %cond3A_403 = arith.constant 0 : i32
    %cond3A_404 = arith.cmpi ne, %convert_element_type3A_402, %cond3A_403 : i32
    scf.if %cond3A_404 {
      %run_scoped3A = arith.constant 7 : i32
      "tpu.region"() ({
        %run_scoped3A_525 = tpu.sem_alloc : memref<!tpu.dma_semaphore, #tpu.memory_space<semaphore_mem>>
        %dma_start3A = arith.constant 0 : i32
        %dma_start3A_526 = tpu.memref_slice %arg12[%arg1, %run_scoped3A, %dma_start3A] : memref<16x16x2048xf32, #tpu.memory_space<vmem_shared>> -> memref<1x1x2048xf32, #tpu.memory_space<vmem_shared>>
        %dma_start3A_527 = tpu.memref_squeeze %dma_start3A_526 : memref<1x1x2048xf32, #tpu.memory_space<vmem_shared>> -> memref<2048xf32, #tpu.memory_space<vmem_shared>>
        %dma_start3A_528 = arith.constant 0 : i32
        %dma_start3A_529 = tpu.memref_slice %arg12[%arg1, %run_scoped3A, %dma_start3A_528] : memref<16x16x2048xf32, #tpu.memory_space<vmem_shared>> -> memref<1x1x2048xf32, #tpu.memory_space<vmem_shared>>
        %dma_start3A_530 = tpu.memref_squeeze %dma_start3A_529 : memref<1x1x2048xf32, #tpu.memory_space<vmem_shared>> -> memref<2048xf32, #tpu.memory_space<vmem_shared>>
        tpu.enqueue_dma source(%dma_start3A_530 : memref<2048xf32, #tpu.memory_space<vmem_shared>>) target(%arg8 : memref<2048xf32, #tpu.memory_space<vmem>>) target_semaphore(%run_scoped3A_525 : memref<!tpu.dma_semaphore, #tpu.memory_space<semaphore_mem>>)
        %dma_wait3A = arith.constant 0 : i32
        %dma_wait3A_531 = tpu.memref_slice %arg12[%arg1, %run_scoped3A, %dma_wait3A] : memref<16x16x2048xf32, #tpu.memory_space<vmem_shared>> -> memref<1x1x2048xf32, #tpu.memory_space<vmem_shared>>
        %dma_wait3A_532 = tpu.memref_squeeze %dma_wait3A_531 : memref<1x1x2048xf32, #tpu.memory_space<vmem_shared>> -> memref<2048xf32, #tpu.memory_space<vmem_shared>>
        %dma_wait3A_533 = arith.constant 0 : i32
        %dma_wait3A_534 = tpu.memref_slice %arg12[%arg1, %run_scoped3A, %dma_wait3A_533] : memref<16x16x2048xf32, #tpu.memory_space<vmem_shared>> -> memref<1x1x2048xf32, #tpu.memory_space<vmem_shared>>
        %dma_wait3A_535 = tpu.memref_squeeze %dma_wait3A_534 : memref<1x1x2048xf32, #tpu.memory_space<vmem_shared>> -> memref<2048xf32, #tpu.memory_space<vmem_shared>>
        tpu.wait_dma2 semaphore(%run_scoped3A_525 : memref<!tpu.dma_semaphore, #tpu.memory_space<semaphore_mem>>) src(%dma_wait3A_535 : memref<2048xf32, #tpu.memory_space<vmem_shared>>) dst(%arg8 : memref<2048xf32, #tpu.memory_space<vmem>>)
        tpu.yield
      }) : () -> ()
      %scan3A_519 = arith.constant 0 : i32
      %scan3A_520 = arith.constant 0 : i32
      %scan3A_521 = arith.constant 128 : i32
      %scan3A_522 = arith.addi %scan3A_520, %scan3A_521 : i32
      %scan3A_523 = arith.constant 1 : i32
      scf.for %scan3A_525 = %scan3A_520 to %scan3A_522 step %scan3A_523  : i32 {
        %mul3A_526 = arith.constant 16 : i32
        %mul3A_527 = arith.muli %scan3A_525, %mul3A_526 : i32
        %get3A_528 = arith.index_cast %mul3A_527 : i32 to index
        %get3A_529 = tpu.vector_load %arg9[%get3A_528] {strides = array<i32>} : memref<2048xf32, #tpu.memory_space<vmem>>, vector<16xf32>,
        %get3A_530 = arith.index_cast %mul3A_527 : i32 to index
        %get3A_531 = tpu.vector_load %arg8[%get3A_530] {strides = array<i32>} : memref<2048xf32, #tpu.memory_space<vmem>>, vector<16xf32>,
        %add3A_532 = arith.addf %get3A_529, %get3A_531 : vector<16xf32>
        %swap3A_533 = arith.index_cast %mul3A_527 : i32 to index
        %swap3A_534 = tpu.vector_load %arg9[%swap3A_533] {strides = array<i32>} : memref<2048xf32, #tpu.memory_space<vmem>>, vector<16xf32>,
        tpu.vector_store %arg9[%swap3A_533], %add3A_532 {strides = array<i32>} : memref<2048xf32, #tpu.memory_space<vmem>>, vector<16xf32>,
      }
      %scan3A_524 = arith.constant 128 : i32
    } else {
    }
    %get3A_405 = arith.constant 128 : index
    %get3A_406 = tpu.vector_load %arg11[%get3A_405] {strides = array<i32>} : memref<256xi32, #tpu.memory_space<vmem>>, vector<16xi32>,
    %slice3A_407 = vector.extract_strided_slice %get3A_406 {offsets = [0], sizes = [1], strides = [1]} : vector<16xi32> to vector<1xi32>
    %squeeze3A_408 = vector.extract %slice3A_407[0] : i32 from vector<1xi32>
    %slice3A_409 = vector.extract_strided_slice %get3A_406 {offsets = [8], sizes = [1], strides = [1]} : vector<16xi32> to vector<1xi32>
    %squeeze3A_410 = vector.extract %slice3A_409[0] : i32 from vector<1xi32>
    %add3A_411 = arith.constant 256 : i32
    %add3A_412 = arith.addi %mul3A_292, %add3A_411 : i32
    %lt3A_413 = arith.cmpi slt, %squeeze3A_408, %add3A_412 : i32
    %ge3A_414 = arith.cmpi sge, %squeeze3A_410, %mul3A_292 : i32
    %and3A_415 = arith.andi %lt3A_413, %ge3A_414 : i1
    %convert_element_type3A_416 = arith.extui %and3A_415 : i1 to i32
    %cond3A_417 = arith.constant 0 : i32
    %cond3A_418 = arith.cmpi ne, %convert_element_type3A_416, %cond3A_417 : i32
    scf.if %cond3A_418 {
      %run_scoped3A = arith.constant 8 : i32
      "tpu.region"() ({
        %run_scoped3A_525 = tpu.sem_alloc : memref<!tpu.dma_semaphore, #tpu.memory_space<semaphore_mem>>
        %dma_start3A = arith.constant 0 : i32
        %dma_start3A_526 = tpu.memref_slice %arg12[%arg1, %run_scoped3A, %dma_start3A] : memref<16x16x2048xf32, #tpu.memory_space<vmem_shared>> -> memref<1x1x2048xf32, #tpu.memory_space<vmem_shared>>
        %dma_start3A_527 = tpu.memref_squeeze %dma_start3A_526 : memref<1x1x2048xf32, #tpu.memory_space<vmem_shared>> -> memref<2048xf32, #tpu.memory_space<vmem_shared>>
        %dma_start3A_528 = arith.constant 0 : i32
        %dma_start3A_529 = tpu.memref_slice %arg12[%arg1, %run_scoped3A, %dma_start3A_528] : memref<16x16x2048xf32, #tpu.memory_space<vmem_shared>> -> memref<1x1x2048xf32, #tpu.memory_space<vmem_shared>>
        %dma_start3A_530 = tpu.memref_squeeze %dma_start3A_529 : memref<1x1x2048xf32, #tpu.memory_space<vmem_shared>> -> memref<2048xf32, #tpu.memory_space<vmem_shared>>
        tpu.enqueue_dma source(%dma_start3A_530 : memref<2048xf32, #tpu.memory_space<vmem_shared>>) target(%arg8 : memref<2048xf32, #tpu.memory_space<vmem>>) target_semaphore(%run_scoped3A_525 : memref<!tpu.dma_semaphore, #tpu.memory_space<semaphore_mem>>)
        %dma_wait3A = arith.constant 0 : i32
        %dma_wait3A_531 = tpu.memref_slice %arg12[%arg1, %run_scoped3A, %dma_wait3A] : memref<16x16x2048xf32, #tpu.memory_space<vmem_shared>> -> memref<1x1x2048xf32, #tpu.memory_space<vmem_shared>>
        %dma_wait3A_532 = tpu.memref_squeeze %dma_wait3A_531 : memref<1x1x2048xf32, #tpu.memory_space<vmem_shared>> -> memref<2048xf32, #tpu.memory_space<vmem_shared>>
        %dma_wait3A_533 = arith.constant 0 : i32
        %dma_wait3A_534 = tpu.memref_slice %arg12[%arg1, %run_scoped3A, %dma_wait3A_533] : memref<16x16x2048xf32, #tpu.memory_space<vmem_shared>> -> memref<1x1x2048xf32, #tpu.memory_space<vmem_shared>>
        %dma_wait3A_535 = tpu.memref_squeeze %dma_wait3A_534 : memref<1x1x2048xf32, #tpu.memory_space<vmem_shared>> -> memref<2048xf32, #tpu.memory_space<vmem_shared>>
        tpu.wait_dma2 semaphore(%run_scoped3A_525 : memref<!tpu.dma_semaphore, #tpu.memory_space<semaphore_mem>>) src(%dma_wait3A_535 : memref<2048xf32, #tpu.memory_space<vmem_shared>>) dst(%arg8 : memref<2048xf32, #tpu.memory_space<vmem>>)
        tpu.yield
      }) : () -> ()
      %scan3A_519 = arith.constant 0 : i32
      %scan3A_520 = arith.constant 0 : i32
      %scan3A_521 = arith.constant 128 : i32
      %scan3A_522 = arith.addi %scan3A_520, %scan3A_521 : i32
      %scan3A_523 = arith.constant 1 : i32
      scf.for %scan3A_525 = %scan3A_520 to %scan3A_522 step %scan3A_523  : i32 {
        %mul3A_526 = arith.constant 16 : i32
        %mul3A_527 = arith.muli %scan3A_525, %mul3A_526 : i32
        %get3A_528 = arith.index_cast %mul3A_527 : i32 to index
        %get3A_529 = tpu.vector_load %arg9[%get3A_528] {strides = array<i32>} : memref<2048xf32, #tpu.memory_space<vmem>>, vector<16xf32>,
        %get3A_530 = arith.index_cast %mul3A_527 : i32 to index
        %get3A_531 = tpu.vector_load %arg8[%get3A_530] {strides = array<i32>} : memref<2048xf32, #tpu.memory_space<vmem>>, vector<16xf32>,
        %add3A_532 = arith.addf %get3A_529, %get3A_531 : vector<16xf32>
        %swap3A_533 = arith.index_cast %mul3A_527 : i32 to index
        %swap3A_534 = tpu.vector_load %arg9[%swap3A_533] {strides = array<i32>} : memref<2048xf32, #tpu.memory_space<vmem>>, vector<16xf32>,
        tpu.vector_store %arg9[%swap3A_533], %add3A_532 {strides = array<i32>} : memref<2048xf32, #tpu.memory_space<vmem>>, vector<16xf32>,
      }
      %scan3A_524 = arith.constant 128 : i32
    } else {
    }
    %get3A_419 = arith.constant 144 : index
    %get3A_420 = tpu.vector_load %arg11[%get3A_419] {strides = array<i32>} : memref<256xi32, #tpu.memory_space<vmem>>, vector<16xi32>,
    %slice3A_421 = vector.extract_strided_slice %get3A_420 {offsets = [0], sizes = [1], strides = [1]} : vector<16xi32> to vector<1xi32>
    %squeeze3A_422 = vector.extract %slice3A_421[0] : i32 from vector<1xi32>
    %slice3A_423 = vector.extract_strided_slice %get3A_420 {offsets = [8], sizes = [1], strides = [1]} : vector<16xi32> to vector<1xi32>
    %squeeze3A_424 = vector.extract %slice3A_423[0] : i32 from vector<1xi32>
    %add3A_425 = arith.constant 256 : i32
    %add3A_426 = arith.addi %mul3A_292, %add3A_425 : i32
    %lt3A_427 = arith.cmpi slt, %squeeze3A_422, %add3A_426 : i32
    %ge3A_428 = arith.cmpi sge, %squeeze3A_424, %mul3A_292 : i32
    %and3A_429 = arith.andi %lt3A_427, %ge3A_428 : i1
    %convert_element_type3A_430 = arith.extui %and3A_429 : i1 to i32
    %cond3A_431 = arith.constant 0 : i32
    %cond3A_432 = arith.cmpi ne, %convert_element_type3A_430, %cond3A_431 : i32
    scf.if %cond3A_432 {
      %run_scoped3A = arith.constant 9 : i32
      "tpu.region"() ({
        %run_scoped3A_525 = tpu.sem_alloc : memref<!tpu.dma_semaphore, #tpu.memory_space<semaphore_mem>>
        %dma_start3A = arith.constant 0 : i32
        %dma_start3A_526 = tpu.memref_slice %arg12[%arg1, %run_scoped3A, %dma_start3A] : memref<16x16x2048xf32, #tpu.memory_space<vmem_shared>> -> memref<1x1x2048xf32, #tpu.memory_space<vmem_shared>>
        %dma_start3A_527 = tpu.memref_squeeze %dma_start3A_526 : memref<1x1x2048xf32, #tpu.memory_space<vmem_shared>> -> memref<2048xf32, #tpu.memory_space<vmem_shared>>
        %dma_start3A_528 = arith.constant 0 : i32
        %dma_start3A_529 = tpu.memref_slice %arg12[%arg1, %run_scoped3A, %dma_start3A_528] : memref<16x16x2048xf32, #tpu.memory_space<vmem_shared>> -> memref<1x1x2048xf32, #tpu.memory_space<vmem_shared>>
        %dma_start3A_530 = tpu.memref_squeeze %dma_start3A_529 : memref<1x1x2048xf32, #tpu.memory_space<vmem_shared>> -> memref<2048xf32, #tpu.memory_space<vmem_shared>>
        tpu.enqueue_dma source(%dma_start3A_530 : memref<2048xf32, #tpu.memory_space<vmem_shared>>) target(%arg8 : memref<2048xf32, #tpu.memory_space<vmem>>) target_semaphore(%run_scoped3A_525 : memref<!tpu.dma_semaphore, #tpu.memory_space<semaphore_mem>>)
        %dma_wait3A = arith.constant 0 : i32
        %dma_wait3A_531 = tpu.memref_slice %arg12[%arg1, %run_scoped3A, %dma_wait3A] : memref<16x16x2048xf32, #tpu.memory_space<vmem_shared>> -> memref<1x1x2048xf32, #tpu.memory_space<vmem_shared>>
        %dma_wait3A_532 = tpu.memref_squeeze %dma_wait3A_531 : memref<1x1x2048xf32, #tpu.memory_space<vmem_shared>> -> memref<2048xf32, #tpu.memory_space<vmem_shared>>
        %dma_wait3A_533 = arith.constant 0 : i32
        %dma_wait3A_534 = tpu.memref_slice %arg12[%arg1, %run_scoped3A, %dma_wait3A_533] : memref<16x16x2048xf32, #tpu.memory_space<vmem_shared>> -> memref<1x1x2048xf32, #tpu.memory_space<vmem_shared>>
        %dma_wait3A_535 = tpu.memref_squeeze %dma_wait3A_534 : memref<1x1x2048xf32, #tpu.memory_space<vmem_shared>> -> memref<2048xf32, #tpu.memory_space<vmem_shared>>
        tpu.wait_dma2 semaphore(%run_scoped3A_525 : memref<!tpu.dma_semaphore, #tpu.memory_space<semaphore_mem>>) src(%dma_wait3A_535 : memref<2048xf32, #tpu.memory_space<vmem_shared>>) dst(%arg8 : memref<2048xf32, #tpu.memory_space<vmem>>)
        tpu.yield
      }) : () -> ()
      %scan3A_519 = arith.constant 0 : i32
      %scan3A_520 = arith.constant 0 : i32
      %scan3A_521 = arith.constant 128 : i32
      %scan3A_522 = arith.addi %scan3A_520, %scan3A_521 : i32
      %scan3A_523 = arith.constant 1 : i32
      scf.for %scan3A_525 = %scan3A_520 to %scan3A_522 step %scan3A_523  : i32 {
        %mul3A_526 = arith.constant 16 : i32
        %mul3A_527 = arith.muli %scan3A_525, %mul3A_526 : i32
        %get3A_528 = arith.index_cast %mul3A_527 : i32 to index
        %get3A_529 = tpu.vector_load %arg9[%get3A_528] {strides = array<i32>} : memref<2048xf32, #tpu.memory_space<vmem>>, vector<16xf32>,
        %get3A_530 = arith.index_cast %mul3A_527 : i32 to index
        %get3A_531 = tpu.vector_load %arg8[%get3A_530] {strides = array<i32>} : memref<2048xf32, #tpu.memory_space<vmem>>, vector<16xf32>,
        %add3A_532 = arith.addf %get3A_529, %get3A_531 : vector<16xf32>
        %swap3A_533 = arith.index_cast %mul3A_527 : i32 to index
        %swap3A_534 = tpu.vector_load %arg9[%swap3A_533] {strides = array<i32>} : memref<2048xf32, #tpu.memory_space<vmem>>, vector<16xf32>,
        tpu.vector_store %arg9[%swap3A_533], %add3A_532 {strides = array<i32>} : memref<2048xf32, #tpu.memory_space<vmem>>, vector<16xf32>,
      }
      %scan3A_524 = arith.constant 128 : i32
    } else {
    }
    %get3A_433 = arith.constant 160 : index
    %get3A_434 = tpu.vector_load %arg11[%get3A_433] {strides = array<i32>} : memref<256xi32, #tpu.memory_space<vmem>>, vector<16xi32>,
    %slice3A_435 = vector.extract_strided_slice %get3A_434 {offsets = [0], sizes = [1], strides = [1]} : vector<16xi32> to vector<1xi32>
    %squeeze3A_436 = vector.extract %slice3A_435[0] : i32 from vector<1xi32>
    %slice3A_437 = vector.extract_strided_slice %get3A_434 {offsets = [8], sizes = [1], strides = [1]} : vector<16xi32> to vector<1xi32>
    %squeeze3A_438 = vector.extract %slice3A_437[0] : i32 from vector<1xi32>
    %add3A_439 = arith.constant 256 : i32
    %add3A_440 = arith.addi %mul3A_292, %add3A_439 : i32
    %lt3A_441 = arith.cmpi slt, %squeeze3A_436, %add3A_440 : i32
    %ge3A_442 = arith.cmpi sge, %squeeze3A_438, %mul3A_292 : i32
    %and3A_443 = arith.andi %lt3A_441, %ge3A_442 : i1
    %convert_element_type3A_444 = arith.extui %and3A_443 : i1 to i32
    %cond3A_445 = arith.constant 0 : i32
    %cond3A_446 = arith.cmpi ne, %convert_element_type3A_444, %cond3A_445 : i32
    scf.if %cond3A_446 {
      %run_scoped3A = arith.constant 10 : i32
      "tpu.region"() ({
        %run_scoped3A_525 = tpu.sem_alloc : memref<!tpu.dma_semaphore, #tpu.memory_space<semaphore_mem>>
        %dma_start3A = arith.constant 0 : i32
        %dma_start3A_526 = tpu.memref_slice %arg12[%arg1, %run_scoped3A, %dma_start3A] : memref<16x16x2048xf32, #tpu.memory_space<vmem_shared>> -> memref<1x1x2048xf32, #tpu.memory_space<vmem_shared>>
        %dma_start3A_527 = tpu.memref_squeeze %dma_start3A_526 : memref<1x1x2048xf32, #tpu.memory_space<vmem_shared>> -> memref<2048xf32, #tpu.memory_space<vmem_shared>>
        %dma_start3A_528 = arith.constant 0 : i32
        %dma_start3A_529 = tpu.memref_slice %arg12[%arg1, %run_scoped3A, %dma_start3A_528] : memref<16x16x2048xf32, #tpu.memory_space<vmem_shared>> -> memref<1x1x2048xf32, #tpu.memory_space<vmem_shared>>
        %dma_start3A_530 = tpu.memref_squeeze %dma_start3A_529 : memref<1x1x2048xf32, #tpu.memory_space<vmem_shared>> -> memref<2048xf32, #tpu.memory_space<vmem_shared>>
        tpu.enqueue_dma source(%dma_start3A_530 : memref<2048xf32, #tpu.memory_space<vmem_shared>>) target(%arg8 : memref<2048xf32, #tpu.memory_space<vmem>>) target_semaphore(%run_scoped3A_525 : memref<!tpu.dma_semaphore, #tpu.memory_space<semaphore_mem>>)
        %dma_wait3A = arith.constant 0 : i32
        %dma_wait3A_531 = tpu.memref_slice %arg12[%arg1, %run_scoped3A, %dma_wait3A] : memref<16x16x2048xf32, #tpu.memory_space<vmem_shared>> -> memref<1x1x2048xf32, #tpu.memory_space<vmem_shared>>
        %dma_wait3A_532 = tpu.memref_squeeze %dma_wait3A_531 : memref<1x1x2048xf32, #tpu.memory_space<vmem_shared>> -> memref<2048xf32, #tpu.memory_space<vmem_shared>>
        %dma_wait3A_533 = arith.constant 0 : i32
        %dma_wait3A_534 = tpu.memref_slice %arg12[%arg1, %run_scoped3A, %dma_wait3A_533] : memref<16x16x2048xf32, #tpu.memory_space<vmem_shared>> -> memref<1x1x2048xf32, #tpu.memory_space<vmem_shared>>
        %dma_wait3A_535 = tpu.memref_squeeze %dma_wait3A_534 : memref<1x1x2048xf32, #tpu.memory_space<vmem_shared>> -> memref<2048xf32, #tpu.memory_space<vmem_shared>>
        tpu.wait_dma2 semaphore(%run_scoped3A_525 : memref<!tpu.dma_semaphore, #tpu.memory_space<semaphore_mem>>) src(%dma_wait3A_535 : memref<2048xf32, #tpu.memory_space<vmem_shared>>) dst(%arg8 : memref<2048xf32, #tpu.memory_space<vmem>>)
        tpu.yield
      }) : () -> ()
      %scan3A_519 = arith.constant 0 : i32
      %scan3A_520 = arith.constant 0 : i32
      %scan3A_521 = arith.constant 128 : i32
      %scan3A_522 = arith.addi %scan3A_520, %scan3A_521 : i32
      %scan3A_523 = arith.constant 1 : i32
      scf.for %scan3A_525 = %scan3A_520 to %scan3A_522 step %scan3A_523  : i32 {
        %mul3A_526 = arith.constant 16 : i32
        %mul3A_527 = arith.muli %scan3A_525, %mul3A_526 : i32
        %get3A_528 = arith.index_cast %mul3A_527 : i32 to index
        %get3A_529 = tpu.vector_load %arg9[%get3A_528] {strides = array<i32>} : memref<2048xf32, #tpu.memory_space<vmem>>, vector<16xf32>,
        %get3A_530 = arith.index_cast %mul3A_527 : i32 to index
        %get3A_531 = tpu.vector_load %arg8[%get3A_530] {strides = array<i32>} : memref<2048xf32, #tpu.memory_space<vmem>>, vector<16xf32>,
        %add3A_532 = arith.addf %get3A_529, %get3A_531 : vector<16xf32>
        %swap3A_533 = arith.index_cast %mul3A_527 : i32 to index
        %swap3A_534 = tpu.vector_load %arg9[%swap3A_533] {strides = array<i32>} : memref<2048xf32, #tpu.memory_space<vmem>>, vector<16xf32>,
        tpu.vector_store %arg9[%swap3A_533], %add3A_532 {strides = array<i32>} : memref<2048xf32, #tpu.memory_space<vmem>>, vector<16xf32>,
      }
      %scan3A_524 = arith.constant 128 : i32
    } else {
    }
    %get3A_447 = arith.constant 176 : index
    %get3A_448 = tpu.vector_load %arg11[%get3A_447] {strides = array<i32>} : memref<256xi32, #tpu.memory_space<vmem>>, vector<16xi32>,
    %slice3A_449 = vector.extract_strided_slice %get3A_448 {offsets = [0], sizes = [1], strides = [1]} : vector<16xi32> to vector<1xi32>
    %squeeze3A_450 = vector.extract %slice3A_449[0] : i32 from vector<1xi32>
    %slice3A_451 = vector.extract_strided_slice %get3A_448 {offsets = [8], sizes = [1], strides = [1]} : vector<16xi32> to vector<1xi32>
    %squeeze3A_452 = vector.extract %slice3A_451[0] : i32 from vector<1xi32>
    %add3A_453 = arith.constant 256 : i32
    %add3A_454 = arith.addi %mul3A_292, %add3A_453 : i32
    %lt3A_455 = arith.cmpi slt, %squeeze3A_450, %add3A_454 : i32
    %ge3A_456 = arith.cmpi sge, %squeeze3A_452, %mul3A_292 : i32
    %and3A_457 = arith.andi %lt3A_455, %ge3A_456 : i1
    %convert_element_type3A_458 = arith.extui %and3A_457 : i1 to i32
    %cond3A_459 = arith.constant 0 : i32
    %cond3A_460 = arith.cmpi ne, %convert_element_type3A_458, %cond3A_459 : i32
    scf.if %cond3A_460 {
      %run_scoped3A = arith.constant 11 : i32
      "tpu.region"() ({
        %run_scoped3A_525 = tpu.sem_alloc : memref<!tpu.dma_semaphore, #tpu.memory_space<semaphore_mem>>
        %dma_start3A = arith.constant 0 : i32
        %dma_start3A_526 = tpu.memref_slice %arg12[%arg1, %run_scoped3A, %dma_start3A] : memref<16x16x2048xf32, #tpu.memory_space<vmem_shared>> -> memref<1x1x2048xf32, #tpu.memory_space<vmem_shared>>
        %dma_start3A_527 = tpu.memref_squeeze %dma_start3A_526 : memref<1x1x2048xf32, #tpu.memory_space<vmem_shared>> -> memref<2048xf32, #tpu.memory_space<vmem_shared>>
        %dma_start3A_528 = arith.constant 0 : i32
        %dma_start3A_529 = tpu.memref_slice %arg12[%arg1, %run_scoped3A, %dma_start3A_528] : memref<16x16x2048xf32, #tpu.memory_space<vmem_shared>> -> memref<1x1x2048xf32, #tpu.memory_space<vmem_shared>>
        %dma_start3A_530 = tpu.memref_squeeze %dma_start3A_529 : memref<1x1x2048xf32, #tpu.memory_space<vmem_shared>> -> memref<2048xf32, #tpu.memory_space<vmem_shared>>
        tpu.enqueue_dma source(%dma_start3A_530 : memref<2048xf32, #tpu.memory_space<vmem_shared>>) target(%arg8 : memref<2048xf32, #tpu.memory_space<vmem>>) target_semaphore(%run_scoped3A_525 : memref<!tpu.dma_semaphore, #tpu.memory_space<semaphore_mem>>)
        %dma_wait3A = arith.constant 0 : i32
        %dma_wait3A_531 = tpu.memref_slice %arg12[%arg1, %run_scoped3A, %dma_wait3A] : memref<16x16x2048xf32, #tpu.memory_space<vmem_shared>> -> memref<1x1x2048xf32, #tpu.memory_space<vmem_shared>>
        %dma_wait3A_532 = tpu.memref_squeeze %dma_wait3A_531 : memref<1x1x2048xf32, #tpu.memory_space<vmem_shared>> -> memref<2048xf32, #tpu.memory_space<vmem_shared>>
        %dma_wait3A_533 = arith.constant 0 : i32
        %dma_wait3A_534 = tpu.memref_slice %arg12[%arg1, %run_scoped3A, %dma_wait3A_533] : memref<16x16x2048xf32, #tpu.memory_space<vmem_shared>> -> memref<1x1x2048xf32, #tpu.memory_space<vmem_shared>>
        %dma_wait3A_535 = tpu.memref_squeeze %dma_wait3A_534 : memref<1x1x2048xf32, #tpu.memory_space<vmem_shared>> -> memref<2048xf32, #tpu.memory_space<vmem_shared>>
        tpu.wait_dma2 semaphore(%run_scoped3A_525 : memref<!tpu.dma_semaphore, #tpu.memory_space<semaphore_mem>>) src(%dma_wait3A_535 : memref<2048xf32, #tpu.memory_space<vmem_shared>>) dst(%arg8 : memref<2048xf32, #tpu.memory_space<vmem>>)
        tpu.yield
      }) : () -> ()
      %scan3A_519 = arith.constant 0 : i32
      %scan3A_520 = arith.constant 0 : i32
      %scan3A_521 = arith.constant 128 : i32
      %scan3A_522 = arith.addi %scan3A_520, %scan3A_521 : i32
      %scan3A_523 = arith.constant 1 : i32
      scf.for %scan3A_525 = %scan3A_520 to %scan3A_522 step %scan3A_523  : i32 {
        %mul3A_526 = arith.constant 16 : i32
        %mul3A_527 = arith.muli %scan3A_525, %mul3A_526 : i32
        %get3A_528 = arith.index_cast %mul3A_527 : i32 to index
        %get3A_529 = tpu.vector_load %arg9[%get3A_528] {strides = array<i32>} : memref<2048xf32, #tpu.memory_space<vmem>>, vector<16xf32>,
        %get3A_530 = arith.index_cast %mul3A_527 : i32 to index
        %get3A_531 = tpu.vector_load %arg8[%get3A_530] {strides = array<i32>} : memref<2048xf32, #tpu.memory_space<vmem>>, vector<16xf32>,
        %add3A_532 = arith.addf %get3A_529, %get3A_531 : vector<16xf32>
        %swap3A_533 = arith.index_cast %mul3A_527 : i32 to index
        %swap3A_534 = tpu.vector_load %arg9[%swap3A_533] {strides = array<i32>} : memref<2048xf32, #tpu.memory_space<vmem>>, vector<16xf32>,
        tpu.vector_store %arg9[%swap3A_533], %add3A_532 {strides = array<i32>} : memref<2048xf32, #tpu.memory_space<vmem>>, vector<16xf32>,
      }
      %scan3A_524 = arith.constant 128 : i32
    } else {
    }
    %get3A_461 = arith.constant 192 : index
    %get3A_462 = tpu.vector_load %arg11[%get3A_461] {strides = array<i32>} : memref<256xi32, #tpu.memory_space<vmem>>, vector<16xi32>,
    %slice3A_463 = vector.extract_strided_slice %get3A_462 {offsets = [0], sizes = [1], strides = [1]} : vector<16xi32> to vector<1xi32>
    %squeeze3A_464 = vector.extract %slice3A_463[0] : i32 from vector<1xi32>
    %slice3A_465 = vector.extract_strided_slice %get3A_462 {offsets = [8], sizes = [1], strides = [1]} : vector<16xi32> to vector<1xi32>
    %squeeze3A_466 = vector.extract %slice3A_465[0] : i32 from vector<1xi32>
    %add3A_467 = arith.constant 256 : i32
    %add3A_468 = arith.addi %mul3A_292, %add3A_467 : i32
    %lt3A_469 = arith.cmpi slt, %squeeze3A_464, %add3A_468 : i32
    %ge3A_470 = arith.cmpi sge, %squeeze3A_466, %mul3A_292 : i32
    %and3A_471 = arith.andi %lt3A_469, %ge3A_470 : i1
    %convert_element_type3A_472 = arith.extui %and3A_471 : i1 to i32
    %cond3A_473 = arith.constant 0 : i32
    %cond3A_474 = arith.cmpi ne, %convert_element_type3A_472, %cond3A_473 : i32
    scf.if %cond3A_474 {
      %run_scoped3A = arith.constant 12 : i32
      "tpu.region"() ({
        %run_scoped3A_525 = tpu.sem_alloc : memref<!tpu.dma_semaphore, #tpu.memory_space<semaphore_mem>>
        %dma_start3A = arith.constant 0 : i32
        %dma_start3A_526 = tpu.memref_slice %arg12[%arg1, %run_scoped3A, %dma_start3A] : memref<16x16x2048xf32, #tpu.memory_space<vmem_shared>> -> memref<1x1x2048xf32, #tpu.memory_space<vmem_shared>>
        %dma_start3A_527 = tpu.memref_squeeze %dma_start3A_526 : memref<1x1x2048xf32, #tpu.memory_space<vmem_shared>> -> memref<2048xf32, #tpu.memory_space<vmem_shared>>
        %dma_start3A_528 = arith.constant 0 : i32
        %dma_start3A_529 = tpu.memref_slice %arg12[%arg1, %run_scoped3A, %dma_start3A_528] : memref<16x16x2048xf32, #tpu.memory_space<vmem_shared>> -> memref<1x1x2048xf32, #tpu.memory_space<vmem_shared>>
        %dma_start3A_530 = tpu.memref_squeeze %dma_start3A_529 : memref<1x1x2048xf32, #tpu.memory_space<vmem_shared>> -> memref<2048xf32, #tpu.memory_space<vmem_shared>>
        tpu.enqueue_dma source(%dma_start3A_530 : memref<2048xf32, #tpu.memory_space<vmem_shared>>) target(%arg8 : memref<2048xf32, #tpu.memory_space<vmem>>) target_semaphore(%run_scoped3A_525 : memref<!tpu.dma_semaphore, #tpu.memory_space<semaphore_mem>>)
        %dma_wait3A = arith.constant 0 : i32
        %dma_wait3A_531 = tpu.memref_slice %arg12[%arg1, %run_scoped3A, %dma_wait3A] : memref<16x16x2048xf32, #tpu.memory_space<vmem_shared>> -> memref<1x1x2048xf32, #tpu.memory_space<vmem_shared>>
        %dma_wait3A_532 = tpu.memref_squeeze %dma_wait3A_531 : memref<1x1x2048xf32, #tpu.memory_space<vmem_shared>> -> memref<2048xf32, #tpu.memory_space<vmem_shared>>
        %dma_wait3A_533 = arith.constant 0 : i32
        %dma_wait3A_534 = tpu.memref_slice %arg12[%arg1, %run_scoped3A, %dma_wait3A_533] : memref<16x16x2048xf32, #tpu.memory_space<vmem_shared>> -> memref<1x1x2048xf32, #tpu.memory_space<vmem_shared>>
        %dma_wait3A_535 = tpu.memref_squeeze %dma_wait3A_534 : memref<1x1x2048xf32, #tpu.memory_space<vmem_shared>> -> memref<2048xf32, #tpu.memory_space<vmem_shared>>
        tpu.wait_dma2 semaphore(%run_scoped3A_525 : memref<!tpu.dma_semaphore, #tpu.memory_space<semaphore_mem>>) src(%dma_wait3A_535 : memref<2048xf32, #tpu.memory_space<vmem_shared>>) dst(%arg8 : memref<2048xf32, #tpu.memory_space<vmem>>)
        tpu.yield
      }) : () -> ()
      %scan3A_519 = arith.constant 0 : i32
      %scan3A_520 = arith.constant 0 : i32
      %scan3A_521 = arith.constant 128 : i32
      %scan3A_522 = arith.addi %scan3A_520, %scan3A_521 : i32
      %scan3A_523 = arith.constant 1 : i32
      scf.for %scan3A_525 = %scan3A_520 to %scan3A_522 step %scan3A_523  : i32 {
        %mul3A_526 = arith.constant 16 : i32
        %mul3A_527 = arith.muli %scan3A_525, %mul3A_526 : i32
        %get3A_528 = arith.index_cast %mul3A_527 : i32 to index
        %get3A_529 = tpu.vector_load %arg9[%get3A_528] {strides = array<i32>} : memref<2048xf32, #tpu.memory_space<vmem>>, vector<16xf32>,
        %get3A_530 = arith.index_cast %mul3A_527 : i32 to index
        %get3A_531 = tpu.vector_load %arg8[%get3A_530] {strides = array<i32>} : memref<2048xf32, #tpu.memory_space<vmem>>, vector<16xf32>,
        %add3A_532 = arith.addf %get3A_529, %get3A_531 : vector<16xf32>
        %swap3A_533 = arith.index_cast %mul3A_527 : i32 to index
        %swap3A_534 = tpu.vector_load %arg9[%swap3A_533] {strides = array<i32>} : memref<2048xf32, #tpu.memory_space<vmem>>, vector<16xf32>,
        tpu.vector_store %arg9[%swap3A_533], %add3A_532 {strides = array<i32>} : memref<2048xf32, #tpu.memory_space<vmem>>, vector<16xf32>,
      }
      %scan3A_524 = arith.constant 128 : i32
    } else {
    }
    %get3A_475 = arith.constant 208 : index
    %get3A_476 = tpu.vector_load %arg11[%get3A_475] {strides = array<i32>} : memref<256xi32, #tpu.memory_space<vmem>>, vector<16xi32>,
    %slice3A_477 = vector.extract_strided_slice %get3A_476 {offsets = [0], sizes = [1], strides = [1]} : vector<16xi32> to vector<1xi32>
    %squeeze3A_478 = vector.extract %slice3A_477[0] : i32 from vector<1xi32>
    %slice3A_479 = vector.extract_strided_slice %get3A_476 {offsets = [8], sizes = [1], strides = [1]} : vector<16xi32> to vector<1xi32>
    %squeeze3A_480 = vector.extract %slice3A_479[0] : i32 from vector<1xi32>
    %add3A_481 = arith.constant 256 : i32
    %add3A_482 = arith.addi %mul3A_292, %add3A_481 : i32
    %lt3A_483 = arith.cmpi slt, %squeeze3A_478, %add3A_482 : i32
    %ge3A_484 = arith.cmpi sge, %squeeze3A_480, %mul3A_292 : i32
    %and3A_485 = arith.andi %lt3A_483, %ge3A_484 : i1
    %convert_element_type3A_486 = arith.extui %and3A_485 : i1 to i32
    %cond3A_487 = arith.constant 0 : i32
    %cond3A_488 = arith.cmpi ne, %convert_element_type3A_486, %cond3A_487 : i32
    scf.if %cond3A_488 {
      %run_scoped3A = arith.constant 13 : i32
      "tpu.region"() ({
        %run_scoped3A_525 = tpu.sem_alloc : memref<!tpu.dma_semaphore, #tpu.memory_space<semaphore_mem>>
        %dma_start3A = arith.constant 0 : i32
        %dma_start3A_526 = tpu.memref_slice %arg12[%arg1, %run_scoped3A, %dma_start3A] : memref<16x16x2048xf32, #tpu.memory_space<vmem_shared>> -> memref<1x1x2048xf32, #tpu.memory_space<vmem_shared>>
        %dma_start3A_527 = tpu.memref_squeeze %dma_start3A_526 : memref<1x1x2048xf32, #tpu.memory_space<vmem_shared>> -> memref<2048xf32, #tpu.memory_space<vmem_shared>>
        %dma_start3A_528 = arith.constant 0 : i32
        %dma_start3A_529 = tpu.memref_slice %arg12[%arg1, %run_scoped3A, %dma_start3A_528] : memref<16x16x2048xf32, #tpu.memory_space<vmem_shared>> -> memref<1x1x2048xf32, #tpu.memory_space<vmem_shared>>
        %dma_start3A_530 = tpu.memref_squeeze %dma_start3A_529 : memref<1x1x2048xf32, #tpu.memory_space<vmem_shared>> -> memref<2048xf32, #tpu.memory_space<vmem_shared>>
        tpu.enqueue_dma source(%dma_start3A_530 : memref<2048xf32, #tpu.memory_space<vmem_shared>>) target(%arg8 : memref<2048xf32, #tpu.memory_space<vmem>>) target_semaphore(%run_scoped3A_525 : memref<!tpu.dma_semaphore, #tpu.memory_space<semaphore_mem>>)
        %dma_wait3A = arith.constant 0 : i32
        %dma_wait3A_531 = tpu.memref_slice %arg12[%arg1, %run_scoped3A, %dma_wait3A] : memref<16x16x2048xf32, #tpu.memory_space<vmem_shared>> -> memref<1x1x2048xf32, #tpu.memory_space<vmem_shared>>
        %dma_wait3A_532 = tpu.memref_squeeze %dma_wait3A_531 : memref<1x1x2048xf32, #tpu.memory_space<vmem_shared>> -> memref<2048xf32, #tpu.memory_space<vmem_shared>>
        %dma_wait3A_533 = arith.constant 0 : i32
        %dma_wait3A_534 = tpu.memref_slice %arg12[%arg1, %run_scoped3A, %dma_wait3A_533] : memref<16x16x2048xf32, #tpu.memory_space<vmem_shared>> -> memref<1x1x2048xf32, #tpu.memory_space<vmem_shared>>
        %dma_wait3A_535 = tpu.memref_squeeze %dma_wait3A_534 : memref<1x1x2048xf32, #tpu.memory_space<vmem_shared>> -> memref<2048xf32, #tpu.memory_space<vmem_shared>>
        tpu.wait_dma2 semaphore(%run_scoped3A_525 : memref<!tpu.dma_semaphore, #tpu.memory_space<semaphore_mem>>) src(%dma_wait3A_535 : memref<2048xf32, #tpu.memory_space<vmem_shared>>) dst(%arg8 : memref<2048xf32, #tpu.memory_space<vmem>>)
        tpu.yield
      }) : () -> ()
      %scan3A_519 = arith.constant 0 : i32
      %scan3A_520 = arith.constant 0 : i32
      %scan3A_521 = arith.constant 128 : i32
      %scan3A_522 = arith.addi %scan3A_520, %scan3A_521 : i32
      %scan3A_523 = arith.constant 1 : i32
      scf.for %scan3A_525 = %scan3A_520 to %scan3A_522 step %scan3A_523  : i32 {
        %mul3A_526 = arith.constant 16 : i32
        %mul3A_527 = arith.muli %scan3A_525, %mul3A_526 : i32
        %get3A_528 = arith.index_cast %mul3A_527 : i32 to index
        %get3A_529 = tpu.vector_load %arg9[%get3A_528] {strides = array<i32>} : memref<2048xf32, #tpu.memory_space<vmem>>, vector<16xf32>,
        %get3A_530 = arith.index_cast %mul3A_527 : i32 to index
        %get3A_531 = tpu.vector_load %arg8[%get3A_530] {strides = array<i32>} : memref<2048xf32, #tpu.memory_space<vmem>>, vector<16xf32>,
        %add3A_532 = arith.addf %get3A_529, %get3A_531 : vector<16xf32>
        %swap3A_533 = arith.index_cast %mul3A_527 : i32 to index
        %swap3A_534 = tpu.vector_load %arg9[%swap3A_533] {strides = array<i32>} : memref<2048xf32, #tpu.memory_space<vmem>>, vector<16xf32>,
        tpu.vector_store %arg9[%swap3A_533], %add3A_532 {strides = array<i32>} : memref<2048xf32, #tpu.memory_space<vmem>>, vector<16xf32>,
      }
      %scan3A_524 = arith.constant 128 : i32
    } else {
    }
    %get3A_489 = arith.constant 224 : index
    %get3A_490 = tpu.vector_load %arg11[%get3A_489] {strides = array<i32>} : memref<256xi32, #tpu.memory_space<vmem>>, vector<16xi32>,
    %slice3A_491 = vector.extract_strided_slice %get3A_490 {offsets = [0], sizes = [1], strides = [1]} : vector<16xi32> to vector<1xi32>
    %squeeze3A_492 = vector.extract %slice3A_491[0] : i32 from vector<1xi32>
    %slice3A_493 = vector.extract_strided_slice %get3A_490 {offsets = [8], sizes = [1], strides = [1]} : vector<16xi32> to vector<1xi32>
    %squeeze3A_494 = vector.extract %slice3A_493[0] : i32 from vector<1xi32>
    %add3A_495 = arith.constant 256 : i32
    %add3A_496 = arith.addi %mul3A_292, %add3A_495 : i32
    %lt3A_497 = arith.cmpi slt, %squeeze3A_492, %add3A_496 : i32
    %ge3A_498 = arith.cmpi sge, %squeeze3A_494, %mul3A_292 : i32
    %and3A_499 = arith.andi %lt3A_497, %ge3A_498 : i1
    %convert_element_type3A_500 = arith.extui %and3A_499 : i1 to i32
    %cond3A_501 = arith.constant 0 : i32
    %cond3A_502 = arith.cmpi ne, %convert_element_type3A_500, %cond3A_501 : i32
    scf.if %cond3A_502 {
      %run_scoped3A = arith.constant 14 : i32
      "tpu.region"() ({
        %run_scoped3A_525 = tpu.sem_alloc : memref<!tpu.dma_semaphore, #tpu.memory_space<semaphore_mem>>
        %dma_start3A = arith.constant 0 : i32
        %dma_start3A_526 = tpu.memref_slice %arg12[%arg1, %run_scoped3A, %dma_start3A] : memref<16x16x2048xf32, #tpu.memory_space<vmem_shared>> -> memref<1x1x2048xf32, #tpu.memory_space<vmem_shared>>
        %dma_start3A_527 = tpu.memref_squeeze %dma_start3A_526 : memref<1x1x2048xf32, #tpu.memory_space<vmem_shared>> -> memref<2048xf32, #tpu.memory_space<vmem_shared>>
        %dma_start3A_528 = arith.constant 0 : i32
        %dma_start3A_529 = tpu.memref_slice %arg12[%arg1, %run_scoped3A, %dma_start3A_528] : memref<16x16x2048xf32, #tpu.memory_space<vmem_shared>> -> memref<1x1x2048xf32, #tpu.memory_space<vmem_shared>>
        %dma_start3A_530 = tpu.memref_squeeze %dma_start3A_529 : memref<1x1x2048xf32, #tpu.memory_space<vmem_shared>> -> memref<2048xf32, #tpu.memory_space<vmem_shared>>
        tpu.enqueue_dma source(%dma_start3A_530 : memref<2048xf32, #tpu.memory_space<vmem_shared>>) target(%arg8 : memref<2048xf32, #tpu.memory_space<vmem>>) target_semaphore(%run_scoped3A_525 : memref<!tpu.dma_semaphore, #tpu.memory_space<semaphore_mem>>)
        %dma_wait3A = arith.constant 0 : i32
        %dma_wait3A_531 = tpu.memref_slice %arg12[%arg1, %run_scoped3A, %dma_wait3A] : memref<16x16x2048xf32, #tpu.memory_space<vmem_shared>> -> memref<1x1x2048xf32, #tpu.memory_space<vmem_shared>>
        %dma_wait3A_532 = tpu.memref_squeeze %dma_wait3A_531 : memref<1x1x2048xf32, #tpu.memory_space<vmem_shared>> -> memref<2048xf32, #tpu.memory_space<vmem_shared>>
        %dma_wait3A_533 = arith.constant 0 : i32
        %dma_wait3A_534 = tpu.memref_slice %arg12[%arg1, %run_scoped3A, %dma_wait3A_533] : memref<16x16x2048xf32, #tpu.memory_space<vmem_shared>> -> memref<1x1x2048xf32, #tpu.memory_space<vmem_shared>>
        %dma_wait3A_535 = tpu.memref_squeeze %dma_wait3A_534 : memref<1x1x2048xf32, #tpu.memory_space<vmem_shared>> -> memref<2048xf32, #tpu.memory_space<vmem_shared>>
        tpu.wait_dma2 semaphore(%run_scoped3A_525 : memref<!tpu.dma_semaphore, #tpu.memory_space<semaphore_mem>>) src(%dma_wait3A_535 : memref<2048xf32, #tpu.memory_space<vmem_shared>>) dst(%arg8 : memref<2048xf32, #tpu.memory_space<vmem>>)
        tpu.yield
      }) : () -> ()
      %scan3A_519 = arith.constant 0 : i32
      %scan3A_520 = arith.constant 0 : i32
      %scan3A_521 = arith.constant 128 : i32
      %scan3A_522 = arith.addi %scan3A_520, %scan3A_521 : i32
      %scan3A_523 = arith.constant 1 : i32
      scf.for %scan3A_525 = %scan3A_520 to %scan3A_522 step %scan3A_523  : i32 {
        %mul3A_526 = arith.constant 16 : i32
        %mul3A_527 = arith.muli %scan3A_525, %mul3A_526 : i32
        %get3A_528 = arith.index_cast %mul3A_527 : i32 to index
        %get3A_529 = tpu.vector_load %arg9[%get3A_528] {strides = array<i32>} : memref<2048xf32, #tpu.memory_space<vmem>>, vector<16xf32>,
        %get3A_530 = arith.index_cast %mul3A_527 : i32 to index
        %get3A_531 = tpu.vector_load %arg8[%get3A_530] {strides = array<i32>} : memref<2048xf32, #tpu.memory_space<vmem>>, vector<16xf32>,
        %add3A_532 = arith.addf %get3A_529, %get3A_531 : vector<16xf32>
        %swap3A_533 = arith.index_cast %mul3A_527 : i32 to index
        %swap3A_534 = tpu.vector_load %arg9[%swap3A_533] {strides = array<i32>} : memref<2048xf32, #tpu.memory_space<vmem>>, vector<16xf32>,
        tpu.vector_store %arg9[%swap3A_533], %add3A_532 {strides = array<i32>} : memref<2048xf32, #tpu.memory_space<vmem>>, vector<16xf32>,
      }
      %scan3A_524 = arith.constant 128 : i32
    } else {
    }
    %get3A_503 = arith.constant 240 : index
    %get3A_504 = tpu.vector_load %arg11[%get3A_503] {strides = array<i32>} : memref<256xi32, #tpu.memory_space<vmem>>, vector<16xi32>,
    %slice3A_505 = vector.extract_strided_slice %get3A_504 {offsets = [0], sizes = [1], strides = [1]} : vector<16xi32> to vector<1xi32>
    %squeeze3A_506 = vector.extract %slice3A_505[0] : i32 from vector<1xi32>
    %slice3A_507 = vector.extract_strided_slice %get3A_504 {offsets = [8], sizes = [1], strides = [1]} : vector<16xi32> to vector<1xi32>
    %squeeze3A_508 = vector.extract %slice3A_507[0] : i32 from vector<1xi32>
    %add3A_509 = arith.constant 256 : i32
    %add3A_510 = arith.addi %mul3A_292, %add3A_509 : i32
    %lt3A_511 = arith.cmpi slt, %squeeze3A_506, %add3A_510 : i32
    %ge3A_512 = arith.cmpi sge, %squeeze3A_508, %mul3A_292 : i32
    %and3A_513 = arith.andi %lt3A_511, %ge3A_512 : i1
    %convert_element_type3A_514 = arith.extui %and3A_513 : i1 to i32
    %cond3A_515 = arith.constant 0 : i32
    %cond3A_516 = arith.cmpi ne, %convert_element_type3A_514, %cond3A_515 : i32
    scf.if %cond3A_516 {
      %run_scoped3A = arith.constant 15 : i32
      "tpu.region"() ({
        %run_scoped3A_525 = tpu.sem_alloc : memref<!tpu.dma_semaphore, #tpu.memory_space<semaphore_mem>>
        %dma_start3A = arith.constant 0 : i32
        %dma_start3A_526 = tpu.memref_slice %arg12[%arg1, %run_scoped3A, %dma_start3A] : memref<16x16x2048xf32, #tpu.memory_space<vmem_shared>> -> memref<1x1x2048xf32, #tpu.memory_space<vmem_shared>>
        %dma_start3A_527 = tpu.memref_squeeze %dma_start3A_526 : memref<1x1x2048xf32, #tpu.memory_space<vmem_shared>> -> memref<2048xf32, #tpu.memory_space<vmem_shared>>
        %dma_start3A_528 = arith.constant 0 : i32
        %dma_start3A_529 = tpu.memref_slice %arg12[%arg1, %run_scoped3A, %dma_start3A_528] : memref<16x16x2048xf32, #tpu.memory_space<vmem_shared>> -> memref<1x1x2048xf32, #tpu.memory_space<vmem_shared>>
        %dma_start3A_530 = tpu.memref_squeeze %dma_start3A_529 : memref<1x1x2048xf32, #tpu.memory_space<vmem_shared>> -> memref<2048xf32, #tpu.memory_space<vmem_shared>>
        tpu.enqueue_dma source(%dma_start3A_530 : memref<2048xf32, #tpu.memory_space<vmem_shared>>) target(%arg8 : memref<2048xf32, #tpu.memory_space<vmem>>) target_semaphore(%run_scoped3A_525 : memref<!tpu.dma_semaphore, #tpu.memory_space<semaphore_mem>>)
        %dma_wait3A = arith.constant 0 : i32
        %dma_wait3A_531 = tpu.memref_slice %arg12[%arg1, %run_scoped3A, %dma_wait3A] : memref<16x16x2048xf32, #tpu.memory_space<vmem_shared>> -> memref<1x1x2048xf32, #tpu.memory_space<vmem_shared>>
        %dma_wait3A_532 = tpu.memref_squeeze %dma_wait3A_531 : memref<1x1x2048xf32, #tpu.memory_space<vmem_shared>> -> memref<2048xf32, #tpu.memory_space<vmem_shared>>
        %dma_wait3A_533 = arith.constant 0 : i32
        %dma_wait3A_534 = tpu.memref_slice %arg12[%arg1, %run_scoped3A, %dma_wait3A_533] : memref<16x16x2048xf32, #tpu.memory_space<vmem_shared>> -> memref<1x1x2048xf32, #tpu.memory_space<vmem_shared>>
        %dma_wait3A_535 = tpu.memref_squeeze %dma_wait3A_534 : memref<1x1x2048xf32, #tpu.memory_space<vmem_shared>> -> memref<2048xf32, #tpu.memory_space<vmem_shared>>
        tpu.wait_dma2 semaphore(%run_scoped3A_525 : memref<!tpu.dma_semaphore, #tpu.memory_space<semaphore_mem>>) src(%dma_wait3A_535 : memref<2048xf32, #tpu.memory_space<vmem_shared>>) dst(%arg8 : memref<2048xf32, #tpu.memory_space<vmem>>)
        tpu.yield
      }) : () -> ()
      %scan3A_519 = arith.constant 0 : i32
      %scan3A_520 = arith.constant 0 : i32
      %scan3A_521 = arith.constant 128 : i32
      %scan3A_522 = arith.addi %scan3A_520, %scan3A_521 : i32
      %scan3A_523 = arith.constant 1 : i32
      scf.for %scan3A_525 = %scan3A_520 to %scan3A_522 step %scan3A_523  : i32 {
        %mul3A_526 = arith.constant 16 : i32
        %mul3A_527 = arith.muli %scan3A_525, %mul3A_526 : i32
        %get3A_528 = arith.index_cast %mul3A_527 : i32 to index
        %get3A_529 = tpu.vector_load %arg9[%get3A_528] {strides = array<i32>} : memref<2048xf32, #tpu.memory_space<vmem>>, vector<16xf32>,
        %get3A_530 = arith.index_cast %mul3A_527 : i32 to index
        %get3A_531 = tpu.vector_load %arg8[%get3A_530] {strides = array<i32>} : memref<2048xf32, #tpu.memory_space<vmem>>, vector<16xf32>,
        %add3A_532 = arith.addf %get3A_529, %get3A_531 : vector<16xf32>
        %swap3A_533 = arith.index_cast %mul3A_527 : i32 to index
        %swap3A_534 = tpu.vector_load %arg9[%swap3A_533] {strides = array<i32>} : memref<2048xf32, #tpu.memory_space<vmem>>, vector<16xf32>,
        tpu.vector_store %arg9[%swap3A_533], %add3A_532 {strides = array<i32>} : memref<2048xf32, #tpu.memory_space<vmem>>, vector<16xf32>,
      }
      %scan3A_524 = arith.constant 128 : i32
    } else {
    }
    %mul3A_517 = arith.constant 2048 : i32
    %mul3A_518 = arith.muli %arg1, %mul3A_517 : i32
    "tpu.region"() ({
      %run_scoped3A = tpu.sem_alloc : memref<!tpu.dma_semaphore, #tpu.memory_space<semaphore_mem>>
      %dma_start3A = tpu.memref_slice %arg4[%arg0, %mul3A_518] : memref<2x32768xf32, #tpu.memory_space<hbm>> -> memref<1x2048xf32, #tpu.memory_space<hbm>>
      %dma_start3A_519 = tpu.memref_squeeze %dma_start3A : memref<1x2048xf32, #tpu.memory_space<hbm>> -> memref<2048xf32, #tpu.memory_space<hbm>>
      %dma_start3A_520 = tpu.memref_slice %arg4[%arg0, %mul3A_518] : memref<2x32768xf32, #tpu.memory_space<hbm>> -> memref<1x2048xf32, #tpu.memory_space<hbm>>
      %dma_start3A_521 = tpu.memref_squeeze %dma_start3A_520 : memref<1x2048xf32, #tpu.memory_space<hbm>> -> memref<2048xf32, #tpu.memory_space<hbm>>
      tpu.enqueue_dma source(%arg9 : memref<2048xf32, #tpu.memory_space<vmem>>) target(%dma_start3A_521 : memref<2048xf32, #tpu.memory_space<hbm>>) target_semaphore(%run_scoped3A : memref<!tpu.dma_semaphore, #tpu.memory_space<semaphore_mem>>)
      %dma_wait3A = tpu.memref_slice %arg4[%arg0, %mul3A_518] : memref<2x32768xf32, #tpu.memory_space<hbm>> -> memref<1x2048xf32, #tpu.memory_space<hbm>>
      %dma_wait3A_522 = tpu.memref_squeeze %dma_wait3A : memref<1x2048xf32, #tpu.memory_space<hbm>> -> memref<2048xf32, #tpu.memory_space<hbm>>
      %dma_wait3A_523 = tpu.memref_slice %arg4[%arg0, %mul3A_518] : memref<2x32768xf32, #tpu.memory_space<hbm>> -> memref<1x2048xf32, #tpu.memory_space<hbm>>
      %dma_wait3A_524 = tpu.memref_squeeze %dma_wait3A_523 : memref<1x2048xf32, #tpu.memory_space<hbm>> -> memref<2048xf32, #tpu.memory_space<hbm>>
      tpu.wait_dma2 semaphore(%run_scoped3A : memref<!tpu.dma_semaphore, #tpu.memory_space<semaphore_mem>>) src(%arg9 : memref<2048xf32, #tpu.memory_space<vmem>>) dst(%dma_wait3A_524 : memref<2048xf32, #tpu.memory_space<hbm>>)
      tpu.yield
    }) : () -> ()
    return
  }
}

module attributes {stable_mosaic.version = 14 : i64} {
  func.func @_mlp_body(%arg0: i32, %arg1: memref<2048x128xf32, #tpu.memory_space<vmem>>, %arg2: memref<3x2048xf32, #tpu.memory_space<vmem>>, %arg3: memref<2048xi32, #tpu.memory_space<vmem>>, %arg4: memref<64x128xf32, #tpu.memory_space<vmem>>, %arg5: memref<1x64xf32, #tpu.memory_space<vmem>>, %arg6: memref<1x64xf32, #tpu.memory_space<vmem>>, %arg7: memref<1x1xf32, #tpu.memory_space<vmem>>, %arg8: memref<1x128xf32, #tpu.memory_space<vmem>>, %arg9: memref<16x8x128xf32, #tpu.memory_space<vmem>>) attributes {dimension_semantics = [#tpu.dimension_semantics<arbitrary>], iteration_bounds = array<i64: 49>, scalar_prefetch = 0 : i64, scratch_operands = 0 : i64, tpu.core_type = #tpu.core_type<tc>, window_params = [{transform_indices = @transform_0, window_bounds = array<i64: 2048, 128>}, {transform_indices = @transform_1, window_bounds = array<i64: 3, 2048>}, {transform_indices = @transform_2, window_bounds = array<i64: 2048>}, {pipeline_mode = #tpu.pipeline_mode<synchronous>, transform_indices = @transform_3, window_bounds = array<i64: 64, 128>}, {pipeline_mode = #tpu.pipeline_mode<synchronous>, transform_indices = @transform_4, window_bounds = array<i64: 1, 64>}, {pipeline_mode = #tpu.pipeline_mode<synchronous>, transform_indices = @transform_5, window_bounds = array<i64: 1, 64>}, {pipeline_mode = #tpu.pipeline_mode<synchronous>, transform_indices = @transform_6, window_bounds = array<i64: 1, 1>}, {pipeline_mode = #tpu.pipeline_mode<synchronous>, transform_indices = @transform_7, window_bounds = array<i64: 1, 128>}, {transform_indices = @transform_8, window_bounds = array<i64: 16, 8, 128>}]} {
    %get3A = arith.constant 0 : index
    %get3A_0 = arith.constant 0 : index
    %get3A_1 = vector.load %arg1[%get3A, %get3A_0] : memref<2048x128xf32, #tpu.memory_space<vmem>>, vector<2048x128xf32>
    %get3A_2 = arith.constant 0 : index
    %get3A_3 = arith.constant 0 : index
    %get3A_4 = vector.load %arg4[%get3A_2, %get3A_3] : memref<64x128xf32, #tpu.memory_space<vmem>>, vector<64x128xf32>
    %dot_general3A = arith.constant dense<0.000000e+00> : vector<2048x64xf32>
    %dot_general3A_5 = tpu.matmul %get3A_1, %get3A_4, %dot_general3A {dimension_numbers = #tpu.dot_dimension_numbers<[1], [1], [0], [0], [0, 0, 1, 0], [], []>, transpose_lhs_hint = false} : vector<2048x128xf32>, vector<64x128xf32>, vector<2048x64xf32> -> vector<2048x64xf32>
    %get3A_6 = arith.constant 0 : index
    %get3A_7 = arith.constant 0 : index
    %get3A_8 = vector.load %arg5[%get3A_6, %get3A_7] : memref<1x64xf32, #tpu.memory_space<vmem>>, vector<1x64xf32>
    %add3A = vector.broadcast %get3A_8 : vector<1x64xf32> to vector<2048x64xf32>
    %add3A_9 = arith.addf %dot_general3A_5, %add3A : vector<2048x64xf32>
    %neg3A = arith.constant 0.000000e+00 : f32
    %neg3A_10 = vector.broadcast %neg3A : f32 to vector<2048x64xf32>
    %neg3A_11 = arith.subf %neg3A_10, %add3A_9 : vector<2048x64xf32>
    %exp3A = math.exp %neg3A_11 : vector<2048x64xf32>
    %add3A_12 = arith.constant 1.000000e+00 : f32
    %add3A_13 = vector.broadcast %add3A_12 : f32 to vector<2048x64xf32>
    %add3A_14 = arith.addf %add3A_13, %exp3A : vector<2048x64xf32>
    %div3A = arith.constant 1.000000e+00 : f32
    %div3A_15 = vector.broadcast %div3A : f32 to vector<2048x64xf32>
    %div3A_16 = arith.divf %div3A_15, %add3A_14 : vector<2048x64xf32>
    %mul3A = arith.mulf %add3A_9, %div3A_16 : vector<2048x64xf32>
    %get3A_17 = arith.constant 0 : index
    %get3A_18 = arith.constant 0 : index
    %get3A_19 = vector.load %arg6[%get3A_17, %get3A_18] : memref<1x64xf32, #tpu.memory_space<vmem>>, vector<1x64xf32>
    %dot_general3A_20 = arith.constant dense<0.000000e+00> : vector<1x2048xf32>
    %dot_general3A_21 = tpu.matmul %get3A_19, %mul3A, %dot_general3A_20 {dimension_numbers = #tpu.dot_dimension_numbers<[1], [1], [0], [0], [0, 0, 1, 0], [], []>, transpose_lhs_hint = false} : vector<1x64xf32>, vector<2048x64xf32>, vector<1x2048xf32> -> vector<1x2048xf32>
    %get3A_22 = arith.constant 0 : index
    %get3A_23 = arith.constant 0 : index
    %get3A_24 = vector.load %arg7[%get3A_22, %get3A_23] : memref<1x1xf32, #tpu.memory_space<vmem>>, vector<1x1xf32>
    %add3A_25 = vector.broadcast %get3A_24 : vector<1x1xf32> to vector<1x2048xf32>
    %add3A_26 = arith.addf %dot_general3A_21, %add3A_25 : vector<1x2048xf32>
    %get3A_27 = arith.constant 0 : index
    %get3A_28 = arith.constant 0 : index
    %get3A_29 = vector.load %arg2[%get3A_27, %get3A_28] : memref<3x2048xf32, #tpu.memory_space<vmem>>, vector<3x2048xf32>
    %get3A_30 = arith.constant 0 : index
    %get3A_31 = vector.load %arg3[%get3A_30] : memref<2048xi32, #tpu.memory_space<vmem>>, vector<2048xi32>
    %reshape3A = vector.shape_cast %get3A_31 : vector<2048xi32> to vector<1x2048xi32>
    %iota3A = tpu.iota {dimensions = array<i32: 0>} : vector<128x2048xi32>
    %eq3A = vector.broadcast %reshape3A : vector<1x2048xi32> to vector<128x2048xi32>
    %eq3A_32 = arith.cmpi eq, %iota3A, %eq3A : vector<128x2048xi32>
    %jit3A = arith.constant 1.000000e+00 : f32
    %jit3A_33 = arith.constant 0.000000e+00 : f32
    %broadcast_in_dim3A = vector.broadcast %jit3A : f32 to vector<128x2048xf32>
    %broadcast_in_dim3A_34 = vector.broadcast %jit3A_33 : f32 to vector<128x2048xf32>
    %select_n3A = arith.select %eq3A_32, %broadcast_in_dim3A, %broadcast_in_dim3A_34 : vector<128x2048xi1>, vector<128x2048xf32>
    %get3A_35 = arith.constant 0 : index
    %get3A_36 = arith.constant 0 : index
    %get3A_37 = vector.load %arg8[%get3A_35, %get3A_36] : memref<1x128xf32, #tpu.memory_space<vmem>>, vector<1x128xf32>
    %dot_general3A_38 = arith.constant dense<0.000000e+00> : vector<1x2048xf32>
    %dot_general3A_39 = tpu.matmul %get3A_37, %select_n3A, %dot_general3A_38 {dimension_numbers = #tpu.dot_dimension_numbers<[1], [0], [0], [1], [0, 0, 1, 1], [], []>, precision = #tpu.contract_precision<fp32>, transpose_lhs_hint = false} : vector<1x128xf32>, vector<128x2048xf32>, vector<1x2048xf32> -> vector<1x2048xf32>
    %slice3A = vector.extract_strided_slice %get3A_29 {offsets = [0, 0], sizes = [1, 2048], strides = [1, 1]} : vector<3x2048xf32> to vector<1x2048xf32>
    %mul3A_40 = arith.mulf %add3A_26, %slice3A : vector<1x2048xf32>
    %slice3A_41 = vector.extract_strided_slice %get3A_29 {offsets = [1, 0], sizes = [1, 2048], strides = [1, 1]} : vector<3x2048xf32> to vector<1x2048xf32>
    %mul3A_42 = arith.mulf %add3A_26, %slice3A_41 : vector<1x2048xf32>
    %slice3A_43 = vector.extract_strided_slice %get3A_29 {offsets = [2, 0], sizes = [1, 2048], strides = [1, 1]} : vector<3x2048xf32> to vector<1x2048xf32>
    %mul3A_44 = arith.mulf %add3A_26, %slice3A_43 : vector<1x2048xf32>
    %slice3A_45 = vector.extract_strided_slice %get3A_29 {offsets = [0, 0], sizes = [1, 2048], strides = [1, 1]} : vector<3x2048xf32> to vector<1x2048xf32>
    %mul3A_46 = arith.mulf %dot_general3A_39, %slice3A_45 : vector<1x2048xf32>
    %slice3A_47 = vector.extract_strided_slice %get3A_29 {offsets = [1, 0], sizes = [1, 2048], strides = [1, 1]} : vector<3x2048xf32> to vector<1x2048xf32>
    %mul3A_48 = arith.mulf %dot_general3A_39, %slice3A_47 : vector<1x2048xf32>
    %slice3A_49 = vector.extract_strided_slice %get3A_29 {offsets = [2, 0], sizes = [1, 2048], strides = [1, 1]} : vector<3x2048xf32> to vector<1x2048xf32>
    %mul3A_50 = arith.mulf %dot_general3A_39, %slice3A_49 : vector<1x2048xf32>
    %concatenate3A = tpu.concatenate %mul3A_40, %mul3A_42, %mul3A_44, %add3A_26, %mul3A_46, %mul3A_48, %mul3A_50, %dot_general3A_39 in 0 : vector<1x2048xf32>, vector<1x2048xf32>, vector<1x2048xf32>, vector<1x2048xf32>, vector<1x2048xf32>, vector<1x2048xf32>, vector<1x2048xf32>, vector<1x2048xf32> -> vector<8x2048xf32>
    %reshape3A_51 = vector.shape_cast %concatenate3A : vector<8x2048xf32> to vector<8x16x128xf32>
    %transpose3A = tpu.transpose %reshape3A_51, [1, 0, 2] : vector<8x16x128xf32> -> vector<16x8x128xf32>
    %swap3A = arith.constant 0 : index
    %swap3A_52 = arith.constant 0 : index
    %swap3A_53 = arith.constant 0 : index
    %swap3A_54 = vector.load %arg9[%swap3A, %swap3A_52, %swap3A_53] : memref<16x8x128xf32, #tpu.memory_space<vmem>>, vector<16x8x128xf32>
    tpu.vector_store %arg9[%swap3A, %swap3A_52, %swap3A_53], %transpose3A {strides = array<i32>} : memref<16x8x128xf32, #tpu.memory_space<vmem>>, vector<16x8x128xf32>,
    return
  }
  func.func @transform_0(%arg0: i32) -> (i32, i32) {
    %c0_i32 = arith.constant 0 : i32
    %c0_i32_0 = arith.constant 0 : i32
    return %arg0, %c0_i32 : i32, i32
  }
  func.func @transform_1(%arg0: i32) -> (i32, i32) {
    %c0_i32 = arith.constant 0 : i32
    %c0_i32_0 = arith.constant 0 : i32
    return %c0_i32, %arg0 : i32, i32
  }
  func.func @transform_2(%arg0: i32) -> i32 {
    %c0_i32 = arith.constant 0 : i32
    return %arg0 : i32
  }
  func.func @transform_3(%arg0: i32) -> (i32, i32) {
    %c0_i32 = arith.constant 0 : i32
    %c0_i32_0 = arith.constant 0 : i32
    %c0_i32_1 = arith.constant 0 : i32
    return %c0_i32, %c0_i32_0 : i32, i32
  }
  func.func @transform_4(%arg0: i32) -> (i32, i32) {
    %c0_i32 = arith.constant 0 : i32
    %c0_i32_0 = arith.constant 0 : i32
    %c0_i32_1 = arith.constant 0 : i32
    return %c0_i32, %c0_i32_0 : i32, i32
  }
  func.func @transform_5(%arg0: i32) -> (i32, i32) {
    %c0_i32 = arith.constant 0 : i32
    %c0_i32_0 = arith.constant 0 : i32
    %c0_i32_1 = arith.constant 0 : i32
    return %c0_i32, %c0_i32_0 : i32, i32
  }
  func.func @transform_6(%arg0: i32) -> (i32, i32) {
    %c0_i32 = arith.constant 0 : i32
    %c0_i32_0 = arith.constant 0 : i32
    %c0_i32_1 = arith.constant 0 : i32
    return %c0_i32, %c0_i32_0 : i32, i32
  }
  func.func @transform_7(%arg0: i32) -> (i32, i32) {
    %c0_i32 = arith.constant 0 : i32
    %c0_i32_0 = arith.constant 0 : i32
    %c0_i32_1 = arith.constant 0 : i32
    return %c0_i32, %c0_i32_0 : i32, i32
  }
  func.func @transform_8(%arg0: i32) -> (i32, i32, i32) {
    %c0_i32 = arith.constant 0 : i32
    %c0_i32_0 = arith.constant 0 : i32
    %c0_i32_1 = arith.constant 0 : i32
    return %arg0, %c0_i32, %c0_i32_0 : i32, i32, i32
  }
}

module attributes {stable_mosaic.version = 14 : i64} {
  func.func @_fin_body(%arg0: memref<2x4096x8xf32, #tpu.memory_space<vmem>>, %arg1: memref<4096x1xf32, #tpu.memory_space<vmem>>) attributes {dimension_semantics = [], scalar_prefetch = 0 : i64, scratch_operands = 0 : i64, tpu.core_type = #tpu.core_type<tc>} {
    %get3A = arith.constant 0 : index
    %get3A_0 = arith.constant 0 : index
    %get3A_1 = arith.constant 0 : index
    %get3A_2 = vector.load %arg0[%get3A, %get3A_0, %get3A_1] : memref<2x4096x8xf32, #tpu.memory_space<vmem>>, vector<2x4096x8xf32>
    %slice3A = vector.extract_strided_slice %get3A_2 {offsets = [0, 0, 0], sizes = [1, 4096, 8], strides = [1, 1, 1]} : vector<2x4096x8xf32> to vector<1x4096x8xf32>
    %squeeze3A = vector.shape_cast %slice3A : vector<1x4096x8xf32> to vector<4096x8xf32>
    %slice3A_3 = vector.extract_strided_slice %get3A_2 {offsets = [1, 0, 0], sizes = [1, 4096, 8], strides = [1, 1, 1]} : vector<2x4096x8xf32> to vector<1x4096x8xf32>
    %squeeze3A_4 = vector.shape_cast %slice3A_3 : vector<1x4096x8xf32> to vector<4096x8xf32>
    %add3A = arith.addf %squeeze3A, %squeeze3A_4 : vector<4096x8xf32>
    %slice3A_5 = vector.extract_strided_slice %add3A {offsets = [0, 7], sizes = [4096, 1], strides = [1, 1]} : vector<4096x8xf32> to vector<4096x1xf32>
    %eq3A = arith.constant 0.000000e+00 : f32
    %eq3A_6 = vector.broadcast %eq3A : f32 to vector<4096x1xf32>
    %eq3A_7 = arith.cmpf oeq, %slice3A_5, %eq3A_6 : vector<4096x1xf32>
    %jit3A = arith.constant 1.000000e+00 : f32
    %broadcast_in_dim3A = vector.broadcast %jit3A : f32 to vector<4096x1xf32>
    %select_n3A = arith.select %eq3A_7, %broadcast_in_dim3A, %slice3A_5 : vector<4096x1xi1>, vector<4096x1xf32>
    %slice3A_8 = vector.extract_strided_slice %add3A {offsets = [0, 3], sizes = [4096, 1], strides = [1, 1]} : vector<4096x8xf32> to vector<4096x1xf32>
    %slice3A_9 = vector.extract_strided_slice %add3A {offsets = [0, 0], sizes = [4096, 3], strides = [1, 1]} : vector<4096x8xf32> to vector<4096x3xf32>
    %slice3A_10 = vector.extract_strided_slice %add3A {offsets = [0, 4], sizes = [4096, 3], strides = [1, 1]} : vector<4096x8xf32> to vector<4096x3xf32>
    %div3A = vector.broadcast %select_n3A : vector<4096x1xf32> to vector<4096x3xf32>
    %div3A_11 = arith.divf %slice3A_10, %div3A : vector<4096x3xf32>
    %mul3A = vector.broadcast %slice3A_8 : vector<4096x1xf32> to vector<4096x3xf32>
    %mul3A_12 = arith.mulf %div3A_11, %mul3A : vector<4096x3xf32>
    %sub3A = arith.subf %slice3A_9, %mul3A_12 : vector<4096x3xf32>
    %mul3A_13 = arith.mulf %sub3A, %sub3A : vector<4096x3xf32>
    %reduce_sum3A = arith.constant dense<0.000000e+00> : vector<4096xf32>
    %reduce_sum3A_14 = vector.multi_reduction <add>, %mul3A_13, %reduce_sum3A [1] : vector<4096x3xf32> to vector<4096xf32>
    %broadcast_in_dim3A_15 = vector.shape_cast %reduce_sum3A_14 : vector<4096xf32> to vector<4096x1xf32>
    %sqrt3A = math.sqrt %broadcast_in_dim3A_15 : vector<4096x1xf32>
    %swap3A = arith.constant 0 : index
    %swap3A_16 = arith.constant 0 : index
    %swap3A_17 = vector.load %arg1[%swap3A, %swap3A_16] : memref<4096x1xf32, #tpu.memory_space<vmem>>, vector<4096x1xf32>
    tpu.vector_store %arg1[%swap3A, %swap3A_16], %sqrt3A {strides = array<i32>} : memref<4096x1xf32, #tpu.memory_space<vmem>>, vector<4096x1xf32>,
    return
  }
}

</mosaic_0001>

<sc_bundles>
// kernel: kernel.5.cloned.1.call-start
scs
__scs_entry_jumppad:
0x0: {  	(pc) =	sbr.rel $0x88, $3  }
0x1: {  	(tag) =	ssettag $0x0;
	lr =	simm.s32 $0x1  }
0x2: {  	[smem:$0x3F99] =	sst lr;
	_ =	strace $0xD0000000  }
0x3: {  	_ = 	snop  }
0x4: {  	_ = 	snop  }
0x5: {  	_ = 	snop  }
0x6: {  	_ = 	snop  }
0x7: {  	_ = 	snop  }
__scs_overlays_trampoline_lowered:
0x8: {  	[smem:$0x3FA8] =	sst s0  }
0x9: {  	[smem:$0x3FA9] =	sst s1  }
0xa: {  	[smem:$0x3FAA] =	sst s2  }
0xb: {  	[smem:$0x3FAB] =	sst s3  }
0xc: {  	[smem:$0x3FAC] =	sst s4  }
0xd: {  	[smem:$0x3FAD] =	sst s5  }
0xe: {  	[smem:$0x3FAE] =	sst s6  }
0xf: {  	[smem:$0x3FAF] =	sst s7  }
0x10: {  	[smem:$0x3FB0] =	sst s8  }
0x11: {  	[smem:$0x3FB1] =	sst s9;
	s0 =	simm.s32 @!p0 $0x0  }
0x12: {  	s1 =	sld [smem:$0x3F97];
	s0 =	simm.s32 @p0 $0x1  }
0x13: {  	[smem:$0x3FB2] =	sst s0;
	s0 =	simm.s32 @!p1 $0x0  }
0x14: {  	s2 =	sld [smem:$0x3F96];
	s0 =	simm.s32 @p1 $0x1  }
0x15: {  	[smem:$0x3FB3] =	sst s0;
	s0 =	simm.s32 @!p2 $0x0  }
0x16: {  	s3 =	sld [smem:$0x3FDB];
	s0 =	simm.s32 @p2 $0x1  }
0x17: {  	s4 =	simm.s32 $0x1BF5;
	[smem:$0x3FB5] =	sst s0  }
0x18: {  	s0 =	sld [smem:$0x3F98];
	_ =	swait.ge [sflag:s4], $0x0  }
0x19: {  	s7 =	sld [smem:$0x3F99]  }
0x1a: {  	s8 =	sadd.s32 $0xFFFFE003, lr  }
0x1b: {  	s9 =	sadd.s32 $0xFFFFFEF7, lr;
	s5 =	simm.s32 $0xFFFFFFFF;
	p2 =	slt.u32 s8, $0xFFFFF086  }
0x1c: {  	p1 =	slt.u32 s9, $0xF7A;
	s5 =	simm.s32 @!p2 $0x0  }
0x1d: {  	s5 =	simm.s32 @p1 $0x1;
	p0 =	seq.s32 s7, s2  }
0x1e: {  	s7 =	smul.u32 @!p0 $0xF7A, s2;
	p2 =	seq.s32 @!p0 s5, $0x0  }
0x1f: {  	s9 =	smul.u32 $0xF7A, s1;
	s8 =	simm.s32 @!p0 $0x1BF5;
	p2 =	por !p2, p0  }
0x20: {  	[sflag:s8] =	ssyncset.s32 @!p0 $0xFFFFF086;
	s6 =	sadd.s32 @!p0 s3, s7;
	s7 =	simm.s32 @!p0 $0x108  }
0x21: {  	s3 =	sadd.s32 s3, s9;
	s6 =	sadd.s32 @!p0 $0x88, s6;
	s7 =	simm.s32 @p2 $0x1082  }
0x22: {  	[simem:s7], [sflag:s8] =	dma.local @!p0 [hbm:s6], $0xF7A  }
0x23: {  	s9 =	sor.u32 $0xD0000000, s2;
	s6 =	simm.s32 $0x108;
	_ =	swait.ge @!p0 [sflag:s8], $0x0  }
0x24: {  	s3 =	sadd.s32 $0x88, s3;
	s6 =	simm.s32 @!p1 $0x1082;
	[sflag:s4] =	ssyncset.s32 $0xFFFFF086  }
0x25: {  	[simem:s6], [sflag:s4] =	dma.local [hbm:s3], $0xF7A  }
0x26: {  	[smem:$0x3F99] =	sst s1;
	(tag) =	ssettag s2;
	_ =	strace s9  }
0x27: {  	s1 =	sld [smem:$0x3FA9]  }
0x28: {  	s2 =	sld [smem:$0x3FAA]  }
0x29: {  	s4 =	sld [smem:$0x3FAC]  }
0x2a: {  	p0 =	seq.s32 s5, $0x0;
	s5 =	sld [smem:$0x3FAD]  }
0x2b: {  	s6 =	sld [smem:$0x3FAE]  }
0x2c: {  	s7 =	sld [smem:$0x3FAF]  }
0x2d: {  	s3 =	simm.s32 $0x108;
	s8 =	sld [smem:$0x3FB0]  }
0x2e: {  	s3 =	simm.s32 @!p0 $0x1082;
	s9 =	sld [smem:$0x3FB1]  }
0x2f: {  	lr =	sadd.s32 s0, s3;
	s0 =	sld [smem:$0x3FA8]  }
0x30: {  	s3 =	sld [smem:$0x3FAB]  }
0x31: {  	[smem:$0x3FB4] =	sst s10  }
0x32: {  	s10 =	sld [smem:$0x3FB2];
	_ =	sdelay $0x3  }
0x33: {  	p0 =	seq.s32 s10, $0x1;
	s10 =	sld [smem:$0x3FB4];
	_ =	sdelay $0x3  }
0x34: {  	[smem:$0x3FB4] =	sst s10  }
0x35: {  	s10 =	sld [smem:$0x3FB3];
	_ =	sdelay $0x3  }
0x36: {  	p1 =	seq.s32 s10, $0x1;
	s10 =	sld [smem:$0x3FB4];
	_ =	sdelay $0x3  }
0x37: {  	[smem:$0x3FB4] =	sst s10  }
0x38: {  	s10 =	sld [smem:$0x3FB5]  }
0x39: {  	_ = 	snop;
	(pc) =	sbr.ind lr, $3  }
0x3a: {  	_ = 	snop  }
0x3b: {  	_ = 	snop  }
0x3c: {  	p2 =	seq.s32 s10, $0x1;
	s10 =	sld [smem:$0x3FB4]  }
0x3d: {  	_ =	shalt  }
0x3e: {  	_ =	shalt  }
0x3f: {  	_ =	shalt  }
0x40: {  	_ =	shalt  }
0x41: {  	_ =	shalt  }
0x42: {  	_ =	shalt  }
0x43: {  	_ =	shalt  }
0x44: {  	_ =	shalt  }
0x45: {  	_ =	shalt  }
0x46: {  	_ =	shalt  }
0x47: {  	_ =	shalt  }
0x48: {  	_ =	shalt  }
0x49: {  	_ =	shalt  }
0x4a: {  	_ =	shalt  }
0x4b: {  	_ =	shalt  }
0x4c: {  	_ =	shalt  }
0x4d: {  	_ =	shalt  }
0x4e: {  	_ =	shalt  }
0x4f: {  	_ =	shalt  }
0x50: {  	_ =	shalt  }
0x51: {  	_ =	shalt  }
0x52: {  	_ =	shalt  }
0x53: {  	_ =	shalt  }
0x54: {  	_ =	shalt  }
0x55: {  	_ =	shalt  }
0x56: {  	_ =	shalt  }
0x57: {  	_ =	shalt  }
0x58: {  	_ =	shalt  }
0x59: {  	_ =	shalt  }
0x5a: {  	_ =	shalt  }
0x5b: {  	_ =	shalt  }
0x5c: {  	_ =	shalt  }
0x5d: {  	_ =	shalt  }
0x5e: {  	_ =	shalt  }
0x5f: {  	_ =	shalt  }
0x60: {  	_ =	shalt  }
0x61: {  	_ =	shalt  }
0x62: {  	_ =	shalt  }
0x63: {  	_ =	shalt  }
0x64: {  	_ =	shalt  }
0x65: {  	_ =	shalt  }
0x66: {  	_ =	shalt  }
0x67: {  	_ =	shalt  }
0x68: {  	_ =	shalt  }
0x69: {  	_ =	shalt  }
0x6a: {  	_ =	shalt  }
0x6b: {  	_ =	shalt  }
0x6c: {  	_ =	shalt  }
0x6d: {  	_ =	shalt  }
0x6e: {  	_ =	shalt  }
0x6f: {  	_ =	shalt  }
0x70: {  	_ =	shalt  }
0x71: {  	_ =	shalt  }
0x72: {  	_ =	shalt  }
0x73: {  	_ =	shalt  }
0x74: {  	_ =	shalt  }
0x75: {  	_ =	shalt  }
0x76: {  	_ =	shalt  }
0x77: {  	_ =	shalt  }
0x78: {  	_ =	shalt  }
0x79: {  	_ =	shalt  }
0x7a: {  	_ =	shalt  }
0x7b: {  	_ =	shalt  }
0x7c: {  	_ =	shalt  }
0x7d: {  	_ =	shalt  }
0x7e: {  	_ =	shalt  }
0x7f: {  	_ =	shalt  }
0x80: {  	_ =	shalt  }
0x81: {  	_ =	shalt  }
0x82: {  	_ =	shalt  }
0x83: {  	_ =	shalt  }
0x84: {  	_ =	shalt  }
0x85: {  	_ =	shalt  }
0x86: {  	_ =	shalt  }
0x87: {  	_ =	shalt  }
.Lfunc_end0:
.L_simem_size_0:
called_computation_lowered:
.L_overlay_start_0:
0x88: {  	s2 =	sld [smem:$0x3FD9]  }
0x89: {  	s3 =	sld [smem:$0x3FFE];
	_ =	sdelay $0x1  }
0x8a: {  	s1 =	srdreg.scid  }
0x8b: {  	s0 =	sand.u32 $0x1, s1  }
0x8c: {  	s17 =	sshll.u32 s0, $0xA;
	s2 =	sadd.s32 s3, s2  }
0x8d: {  	s2 =	sadd.s32 s2, s17  }
0x8e: {  	[smem:$0x3FC0] =	sst s2  }
0x8f: {  	_ = 	snop  }
0x90: {  	s2 =	sld [smem:$0x3FC6];
	(tm) =	ssettm $0x1  }
0x91: {  	s18 =	sld [smem:$0x3FFB];
	_ =	sdelay $0x3  }
0x92: {  	_ =	strace s18  }
0x93: {  	s3 =	sld [smem:$0x3FFC];
	_ =	sdelay $0x3  }
0x94: {  	_ =	strace s3  }
0x95: {  	s3 =	sld [smem:$0x3FFD];
	_ =	sdelay $0x3  }
0x96: {  	_ =	strace s3  }
0x97: {  	_ =	strace $0x8FFFFFFF  }
0x98: {  	s19 =	sld [smem:$0x3FDB];
	_ =	sdelay $0x1  }
0x99: {  	s4 =	simm.s32 $_scs_section_size  }
0x9a: {  	s5 =	simm.s32 $_size__tile_overlayer_lowered;
	s6 =	simm.s32 $_tile_overlayer_lowered  }
0x9b: {  	s22 =	simm.s32 $0x1BFF;
	s21 =	sshll.u32 s6, $0x1;
	s3 =	sadd.s32 s4, s19  }
0x9c: {  	s7 =	simm.s32 $0x0;
	s20 =	sshll.u32 s5, $0x1;
	s5 =	sadd.s32 s21, s3  }
0x9d: {  	[timem:s7], [sflag:s22] =	dma.local [hbm:s5], s20  }
0x9e: {  	_ =	swait.ge [sflag:s22], s20  }
0x9f: {  	s4 =	ssub.s32 $0x0, s20;
	[sflag:s22] =	ssyncset.done $0x0  }
0xa0: {  	[sflag:s22] =	ssyncadd.s32 s4;
	_ =	sdelay $0x1  }
0xa1: {  	s23 =	simm.s32 $0x1B8B  }
0xa2: {  	_ =	swait.ge [sflag:s23], $0x1  }
0xa3: {  	[sflag:s23] =	ssyncset.done $0x0  }
0xa4: {  	s25 =	simm.s32 $0x1B8E;
	s24 =	sld [smem:$0x3FFE];
	[sflag:s23] =	ssyncadd.s32 $0xFFFFFFFF  }
0xa5: {  	s26 =	simm.s32 $execute0_lowered;
	[smem:$0x3FD2] =	sst s25  }
0xa6: {  	s5 =	sshll.u32 s26, $0x1;
	_ =	strace $0x80000046;
	[dreg:$0x1] =	wrdreg $0xFFFFFFFF  }
0xa7: {  	s28 =	simm.s32 $_size_execute0_lowered;
	s3 =	sadd.s32 s3, s5;
	[dreg:$0x0] =	wrdreg $0x0  }
0xa8: {  	s5 =	sshll.u32 s28, $0x1;
	[dreg:$0x2] =	wrdreg s3  }
0xa9: {  	[dreg:$0x3] =	wrdreg s5  }
0xaa: {  	[dreg:$0x4] =	wrdreg $0xC0  }
0xab: {  	_ =	task [dreg:s7], $0x5FFFF  }
0xac: {  	[dreg:$0x1] =	wrdreg $0xFFFFFFFF  }
0xad: {  	[dreg:$0x0] =	wrdreg $0x60  }
0xae: {  	[dreg:$0x2] =	wrdreg s24  }
0xaf: {  	[dreg:$0x3] =	wrdreg s2  }
0xb0: {  	[dreg:$0x4] =	wrdreg $0x185900  }
0xb1: {  	[dreg:$0x5] =	wrdreg $0x105900  }
0xb2: {  	[dreg:$0x6] =	wrdreg $0x9  }
0xb3: {  	_ =	task.clear_ibuf [dreg:s7], $0x7FFFF;
	_ =	strace $0x90000046  }
0xb4: {  	s29 =	simm.s32 $0x9;
	_ =	strace $0x80000048  }
0xb5: {  	_ =	swait.ge [sflag:s29], $0x1  }
0xb6: {  	[sflag:s29] =	ssyncadd.s32 $0xFFFFFFFF  }
0xb7: {  	_ =	strace $0x90000048  }
0xb8: {  	_ =	sfence  }
0xb9: {  	s30 =	sld [smem:$0x0];
	_ =	sdelay $0x2  }
0xba: {  	s31 =	sshll.u32 s1, $0xD;
	s1 =	sshrl.u32 s1, $0x2  }
0xbb: {  	s3 =	sand.u32 $0x4000, s31;
	s1 =	sadd.s32 s1, s30  }
0xbc: {  	s0 =	sor.u32 s3, s0;
	s1 =	sshll.u32 s1, $0x11  }
0xbd: {  	s0 =	sor.u32 s1, s0  }
0xbe: {  	s0 =	sadd.s32 $0x8F2B, s0  }
0xbf: {  	[sflag:s0] =	ssyncadd.remote.s32 $0x1  }
0xc0: {  	_ =	sfence.sel $0xFFFF  }
0xc1: {  	[dreg:$0x0] =	wrdreg $0xFFFFFFFF;
	(pc) =	sbr.abs _section_cstart, $3  }
0xc2: {  	[dreg:$0x1] =	wrdreg $0xFFFFFFFF  }
0xc3: {  	_ =	task.clear_ibuf [dreg:s7], $0x2FFFF;
	_ =	strace $0x9FFFFFFF  }
0xc4: {  	(tm) =	ssettm $0x7FFFFFFF  }
0xc5: {  	_ =	shalt  }
tec
execute0_lowered:
.L_overlay_start_1:
0x0: {  	(tag) =	ssettag $0x1  }
0x1: {  	s1 =	rddreg [dreg:$0x0]  }
0x2: {  	s0 =	srdreg.scid;
	s6 =	rddreg [dreg:$0x1]  }
0x3: {  	s16 =	stileid.u32;
	s14 =	rddreg [dreg:$0x2]  }
0x4: {  	s7 =	rddreg [dreg:$0x3];
	s3 =	simm.s32 $0x0;
	s0 =	sand.u32 $0x1, s0  }
0x5: {  	[smem:$0x7FF] =	sst s3;
	s22 =	sshll.u32 s16, $0x4;
	s13 =	sshll.u32 s16, $0xB  }
0x6: {  	s26 =	sshll.u32 s16, $0xF;
	s2 =	sshll.u32 s0, $0x4;
	_ =	strace $0x80000047  }
0x7: {  	s5 =	ssub.s32 $0x2, s0;
	s23 =	sadd.s32 s22, s14;
	s17 =	sadd.s32 s26, s7  }
0x8: {  	s0 =	sshll.u32 s0, $0xC;
	s2 =	sor.u32 s16, s2;
	s10 =	sshrl.u32 s5, $0x1  }
0x9: {  	[dreg:$0x8] =	wrdreg s23;
	s11 =	ssub.s32 s5, s10;
	s10 =	sadd.s32 s13, s7  }
0xa: {  	s2 =	smul.u32 $0xC35, s2;
	s7 =	sadd.s32 $0x1800, s17;
	s24 =	sadd.s32 $0x8000, s10  }
0xb: {  	s25 =	sadd.s32 $0x10000, s10;
	s13 =	sadd.s32 $0x18000, s10;
	s15 =	sadd.s32 $0x28000, s10  }
0xc: {  	s22 =	sadd.s32 $0x48000, s10;
	s23 =	sadd.s32 $0x50000, s10;
	s26 =	sadd.s32 $0x68000, s10  }
0xd: {  	s28 =	sadd.s32 $0x70000, s10;
	s29 =	sadd.s32 $0x78000, s10;
	[dreg:$0xd] =	wrdreg s7  }
0xe: {  	s7 =	sadd.s32 $0x3800, s17;
	s4 =	sand.u32 $0x1FFF8, s2;
	[dreg:$0x9] =	wrdreg s24  }
0xf: {  	s31 =	sadd.s32 $0xC35, s2;
	s21 =	sand.u32 $0x7, s2;
	[dreg:$0xa] =	wrdreg s25  }
0x10: {  	s24 =	sadd.s32 $0x58000, s10;
	[dreg:$0x11] =	wrdreg s7;
	s7 =	sadd.s32 $0x6000, s17  }
0x11: {  	s25 =	sadd.s32 $0x60000, s10;
	s8 =	smin.u32 s4, $0x17A60;
	[dreg:$0x16] =	wrdreg s7  }
0x12: {  	v3 =	vmov s31;
	s31 =	simm.s32 $0xC80;
	s4 =	sand.u32 $0x1FF80, s8;
	s12 =	sand.u32 $0x78, s8  }
0x13: {  	v1 =	vmov s2;
	s18 =	sshrl.u32 s8, $0x3;
	s5 =	ssub.s32 s2, s8;
	s2 =	sadd.s32 $0x5000, s17  }
0x14: {  	v0 =	vmov s8;
	s8 =	sadd.s32 $0x6800, s17;
	s9 =	sadd.s32 s4, s1;
	s4 =	sshll.u32 s16, $0x8  }
0x15: {  	s6 =	sadd.s32 s6, s18;
	s20 =	sand.u32 $0xFFFFFFF8, s5;
	[dreg:$0x14] =	wrdreg s2  }
0x16: {  	s16 =	sadd.s32 $0x30000, s10;
	s18 =	sadd.s32 $0x38000, s10;
	[dreg:$0x17] =	wrdreg s8  }
0x17: {  	s2 =	simm.s32 $0x1;
	[dreg:$0x5] =	wrdreg s6;
	s19 =	sadd.s32 $0x1200, s9  }
0x18: {  	s1 =	sadd.s32 s4, s1;
	s6 =	sor.u32 s21, s20;
	[dreg:$0x6] =	wrdreg s19  }
0x19: {  	s21 =	smax.u32 s11, $0x1;
	s11 =	sadd.s32 $0x2000, s17;
	[dreg:$0x7] =	wrdreg s6  }
0x1a: {  	s0 =	sadd.s32 s0, s1;
	s1 =	sadd.s32 $0x800, s17;
	[dreg:$0xe] =	wrdreg s11  }
0x1b: {  	s9 =	smov.u32 s14;
	s6 =	sadd.s32 $0x1000, s17;
	[dreg:$0xb] =	wrdreg s1  }
0x1c: {  	s14 =	sadd.s32 $0x20000, s10;
	s11 =	sadd.s32 $0x4000, s17;
	[dreg:$0xc] =	wrdreg s6  }
0x1d: {  	v4 =	vmov s12;
	s12 =	smov.u32 s9;
	s9 =	sadd.s32 $0x7000, s17;
	[dreg:$0x12] =	wrdreg s11  }
0x1e: {  	s30 =	sadd.s32 $0x100, s4;
	s1 =	sadd.s32 $0x2800, s17;
	[dreg:$0x18] =	wrdreg s9  }
.Ltmp0:
0x1f: {  	v2 =	vlaneseq.u32;
	s6 =	sadd.s32 $0x3000, s17;
	[dreg:$0xf] =	wrdreg s1;
	(pc) =	sbr.rel .LBB2_1-.Ltmp0, $4  }
0x20: {  	v5 =	vand.u32 $0x7, v2;
	s19 =	sadd.s32 $0x40000, s10;
	s11 =	sadd.s32 $0x7800, s17;
	[dreg:$0x10] =	wrdreg s6  }
0x21: {  	v6 =	vimm.f32 $0.0e+00;
	vm0 =	vmmov $0xff;
	v7 =	vor.u32 $0x80, v5;
	s20 =	sadd.s32 $0x19A00, s0;
	s1 =	sadd.s32 $0x4800, s17;
	[dreg:$0x19] =	wrdreg s11  }
0x22: {  	v8 =	vor.u32 $0x100, v5;
	v9 =	vor.u32 $0x180, v5;
	v10 =	vor.u32 $0x200, v5;
	s0 =	simm.s32 $0xF480;
	s6 =	sadd.s32 $0x5800, s17;
	[dreg:$0x13] =	wrdreg s1  }
0x23: {  	v11 =	vor.u32 $0x280, v5;
	v12 =	vor.u32 $0x300, v5;
	v13 =	vor.u32 $0x380, v5;
	[dreg:$0x15] =	wrdreg s6;
	s1 =	simm.s32 $0x7480;
	s6 =	simm.s32 $0x0  }
.LBB2_133:
0x24: {  	s6 =	sadd.s32 $0x1, s6  }
0x25: {  	p0 =	sne.s32 s6, s21  }
.Ltmp1:
0x26: {  	s7 =	simm.s32 $0xFC80;
	(pc) =	sbr.rel @!p0 .LBB2_134-.Ltmp1, $4  }
0x27: {  	[hbm4b:s20+s3] =	stream.linear.scatter [tilespmem:s7], [sflag:$0x1], $0x800, $0x38;
	[tilespmem:$0x185A0] =	vst v63  }
0x28: {  	_ =	swait.ge [sflag:s2], $0x800  }
0x29: {  	[sflag:s2] =	ssyncset.done $0x0  }
0x2a: {  	[sflag:s2] =	ssyncadd.s32 $0xFFFFF800  }
.LBB2_1:
0x2b: {  	s7 =	rddreg [dreg:$0x5]  }
0x2c: {  	[tilespmem:s3], [sflag:$0x1] =	stream.linear.gather [hbm4b:s7+s3], $0xC40, $0x38;
	[tilespmem:$0x185A0] =	vst v63  }
0x2d: {  	_ =	swait.ge [sflag:s2], $0xC40  }
0x2e: {  	[sflag:s2] =	ssyncset.done $0x0  }
0x2f: {  	s9 =	rddreg [dreg:$0x6];
	[sflag:s2] =	ssyncadd.s32 $0xFFFFF3C0  }
0x30: {  	[tilespmem:s31], [sflag:$0x1] =	stream.linear.gather [hbm4b:s9+s3], $0x6800, $0x38;
	[tilespmem:$0x185A0] =	vst v63  }
0x31: {  	_ =	swait.ge [sflag:s2], $0x6800  }
0x32: {  	[sflag:s2] =	ssyncset.done $0x0  }
0x33: {  	s11 =	rddreg [dreg:$0x7];
	[sflag:s2] =	ssyncadd.s32 $0xFFFF9800  }
0x34: {  	v15 =	vld [tilespmem:s11+$0x0]  }
0x35: {  	v14 =	vld [tilespmem:s5+$0xC25];
	_ =	sdelay $0x3  }
0x36: {  	(v2sf) =	vpush v15, $0x0  }
0x37: {  	(v2sf) =	vpush v14, $0xF;
	_ =	sdelay $0xd  }
0x38: {  	s7 =	spop (v2sf)  }
0x39: {  	s8 =	spop (v2sf)  }
0x3a: {  	p0 =	slt.s32 s7, $0x100;
	p1 =	sgt.s32 s8, $0xFFFFFFFF  }
0x3b: {  	p0 =	por !p0, !p1  }
0x3c: {  	p0 =	por !p0, !p0  }
.Ltmp2:
0x3d: {  	_ = 	snop;
	(pc) =	sbr.rel @!p0 .LBB2_5-.Ltmp2, $4  }
0x3e: {  	_ = 	snop  }
0x3f: {  	s9 =	simm.s32 @!p0 $0x0  }
0x40: {  	s9 =	simm.s32 @p0 $0x1  }
0x41: {  	[smem:$0x7FD] =	sst s9  }
0x42: {  	s9 =	simm.s32 $0x40;
	s11 =	simm.s32 $0x0  }
.LBB2_3:
0x43: {  	p0 =	sne.s32 s9, $0x1FC0;
	[tilespmem:s11+$0x7480] =	vst v6;
	s11 =	smov.u32 s9;
	s9 =	sadd.s32 $0x40, s9  }
.Ltmp3:
0x44: {  	(pc) =	sbr.rel @p0 .LBB2_3-.Ltmp3, $2  }
0x45: {  	_ =	sdelay $0x2  }
0x46: {  	s11 =	sshra.s32 s11, $0x2  }
0x47: {  	[tilespmem:s11+$0x7480] =	vst v6  }
.LBB2_5:
0x48: {  	p0 =	slt.s32 s7, $0x200;
	p1 =	sgt.s32 s8, $0xFF  }
0x49: {  	p0 =	por !p0, !p1  }
0x4a: {  	p0 =	por !p0, !p0  }
.Ltmp4:
0x4b: {  	_ = 	snop;
	(pc) =	sbr.rel @!p0 .LBB2_9-.Ltmp4, $4  }
0x4c: {  	_ = 	snop  }
0x4d: {  	s9 =	simm.s32 @!p0 $0x0  }
0x4e: {  	s9 =	simm.s32 @p0 $0x1  }
0x4f: {  	[smem:$0x7FC] =	sst s9  }
0x50: {  	s9 =	simm.s32 $0x40;
	s11 =	simm.s32 $0x0  }
.LBB2_7:
0x51: {  	p0 =	sne.s32 s9, $0x1FC0;
	[tilespmem:s11+$0x7C80] =	vst v6;
	s11 =	smov.u32 s9;
	s9 =	sadd.s32 $0x40, s9  }
.Ltmp5:
0x52: {  	(pc) =	sbr.rel @p0 .LBB2_7-.Ltmp5, $2  }
0x53: {  	_ =	sdelay $0x2  }
0x54: {  	s11 =	sshra.s32 s11, $0x2  }
0x55: {  	[tilespmem:s11+$0x7C80] =	vst v6  }
.LBB2_9:
0x56: {  	p0 =	slt.s32 s7, $0x300;
	p1 =	sgt.s32 s8, $0x1FF  }
0x57: {  	p0 =	por !p0, !p1  }
0x58: {  	p0 =	por !p0, !p0  }
.Ltmp6:
0x59: {  	_ = 	snop;
	(pc) =	sbr.rel @!p0 .LBB2_13-.Ltmp6, $4  }
0x5a: {  	_ = 	snop  }
0x5b: {  	s9 =	simm.s32 @!p0 $0x0  }
0x5c: {  	s9 =	simm.s32 @p0 $0x1  }
0x5d: {  	[smem:$0x7FB] =	sst s9  }
0x5e: {  	s9 =	simm.s32 $0x40;
	s11 =	simm.s32 $0x0  }
.LBB2_11:
0x5f: {  	p0 =	sne.s32 s9, $0x1FC0;
	[tilespmem:s11+$0x8480] =	vst v6;
	s11 =	smov.u32 s9;
	s9 =	sadd.s32 $0x40, s9  }
.Ltmp7:
0x60: {  	(pc) =	sbr.rel @p0 .LBB2_11-.Ltmp7, $2  }
0x61: {  	_ =	sdelay $0x2  }
0x62: {  	s11 =	sshra.s32 s11, $0x2  }
0x63: {  	[tilespmem:s11+$0x8480] =	vst v6  }
.LBB2_13:
0x64: {  	p0 =	slt.s32 s7, $0x400;
	p1 =	sgt.s32 s8, $0x2FF  }
0x65: {  	p0 =	por !p0, !p1  }
0x66: {  	p0 =	por !p0, !p0  }
.Ltmp8:
0x67: {  	_ = 	snop;
	(pc) =	sbr.rel @!p0 .LBB2_17-.Ltmp8, $4  }
0x68: {  	_ = 	snop  }
0x69: {  	s9 =	simm.s32 @!p0 $0x0  }
0x6a: {  	s9 =	simm.s32 @p0 $0x1  }
0x6b: {  	[smem:$0x7FA] =	sst s9  }
0x6c: {  	s9 =	simm.s32 $0x40;
	s11 =	simm.s32 $0x0  }
.LBB2_15:
0x6d: {  	p0 =	sne.s32 s9, $0x1FC0;
	[tilespmem:s11+$0x8C80] =	vst v6;
	s11 =	smov.u32 s9;
	s9 =	sadd.s32 $0x40, s9  }
.Ltmp9:
0x6e: {  	(pc) =	sbr.rel @p0 .LBB2_15-.Ltmp9, $2  }
0x6f: {  	_ =	sdelay $0x2  }
0x70: {  	s11 =	sshra.s32 s11, $0x2  }
0x71: {  	[tilespmem:s11+$0x8C80] =	vst v6  }
.LBB2_17:
0x72: {  	p0 =	slt.s32 s7, $0x500;
	p1 =	sgt.s32 s8, $0x3FF  }
0x73: {  	p0 =	por !p0, !p1  }
0x74: {  	p0 =	por !p0, !p0  }
.Ltmp10:
0x75: {  	_ = 	snop;
	(pc) =	sbr.rel @!p0 .LBB2_21-.Ltmp10, $4  }
0x76: {  	_ = 	snop  }
0x77: {  	s9 =	simm.s32 @!p0 $0x0  }
0x78: {  	s9 =	simm.s32 @p0 $0x1  }
0x79: {  	[smem:$0x7F9] =	sst s9  }
0x7a: {  	s9 =	simm.s32 $0x40;
	s11 =	simm.s32 $0x0  }
.LBB2_19:
0x7b: {  	p0 =	sne.s32 s9, $0x1FC0;
	[tilespmem:s11+$0x9480] =	vst v6;
	s11 =	smov.u32 s9;
	s9 =	sadd.s32 $0x40, s9  }
.Ltmp11:
0x7c: {  	(pc) =	sbr.rel @p0 .LBB2_19-.Ltmp11, $2  }
0x7d: {  	_ =	sdelay $0x2  }
0x7e: {  	s11 =	sshra.s32 s11, $0x2  }
0x7f: {  	[tilespmem:s11+$0x9480] =	vst v6  }
.LBB2_21:
0x80: {  	p0 =	slt.s32 s7, $0x600;
	p1 =	sgt.s32 s8, $0x4FF  }
0x81: {  	p0 =	por !p0, !p1  }
0x82: {  	p0 =	por !p0, !p0  }
.Ltmp12:
0x83: {  	_ = 	snop;
	(pc) =	sbr.rel @!p0 .LBB2_25-.Ltmp12, $4  }
0x84: {  	_ = 	snop  }
0x85: {  	s9 =	simm.s32 @!p0 $0x0  }
0x86: {  	s9 =	simm.s32 @p0 $0x1  }
0x87: {  	[smem:$0x7F8] =	sst s9  }
0x88: {  	s9 =	simm.s32 $0x40;
	s11 =	simm.s32 $0x0  }
.LBB2_23:
0x89: {  	p0 =	sne.s32 s9, $0x1FC0;
	[tilespmem:s11+$0x9C80] =	vst v6;
	s11 =	smov.u32 s9;
	s9 =	sadd.s32 $0x40, s9  }
.Ltmp13:
0x8a: {  	(pc) =	sbr.rel @p0 .LBB2_23-.Ltmp13, $2  }
0x8b: {  	_ =	sdelay $0x2  }
0x8c: {  	s11 =	sshra.s32 s11, $0x2  }
0x8d: {  	[tilespmem:s11+$0x9C80] =	vst v6  }
.LBB2_25:
0x8e: {  	p0 =	slt.s32 s7, $0x700;
	p1 =	sgt.s32 s8, $0x5FF  }
0x8f: {  	p0 =	por !p0, !p1  }
0x90: {  	p0 =	por !p0, !p0  }
.Ltmp14:
0x91: {  	_ = 	snop;
	(pc) =	sbr.rel @!p0 .LBB2_29-.Ltmp14, $4  }
0x92: {  	_ = 	snop  }
0x93: {  	s9 =	simm.s32 @!p0 $0x0  }
0x94: {  	s9 =	simm.s32 @p0 $0x1  }
0x95: {  	[smem:$0x7F7] =	sst s9  }
0x96: {  	s9 =	simm.s32 $0x40;
	s11 =	simm.s32 $0x0  }
.LBB2_27:
0x97: {  	p0 =	sne.s32 s9, $0x1FC0;
	[tilespmem:s11+$0xA480] =	vst v6;
	s11 =	smov.u32 s9;
	s9 =	sadd.s32 $0x40, s9  }
.Ltmp15:
0x98: {  	(pc) =	sbr.rel @p0 .LBB2_27-.Ltmp15, $2  }
0x99: {  	_ =	sdelay $0x2  }
0x9a: {  	s11 =	sshra.s32 s11, $0x2  }
0x9b: {  	[tilespmem:s11+$0xA480] =	vst v6  }
.LBB2_29:
0x9c: {  	p0 =	slt.s32 s7, $0x800;
	p1 =	sgt.s32 s8, $0x6FF  }
0x9d: {  	p0 =	por !p0, !p1  }
0x9e: {  	p0 =	por !p0, !p0  }
.Ltmp16:
0x9f: {  	_ = 	snop;
	(pc) =	sbr.rel @!p0 .LBB2_33-.Ltmp16, $4  }
0xa0: {  	_ = 	snop  }
0xa1: {  	s9 =	simm.s32 @!p0 $0x0  }
0xa2: {  	s9 =	simm.s32 @p0 $0x1  }
0xa3: {  	[smem:$0x7F6] =	sst s9  }
0xa4: {  	s9 =	simm.s32 $0x40;
	s11 =	simm.s32 $0x0  }
.LBB2_31:
0xa5: {  	p0 =	sne.s32 s9, $0x1FC0;
	[tilespmem:s11+$0xAC80] =	vst v6;
	s11 =	smov.u32 s9;
	s9 =	sadd.s32 $0x40, s9  }
.Ltmp17:
0xa6: {  	(pc) =	sbr.rel @p0 .LBB2_31-.Ltmp17, $2  }
0xa7: {  	_ =	sdelay $0x2  }
0xa8: {  	s11 =	sshra.s32 s11, $0x2  }
0xa9: {  	[tilespmem:s11+$0xAC80] =	vst v6  }
.LBB2_33:
0xaa: {  	p0 =	slt.s32 s7, $0x900;
	p1 =	sgt.s32 s8, $0x7FF  }
0xab: {  	p0 =	por !p0, !p1  }
0xac: {  	p0 =	por !p0, !p0  }
.Ltmp18:
0xad: {  	_ = 	snop;
	(pc) =	sbr.rel @!p0 .LBB2_37-.Ltmp18, $4  }
0xae: {  	_ = 	snop  }
0xaf: {  	s9 =	simm.s32 @!p0 $0x0  }
0xb0: {  	s9 =	simm.s32 @p0 $0x1  }
0xb1: {  	[smem:$0x7F5] =	sst s9  }
0xb2: {  	s9 =	simm.s32 $0x40;
	s11 =	simm.s32 $0x0  }
.LBB2_35:
0xb3: {  	p0 =	sne.s32 s9, $0x1FC0;
	[tilespmem:s11+$0xB480] =	vst v6;
	s11 =	smov.u32 s9;
	s9 =	sadd.s32 $0x40, s9  }
.Ltmp19:
0xb4: {  	(pc) =	sbr.rel @p0 .LBB2_35-.Ltmp19, $2  }
0xb5: {  	_ =	sdelay $0x2  }
0xb6: {  	s11 =	sshra.s32 s11, $0x2  }
0xb7: {  	[tilespmem:s11+$0xB480] =	vst v6  }
.LBB2_37:
0xb8: {  	p0 =	slt.s32 s7, $0xA00;
	p1 =	sgt.s32 s8, $0x8FF  }
0xb9: {  	p0 =	por !p0, !p1  }
0xba: {  	p0 =	por !p0, !p0  }
.Ltmp20:
0xbb: {  	_ = 	snop;
	(pc) =	sbr.rel @!p0 .LBB2_41-.Ltmp20, $4  }
0xbc: {  	_ = 	snop  }
0xbd: {  	s9 =	simm.s32 @!p0 $0x0  }
0xbe: {  	s9 =	simm.s32 @p0 $0x1  }
0xbf: {  	[smem:$0x7F4] =	sst s9  }
0xc0: {  	s9 =	simm.s32 $0x40;
	s11 =	simm.s32 $0x0  }
.LBB2_39:
0xc1: {  	p0 =	sne.s32 s9, $0x1FC0;
	[tilespmem:s11+$0xBC80] =	vst v6;
	s11 =	smov.u32 s9;
	s9 =	sadd.s32 $0x40, s9  }
.Ltmp21:
0xc2: {  	(pc) =	sbr.rel @p0 .LBB2_39-.Ltmp21, $2  }
0xc3: {  	_ =	sdelay $0x2  }
0xc4: {  	s11 =	sshra.s32 s11, $0x2  }
0xc5: {  	[tilespmem:s11+$0xBC80] =	vst v6  }
.LBB2_41:
0xc6: {  	p0 =	slt.s32 s7, $0xB00;
	p1 =	sgt.s32 s8, $0x9FF  }
0xc7: {  	p0 =	por !p0, !p1  }
0xc8: {  	p3 =	por !p0, !p0  }
.Ltmp22:
0xc9: {  	_ = 	snop;
	(pc) =	sbr.rel @!p3 .LBB2_45-.Ltmp22, $1  }
0xca: {  	_ =	sdelay $0x3  }
0xcb: {  	s9 =	simm.s32 $0x40;
	s11 =	simm.s32 $0x0  }
.LBB2_43:
0xcc: {  	p0 =	sne.s32 s9, $0x1FC0;
	[tilespmem:s11+$0xC480] =	vst v6;
	s11 =	smov.u32 s9;
	s9 =	sadd.s32 $0x40, s9  }
.Ltmp23:
0xcd: {  	(pc) =	sbr.rel @p0 .LBB2_43-.Ltmp23, $2  }
0xce: {  	_ =	sdelay $0x2  }
0xcf: {  	s11 =	sshra.s32 s11, $0x2  }
0xd0: {  	[tilespmem:s11+$0xC480] =	vst v6  }
.LBB2_45:
0xd1: {  	p0 =	slt.s32 s7, $0xC00;
	p1 =	sgt.s32 s8, $0xAFF  }
0xd2: {  	p0 =	por !p0, !p1  }
0xd3: {  	p4 =	por !p0, !p0  }
.Ltmp24:
0xd4: {  	_ = 	snop;
	(pc) =	sbr.rel @!p4 .LBB2_49-.Ltmp24, $1  }
0xd5: {  	_ =	sdelay $0x3  }
0xd6: {  	s9 =	simm.s32 $0x40;
	s11 =	simm.s32 $0x0  }
.LBB2_47:
0xd7: {  	p0 =	sne.s32 s9, $0x1FC0;
	[tilespmem:s11+$0xCC80] =	vst v6;
	s11 =	smov.u32 s9;
	s9 =	sadd.s32 $0x40, s9  }
.Ltmp25:
0xd8: {  	(pc) =	sbr.rel @p0 .LBB2_47-.Ltmp25, $2  }
0xd9: {  	_ =	sdelay $0x2  }
0xda: {  	s11 =	sshra.s32 s11, $0x2  }
0xdb: {  	[tilespmem:s11+$0xCC80] =	vst v6  }
.LBB2_49:
0xdc: {  	p0 =	slt.s32 s7, $0xD00;
	p1 =	sgt.s32 s8, $0xBFF  }
0xdd: {  	p0 =	por !p0, !p1  }
0xde: {  	p5 =	por !p0, !p0  }
.Ltmp26:
0xdf: {  	_ = 	snop;
	(pc) =	sbr.rel @!p5 .LBB2_53-.Ltmp26, $1  }
0xe0: {  	_ =	sdelay $0x3  }
0xe1: {  	s9 =	simm.s32 $0x40;
	s11 =	simm.s32 $0x0  }
.LBB2_51:
0xe2: {  	p0 =	sne.s32 s9, $0x1FC0;
	[tilespmem:s11+$0xD480] =	vst v6;
	s11 =	smov.u32 s9;
	s9 =	sadd.s32 $0x40, s9  }
.Ltmp27:
0xe3: {  	(pc) =	sbr.rel @p0 .LBB2_51-.Ltmp27, $2  }
0xe4: {  	_ =	sdelay $0x2  }
0xe5: {  	s11 =	sshra.s32 s11, $0x2  }
0xe6: {  	[tilespmem:s11+$0xD480] =	vst v6  }
.LBB2_53:
0xe7: {  	p0 =	slt.s32 s7, $0xE00;
	p1 =	sgt.s32 s8, $0xCFF  }
0xe8: {  	p0 =	por !p0, !p1  }
0xe9: {  	p6 =	por !p0, !p0  }
.Ltmp28:
0xea: {  	_ = 	snop;
	(pc) =	sbr.rel @!p6 .LBB2_57-.Ltmp28, $1  }
0xeb: {  	_ =	sdelay $0x3  }
0xec: {  	s9 =	simm.s32 $0x40;
	s11 =	simm.s32 $0x0  }
.LBB2_55:
0xed: {  	p0 =	sne.s32 s9, $0x1FC0;
	[tilespmem:s11+$0xDC80] =	vst v6;
	s11 =	smov.u32 s9;
	s9 =	sadd.s32 $0x40, s9  }
.Ltmp29:
0xee: {  	(pc) =	sbr.rel @p0 .LBB2_55-.Ltmp29, $2  }
0xef: {  	_ =	sdelay $0x2  }
0xf0: {  	s11 =	sshra.s32 s11, $0x2  }
0xf1: {  	[tilespmem:s11+$0xDC80] =	vst v6  }
.LBB2_57:
0xf2: {  	p0 =	slt.s32 s7, $0xF00;
	p1 =	sgt.s32 s8, $0xDFF  }
0xf3: {  	p0 =	por !p0, !p1  }
0xf4: {  	p0 =	por !p0, !p0  }
.Ltmp30:
0xf5: {  	_ = 	snop;
	(pc) =	sbr.rel @!p0 .LBB2_61-.Ltmp30, $1  }
0xf6: {  	_ =	sdelay $0x3  }
0xf7: {  	s9 =	simm.s32 $0x40;
	s11 =	simm.s32 $0x0  }
.LBB2_59:
0xf8: {  	p1 =	sne.s32 s9, $0x1FC0;
	[tilespmem:s11+$0xE480] =	vst v6;
	s11 =	smov.u32 s9;
	s9 =	sadd.s32 $0x40, s9  }
.Ltmp31:
0xf9: {  	(pc) =	sbr.rel @p1 .LBB2_59-.Ltmp31, $2  }
0xfa: {  	_ =	sdelay $0x2  }
0xfb: {  	s11 =	sshra.s32 s11, $0x2  }
0xfc: {  	[tilespmem:s11+$0xE480] =	vst v6  }
.LBB2_61:
0xfd: {  	p1 =	slt.s32 s7, $0x1000;
	p2 =	sgt.s32 s8, $0xEFF  }
0xfe: {  	p1 =	por !p1, !p2  }
0xff: {  	p1 =	por !p1, !p1  }
.Ltmp32:
0x100: {  	_ = 	snop;
	(pc) =	sbr.rel @!p1 .LBB2_65-.Ltmp32, $2  }
0x101: {  	_ =	sdelay $0x2  }
0x102: {  	s7 =	simm.s32 $0x0  }
0x103: {  	s8 =	simm.s32 $0x40;
	s9 =	simm.s32 $0x0  }
.LBB2_63:
0x104: {  	p2 =	sne.s32 s8, $0x1FC0;
	[tilespmem:s9+$0xEC80] =	vst v6;
	s9 =	smov.u32 s8;
	s8 =	sadd.s32 $0x40, s8  }
.Ltmp33:
0x105: {  	(pc) =	sbr.rel @p2 .LBB2_63-.Ltmp33, $2  }
0x106: {  	_ =	sdelay $0x2  }
0x107: {  	s9 =	sshra.s32 s9, $0x2  }
0x108: {  	[tilespmem:s9+$0xEC80] =	vst v6  }
.LBB2_65:
0x109: {  	v16 =	vor.u32 s7, v2  }
0x10a: {  	v17 =	vadd.s32 v4, v16  }
0x10b: {  	v18 =	vshll.u32 v17, $0x3  }
0x10c: {  	v17 =	vand.u32 $0x78, v17;
	v18 =	vand.u32 $0x7FFFFC00, v18  }
0x10d: {  	v17 =	vor.u32 v17, v18  }
0x10e: {  	v19 =	vld [tilespmem:s7+$0x0];
	v18 =	vor.u32 v5, v17;
	_ =	sdelay $0x1  }
0x10f: {  	v16 =	vadd.s32 v0, v16  }
0x110: {  	v15 =	vbroadcast v15, $0x0;
	vm1 =	vge.u32 v16, v1;
	vm2 =	vlt.u32 v16, v3  }
0x111: {  	vm1 =	vmand vm1, vm2  }
0x112: {  	v16 =	vld.idx.msk [tilespmem:v18+s31+$0x0], $0xffff;
	v18 =	vsel vm1, v19, v15  }
0x113: {  	v18 =	vshll.u32 v18, $0x3  }
0x114: {  	v19 =	vor.u32 v7, v17;
	_ =	sdelay $0x2  }
0x115: {  	v16 =	vnsel vm1, $0x0, v16  }
0x116: {  	[tilespmem:v18+s1+$0x0] =	vst.idx.add.f32.msk $0xffff, v16  }
0x117: {  	v16 =	vld.idx.msk [tilespmem:v19+s31+$0x0], $0xffff  }
0x118: {  	v19 =	vor.u32 $0x1, v18  }
0x119: {  	v20 =	vor.u32 v8, v17;
	_ =	sdelay $0x2  }
0x11a: {  	v16 =	vnsel vm1, $0x0, v16  }
0x11b: {  	[tilespmem:v19+s1+$0x0] =	vst.idx.add.f32.msk $0xffff, v16  }
0x11c: {  	v16 =	vld.idx.msk [tilespmem:v20+s31+$0x0], $0xffff  }
0x11d: {  	v19 =	vor.u32 $0x2, v18  }
0x11e: {  	v20 =	vor.u32 v9, v17;
	_ =	sdelay $0x2  }
0x11f: {  	v16 =	vnsel vm1, $0x0, v16  }
0x120: {  	[tilespmem:v19+s1+$0x0] =	vst.idx.add.f32.msk $0xffff, v16  }
0x121: {  	v16 =	vld.idx.msk [tilespmem:v20+s31+$0x0], $0xffff  }
0x122: {  	v19 =	vor.u32 $0x3, v18  }
0x123: {  	v20 =	vor.u32 v10, v17;
	_ =	sdelay $0x2  }
0x124: {  	v16 =	vnsel vm1, $0x0, v16  }
0x125: {  	[tilespmem:v19+s1+$0x0] =	vst.idx.add.f32.msk $0xffff, v16  }
0x126: {  	v16 =	vld.idx.msk [tilespmem:v20+s31+$0x0], $0xffff  }
0x127: {  	v19 =	vor.u32 $0x4, v18  }
0x128: {  	v20 =	vor.u32 v11, v17;
	_ =	sdelay $0x2  }
0x129: {  	v16 =	vnsel vm1, $0x0, v16  }
0x12a: {  	[tilespmem:v19+s1+$0x0] =	vst.idx.add.f32.msk $0xffff, v16  }
0x12b: {  	v16 =	vld.idx.msk [tilespmem:v20+s31+$0x0], $0xffff  }
0x12c: {  	v19 =	vor.u32 $0x5, v18  }
0x12d: {  	v20 =	vor.u32 v12, v17;
	_ =	sdelay $0x2  }
0x12e: {  	v16 =	vnsel vm1, $0x0, v16  }
0x12f: {  	[tilespmem:v19+s1+$0x0] =	vst.idx.add.f32.msk $0xffff, v16  }
0x130: {  	v16 =	vld.idx.msk [tilespmem:v20+s31+$0x0], $0xffff  }
0x131: {  	v19 =	vor.u32 $0x6, v18  }
0x132: {  	v17 =	vor.u32 v13, v17;
	_ =	sdelay $0x2  }
0x133: {  	v16 =	vnsel vm1, $0x0, v16  }
0x134: {  	[tilespmem:v19+s1+$0x0] =	vst.idx.add.f32.msk $0xffff, v16  }
0x135: {  	s8 =	simm.s32 $0x10;
	v19 =	vld.idx.msk [tilespmem:v17+s31+$0x0], $0xffff  }
0x136: {  	v16 =	vor.u32 s8, v2  }
0x137: {  	v20 =	vadd.s32 v4, v16;
	v17 =	vor.u32 $0x7, v18  }
0x138: {  	v16 =	vadd.s32 v0, v16;
	v18 =	vshll.u32 v20, $0x3  }
0x139: {  	vm2 =	vge.u32 v16, v1;
	v20 =	vand.u32 $0x78, v20;
	v18 =	vand.u32 $0x7FFFFC00, v18  }
0x13a: {  	s8 =	simm.s32 $0x20;
	vm3 =	vlt.u32 v16, v3;
	v16 =	vor.u32 v20, v18;
	v18 =	vnsel vm1, $0x0, v19  }
.LBB2_66:
0x13b: {  	p2 =	sne.s32 s8, $0xC70  }
0x13c: {  	v19 =	vor.u32 v5, v16;
	[tilespmem:v17+s1+$0x0] =	vst.idx.add.f32.msk $0xffff, v18;
	s7 =	sadd.s32 $0x10, s7;
	s9 =	smov.u32 s8;
	s8 =	sadd.s32 $0x10, s8  }
0x13d: {  	v17 =	vld [tilespmem:s7+$0x0];
	_ =	sdelay $0x3  }
0x13e: {  	vm1 =	vmand vm2, vm3;
	v18 =	vld.idx.msk [tilespmem:v19+s31+$0x0], $0xffff  }
0x13f: {  	v17 =	vsel vm1, v17, v15  }
0x140: {  	v17 =	vshll.u32 v17, $0x3  }
0x141: {  	v19 =	vor.u32 v7, v16;
	_ =	sdelay $0x2  }
0x142: {  	v18 =	vnsel vm1, $0x0, v18  }
0x143: {  	[tilespmem:v17+s1+$0x0] =	vst.idx.add.f32.msk $0xffff, v18  }
0x144: {  	v18 =	vld.idx.msk [tilespmem:v19+s31+$0x0], $0xffff;
	_ =	sdelay $0x1  }
0x145: {  	v19 =	vor.u32 $0x1, v17  }
0x146: {  	v20 =	vor.u32 v8, v16;
	_ =	sdelay $0x2  }
0x147: {  	v18 =	vnsel vm1, $0x0, v18  }
0x148: {  	[tilespmem:v19+s1+$0x0] =	vst.idx.add.f32.msk $0xffff, v18  }
0x149: {  	v18 =	vld.idx.msk [tilespmem:v20+s31+$0x0], $0xffff;
	_ =	sdelay $0x1  }
0x14a: {  	v19 =	vor.u32 $0x2, v17  }
0x14b: {  	v20 =	vor.u32 v9, v16;
	_ =	sdelay $0x2  }
0x14c: {  	v18 =	vnsel vm1, $0x0, v18  }
0x14d: {  	[tilespmem:v19+s1+$0x0] =	vst.idx.add.f32.msk $0xffff, v18  }
0x14e: {  	v18 =	vld.idx.msk [tilespmem:v20+s31+$0x0], $0xffff;
	_ =	sdelay $0x1  }
0x14f: {  	v19 =	vor.u32 $0x3, v17  }
0x150: {  	v20 =	vor.u32 v10, v16;
	_ =	sdelay $0x2  }
0x151: {  	v18 =	vnsel vm1, $0x0, v18  }
0x152: {  	[tilespmem:v19+s1+$0x0] =	vst.idx.add.f32.msk $0xffff, v18  }
0x153: {  	v18 =	vld.idx.msk [tilespmem:v20+s31+$0x0], $0xffff;
	_ =	sdelay $0x1  }
0x154: {  	v19 =	vor.u32 $0x4, v17  }
0x155: {  	v20 =	vor.u32 v11, v16;
	_ =	sdelay $0x2  }
0x156: {  	v18 =	vnsel vm1, $0x0, v18  }
0x157: {  	[tilespmem:v19+s1+$0x0] =	vst.idx.add.f32.msk $0xffff, v18  }
0x158: {  	v18 =	vld.idx.msk [tilespmem:v20+s31+$0x0], $0xffff;
	_ =	sdelay $0x1  }
0x159: {  	v19 =	vor.u32 $0x5, v17  }
0x15a: {  	v20 =	vor.u32 v12, v16;
	_ =	sdelay $0x2  }
0x15b: {  	v18 =	vnsel vm1, $0x0, v18  }
0x15c: {  	[tilespmem:v19+s1+$0x0] =	vst.idx.add.f32.msk $0xffff, v18  }
0x15d: {  	v18 =	vld.idx.msk [tilespmem:v20+s31+$0x0], $0xffff;
	_ =	sdelay $0x1  }
0x15e: {  	v19 =	vor.u32 $0x6, v17  }
0x15f: {  	v16 =	vor.u32 v13, v16;
	_ =	sdelay $0x2  }
0x160: {  	v18 =	vnsel vm1, $0x0, v18  }
0x161: {  	[tilespmem:v19+s1+$0x0] =	vst.idx.add.f32.msk $0xffff, v18  }
0x162: {  	v18 =	vld.idx.msk [tilespmem:v16+s31+$0x0], $0xffff;
	_ =	sdelay $0x1  }
.Ltmp34:
0x163: {  	v17 =	vor.u32 $0x7, v17;
	v16 =	vor.u32 s9, v2;
	(pc) =	sbr.rel @p2 .LBB2_66-.Ltmp34, $4  }
0x164: {  	v19 =	vadd.s32 v0, v16;
	v16 =	vadd.s32 v4, v16  }
0x165: {  	vm2 =	vge.u32 v19, v1;
	vm3 =	vlt.u32 v19, v3;
	v19 =	vshll.u32 v16, $0x3  }
0x166: {  	v16 =	vand.u32 $0x78, v16;
	v19 =	vand.u32 $0x7FFFFC00, v19  }
0x167: {  	v16 =	vor.u32 v16, v19;
	v18 =	vnsel vm1, $0x0, v18  }
0x168: {  	_ =	sdelay $0x3  }
0x169: {  	[tilespmem:v17+s1+$0x0] =	vst.idx.add.f32.msk $0xffff, v18;
	s7 =	sadd.s32 $0x10, s7  }
0x16a: {  	v51 =	vor.u32 v5, v16;
	v18 =	vld [tilespmem:s7+$0x0];
	_ =	sdelay $0x3  }
0x16b: {  	vm1 =	vmand vm2, vm3  }
0x16c: {  	v17 =	vld.idx.msk [tilespmem:v51+s31+$0x0], $0xffff;
	v18 =	vsel vm1, v18, v15  }
0x16d: {  	v18 =	vshll.u32 v18, $0x3  }
0x16e: {  	v19 =	vor.u32 v7, v16;
	_ =	sdelay $0x2  }
0x16f: {  	v17 =	vnsel vm1, $0x0, v17  }
0x170: {  	[tilespmem:v18+s1+$0x0] =	vst.idx.add.f32.msk $0xffff, v17  }
0x171: {  	v17 =	vld.idx.msk [tilespmem:v19+s31+$0x0], $0xffff  }
0x172: {  	v52 =	vor.u32 $0x1, v18  }
0x173: {  	v20 =	vor.u32 v8, v16;
	_ =	sdelay $0x2  }
0x174: {  	v17 =	vnsel vm1, $0x0, v17  }
0x175: {  	[tilespmem:v52+s1+$0x0] =	vst.idx.add.f32.msk $0xffff, v17  }
0x176: {  	v17 =	vld.idx.msk [tilespmem:v20+s31+$0x0], $0xffff  }
0x177: {  	v53 =	vor.u32 $0x2, v18  }
0x178: {  	v54 =	vor.u32 v9, v16;
	_ =	sdelay $0x2  }
0x179: {  	v17 =	vnsel vm1, $0x0, v17  }
0x17a: {  	[tilespmem:v53+s1+$0x0] =	vst.idx.add.f32.msk $0xffff, v17  }
0x17b: {  	v17 =	vld.idx.msk [tilespmem:v54+s31+$0x0], $0xffff  }
0x17c: {  	v55 =	vor.u32 $0x3, v18  }
0x17d: {  	v56 =	vor.u32 v10, v16;
	_ =	sdelay $0x2  }
0x17e: {  	v17 =	vnsel vm1, $0x0, v17  }
0x17f: {  	[tilespmem:v55+s1+$0x0] =	vst.idx.add.f32.msk $0xffff, v17  }
0x180: {  	v17 =	vld.idx.msk [tilespmem:v56+s31+$0x0], $0xffff  }
0x181: {  	v57 =	vor.u32 $0x4, v18  }
0x182: {  	v58 =	vor.u32 v11, v16;
	_ =	sdelay $0x2  }
0x183: {  	v17 =	vnsel vm1, $0x0, v17  }
0x184: {  	[tilespmem:v57+s1+$0x0] =	vst.idx.add.f32.msk $0xffff, v17  }
0x185: {  	v17 =	vld.idx.msk [tilespmem:v58+s31+$0x0], $0xffff  }
0x186: {  	v59 =	vor.u32 $0x5, v18  }
0x187: {  	v60 =	vor.u32 v12, v16;
	_ =	sdelay $0x2  }
0x188: {  	v17 =	vnsel vm1, $0x0, v17  }
0x189: {  	[tilespmem:v59+s1+$0x0] =	vst.idx.add.f32.msk $0xffff, v17  }
0x18a: {  	v17 =	vld.idx.msk [tilespmem:v60+s31+$0x0], $0xffff  }
0x18b: {  	v61 =	vor.u32 $0x6, v18  }
0x18c: {  	v62 =	vor.u32 v13, v16;
	_ =	sdelay $0x2  }
0x18d: {  	v17 =	vnsel vm1, $0x0, v17  }
0x18e: {  	[tilespmem:v61+s1+$0x0] =	vst.idx.add.f32.msk $0xffff, v17  }
0x18f: {  	v16 =	vld.idx.msk [tilespmem:v62+s31+$0x0], $0xffff  }
0x190: {  	v63 =	vor.u32 $0x7, v18;
	_ =	sdelay $0x2  }
0x191: {  	v14 =	vbroadcast v14, $0xF  }
0x192: {  	v16 =	vnsel vm1, $0x0, v16  }
0x193: {  	v14 =	vsel vm0, v15, v14;
	[tilespmem:v63+s1+$0x0] =	vst.idx.add.f32.msk $0xffff, v16  }
0x194: {  	s11 =	rddreg [dreg:$0x8];
	s8 =	simm.s32 $0x10480;
	[tilespmem:$0x10480] =	vst v14  }
0x195: {  	[spmem:s11] =	stream.linear.scatter [tilespmem:s8], [sflag:$0x1], $0x10, $0x38;
	[tilespmem:$0x185A0] =	vst v63  }
0x196: {  	_ =	swait.ge [sflag:s2], $0x10  }
0x197: {  	s9 =	sld [smem:$0x7FD];
	_ =	sdelay $0x2  }
0x198: {  	[sflag:s2] =	ssyncset.done $0x0;
	p2 =	seq.s32 s9, $0x1  }
0x199: {  	[sflag:s2] =	ssyncadd.s32 $0xFFFFFFF0;
	s7 =	simm.s32 @p2 $0x7480  }
0x19a: {  	[spmem:s10] =	stream.linear.scatter @p2 [tilespmem:s7], [sflag:$0x1], $0x800, $0x38;
	[tilespmem:$0x185A0] =	vst v63  }
0x19b: {  	s7 =	simm.s32 @p2 $0x1  }
0x19c: {  	_ =	swait.ge @p2 [sflag:s7], $0x800  }
0x19d: {  	s11 =	sld [smem:$0x7FC];
	_ =	sdelay $0x1  }
0x19e: {  	[sflag:s7] =	ssyncset.done @p2 $0x0  }
0x19f: {  	[sflag:s7] =	ssyncadd.s32 @p2 $0xFFFFF800;
	p2 =	seq.s32 s11, $0x1  }
0x1a0: {  	s8 =	rddreg [dreg:$0x9];
	s7 =	simm.s32 @p2 $0x7C80  }
0x1a1: {  	[spmem:s8] =	stream.linear.scatter @p2 [tilespmem:s7], [sflag:$0x1], $0x800, $0x38;
	[tilespmem:$0x185A0] =	vst v63  }
0x1a2: {  	s7 =	simm.s32 @p2 $0x1  }
0x1a3: {  	_ =	swait.ge @p2 [sflag:s7], $0x800  }
0x1a4: {  	s8 =	sld [smem:$0x7FB];
	_ =	sdelay $0x1  }
0x1a5: {  	[sflag:s7] =	ssyncset.done @p2 $0x0  }
0x1a6: {  	[sflag:s7] =	ssyncadd.s32 @p2 $0xFFFFF800;
	p2 =	seq.s32 s8, $0x1  }
0x1a7: {  	s8 =	rddreg [dreg:$0xa];
	s7 =	simm.s32 @p2 $0x8480  }
0x1a8: {  	[spmem:s8] =	stream.linear.scatter @p2 [tilespmem:s7], [sflag:$0x1], $0x800, $0x38;
	[tilespmem:$0x185A0] =	vst v63  }
0x1a9: {  	s7 =	simm.s32 @p2 $0x1  }
0x1aa: {  	_ =	swait.ge @p2 [sflag:s7], $0x800  }
0x1ab: {  	s9 =	sld [smem:$0x7FA];
	_ =	sdelay $0x1  }
0x1ac: {  	[sflag:s7] =	ssyncset.done @p2 $0x0  }
0x1ad: {  	[sflag:s7] =	ssyncadd.s32 @p2 $0xFFFFF800;
	p2 =	seq.s32 s9, $0x1  }
0x1ae: {  	s7 =	simm.s32 @p2 $0x8C80  }
0x1af: {  	[spmem:s13] =	stream.linear.scatter @p2 [tilespmem:s7], [sflag:$0x1], $0x800, $0x38;
	[tilespmem:$0x185A0] =	vst v63  }
0x1b0: {  	s7 =	simm.s32 @p2 $0x1  }
0x1b1: {  	_ =	swait.ge @p2 [sflag:s7], $0x800  }
0x1b2: {  	s11 =	sld [smem:$0x7F9];
	_ =	sdelay $0x1  }
0x1b3: {  	[sflag:s7] =	ssyncset.done @p2 $0x0  }
0x1b4: {  	[sflag:s7] =	ssyncadd.s32 @p2 $0xFFFFF800;
	p2 =	seq.s32 s11, $0x1  }
0x1b5: {  	s7 =	simm.s32 @p2 $0x9480  }
0x1b6: {  	[spmem:s14] =	stream.linear.scatter @p2 [tilespmem:s7], [sflag:$0x1], $0x800, $0x38;
	[tilespmem:$0x185A0] =	vst v63  }
0x1b7: {  	s7 =	simm.s32 @p2 $0x1  }
0x1b8: {  	_ =	swait.ge @p2 [sflag:s7], $0x800  }
0x1b9: {  	s8 =	sld [smem:$0x7F8];
	_ =	sdelay $0x1  }
0x1ba: {  	[sflag:s7] =	ssyncset.done @p2 $0x0  }
0x1bb: {  	[sflag:s7] =	ssyncadd.s32 @p2 $0xFFFFF800;
	p2 =	seq.s32 s8, $0x1  }
0x1bc: {  	s7 =	simm.s32 @p2 $0x9C80  }
0x1bd: {  	[spmem:s15] =	stream.linear.scatter @p2 [tilespmem:s7], [sflag:$0x1], $0x800, $0x38;
	[tilespmem:$0x185A0] =	vst v63  }
0x1be: {  	s7 =	simm.s32 @p2 $0x1  }
0x1bf: {  	_ =	swait.ge @p2 [sflag:s7], $0x800  }
0x1c0: {  	s9 =	sld [smem:$0x7F7];
	_ =	sdelay $0x1  }
0x1c1: {  	[sflag:s7] =	ssyncset.done @p2 $0x0  }
0x1c2: {  	[sflag:s7] =	ssyncadd.s32 @p2 $0xFFFFF800;
	p2 =	seq.s32 s9, $0x1  }
0x1c3: {  	s7 =	simm.s32 @p2 $0xA480  }
0x1c4: {  	[spmem:s16] =	stream.linear.scatter @p2 [tilespmem:s7], [sflag:$0x1], $0x800, $0x38;
	[tilespmem:$0x185A0] =	vst v63  }
0x1c5: {  	s7 =	simm.s32 @p2 $0x1  }
0x1c6: {  	_ =	swait.ge @p2 [sflag:s7], $0x800  }
0x1c7: {  	s11 =	sld [smem:$0x7F6];
	_ =	sdelay $0x1  }
0x1c8: {  	[sflag:s7] =	ssyncset.done @p2 $0x0  }
0x1c9: {  	[sflag:s7] =	ssyncadd.s32 @p2 $0xFFFFF800;
	p2 =	seq.s32 s11, $0x1  }
0x1ca: {  	s7 =	simm.s32 @p2 $0xAC80  }
0x1cb: {  	[spmem:s18] =	stream.linear.scatter @p2 [tilespmem:s7], [sflag:$0x1], $0x800, $0x38;
	[tilespmem:$0x185A0] =	vst v63  }
0x1cc: {  	s7 =	simm.s32 @p2 $0x1  }
0x1cd: {  	_ =	swait.ge @p2 [sflag:s7], $0x800  }
0x1ce: {  	s8 =	sld [smem:$0x7F5];
	_ =	sdelay $0x1  }
0x1cf: {  	[sflag:s7] =	ssyncset.done @p2 $0x0  }
0x1d0: {  	[sflag:s7] =	ssyncadd.s32 @p2 $0xFFFFF800;
	p2 =	seq.s32 s8, $0x1  }
0x1d1: {  	s7 =	simm.s32 @p2 $0xB480  }
0x1d2: {  	[spmem:s19] =	stream.linear.scatter @p2 [tilespmem:s7], [sflag:$0x1], $0x800, $0x38;
	[tilespmem:$0x185A0] =	vst v63  }
0x1d3: {  	s7 =	simm.s32 @p2 $0x1  }
0x1d4: {  	_ =	swait.ge @p2 [sflag:s7], $0x800  }
0x1d5: {  	s9 =	sld [smem:$0x7F4];
	_ =	sdelay $0x1  }
0x1d6: {  	[sflag:s7] =	ssyncset.done @p2 $0x0  }
0x1d7: {  	[sflag:s7] =	ssyncadd.s32 @p2 $0xFFFFF800;
	p2 =	seq.s32 s9, $0x1  }
0x1d8: {  	s7 =	simm.s32 @p2 $0xBC80  }
0x1d9: {  	[spmem:s22] =	stream.linear.scatter @p2 [tilespmem:s7], [sflag:$0x1], $0x800, $0x38;
	[tilespmem:$0x185A0] =	vst v63  }
0x1da: {  	s7 =	simm.s32 @p2 $0x1  }
0x1db: {  	_ =	swait.ge @p2 [sflag:s7], $0x800  }
0x1dc: {  	[sflag:s7] =	ssyncset.done @p2 $0x0  }
0x1dd: {  	[sflag:s7] =	ssyncadd.s32 @p2 $0xFFFFF800;
	s7 =	simm.s32 @p3 $0xC480  }
0x1de: {  	[spmem:s23] =	stream.linear.scatter @p3 [tilespmem:s7], [sflag:$0x1], $0x800, $0x38;
	[tilespmem:$0x185A0] =	vst v63  }
0x1df: {  	s7 =	simm.s32 @p3 $0x1  }
0x1e0: {  	_ =	swait.ge @p3 [sflag:s7], $0x800  }
0x1e1: {  	[sflag:s7] =	ssyncset.done @p3 $0x0  }
0x1e2: {  	[sflag:s7] =	ssyncadd.s32 @p3 $0xFFFFF800;
	s7 =	simm.s32 @p4 $0xCC80  }
0x1e3: {  	[spmem:s24] =	stream.linear.scatter @p4 [tilespmem:s7], [sflag:$0x1], $0x800, $0x38;
	[tilespmem:$0x185A0] =	vst v63  }
0x1e4: {  	s7 =	simm.s32 @p4 $0x1  }
0x1e5: {  	_ =	swait.ge @p4 [sflag:s7], $0x800  }
0x1e6: {  	[sflag:s7] =	ssyncset.done @p4 $0x0  }
0x1e7: {  	[sflag:s7] =	ssyncadd.s32 @p4 $0xFFFFF800;
	s7 =	simm.s32 @p5 $0xD480  }
0x1e8: {  	[spmem:s25] =	stream.linear.scatter @p5 [tilespmem:s7], [sflag:$0x1], $0x800, $0x38;
	[tilespmem:$0x185A0] =	vst v63  }
0x1e9: {  	s7 =	simm.s32 @p5 $0x1  }
0x1ea: {  	_ =	swait.ge @p5 [sflag:s7], $0x800  }
0x1eb: {  	[sflag:s7] =	ssyncset.done @p5 $0x0  }
0x1ec: {  	[sflag:s7] =	ssyncadd.s32 @p5 $0xFFFFF800;
	s7 =	simm.s32 @p6 $0xDC80  }
0x1ed: {  	[spmem:s26] =	stream.linear.scatter @p6 [tilespmem:s7], [sflag:$0x1], $0x800, $0x38;
	[tilespmem:$0x185A0] =	vst v63  }
0x1ee: {  	s7 =	simm.s32 @p6 $0x1  }
0x1ef: {  	_ =	swait.ge @p6 [sflag:s7], $0x800  }
0x1f0: {  	[sflag:s7] =	ssyncset.done @p6 $0x0  }
0x1f1: {  	[sflag:s7] =	ssyncadd.s32 @p6 $0xFFFFF800;
	s7 =	simm.s32 @p0 $0xE480  }
0x1f2: {  	[spmem:s28] =	stream.linear.scatter @p0 [tilespmem:s7], [sflag:$0x1], $0x800, $0x38;
	[tilespmem:$0x185A0] =	vst v63  }
0x1f3: {  	s7 =	simm.s32 @p0 $0x1  }
0x1f4: {  	_ =	swait.ge @p0 [sflag:s7], $0x800  }
0x1f5: {  	[sflag:s7] =	ssyncset.done @p0 $0x0  }
0x1f6: {  	[sflag:s7] =	ssyncadd.s32 @p0 $0xFFFFF800;
	s7 =	simm.s32 @p1 $0xEC80  }
0x1f7: {  	[spmem:s29] =	stream.linear.scatter @p1 [tilespmem:s7], [sflag:$0x1], $0x800, $0x38;
	[tilespmem:$0x185A0] =	vst v63  }
0x1f8: {  	s7 =	simm.s32 @p1 $0x1  }
0x1f9: {  	_ =	swait.ge @p1 [sflag:s7], $0x800  }
0x1fa: {  	[sflag:s7] =	ssyncset.done @p1 $0x0  }
0x1fb: {  	[sflag:s7] =	ssyncadd.s32 @p1 $0xFFFFF800  }
0x1fc: {  	s11 =	simm.s32 $0x10490;
	[bflag:$0x0] =	sbarrier.arrive $0xFFFF  }
0x1fd: {  	[tilespmem:s11], [sflag:$0x1] =	stream.linear.gather [spmem:s12], $0x100, $0x38;
	[tilespmem:$0x185A0] =	vst v63  }
0x1fe: {  	_ =	swait.ge [sflag:s2], $0x100  }
0x1ff: {  	[sflag:s2] =	ssyncset.done $0x0  }
0x200: {  	s8 =	simm.s32 $0x0;
	s7 =	simm.s32 $0x40;
	[sflag:s2] =	ssyncadd.s32 $0xFFFFFF00  }
.LBB2_68:
0x201: {  	p0 =	sne.s32 s7, $0x1FC0;
	[tilespmem:s8+$0xFC80] =	vst v6;
	s8 =	smov.u32 s7;
	s7 =	sadd.s32 $0x40, s7  }
.Ltmp35:
0x202: {  	(pc) =	sbr.rel @p0 .LBB2_68-.Ltmp35, $2  }
0x203: {  	_ =	sdelay $0x2  }
0x204: {  	s8 =	sshra.s32 s8, $0x2  }
0x205: {  	[tilespmem:s8+$0xFC80] =	vst v6  }
0x206: {  	v14 =	vld [tilespmem:$0x10490];
	_ =	sdelay $0x4  }
0x207: {  	(v2sf) =	vpush v14, $0x0  }
0x208: {  	(v2sf) =	vpush v14, $0x8;
	_ =	sdelay $0xd  }
0x209: {  	s7 =	spop (v2sf)  }
0x20a: {  	s8 =	spop (v2sf);
	p0 =	sge.s32 s7, s30  }
0x20b: {  	p1 =	slt.s32 @!p0 s8, s4  }
0x20c: {  	p0 =	por p0, p1  }
.Ltmp36:
0x20d: {  	_ = 	snop;
	(pc) =	sbr.rel @p0 .LBB2_73-.Ltmp36, $1  }
0x20e: {  	_ =	sdelay $0x3  }
0x20f: {  	[tilespmem:s0], [sflag:$0x1] =	stream.linear.gather [spmem:s17], $0x800, $0x38;
	[tilespmem:$0x185A0] =	vst v63  }
0x210: {  	_ =	swait.ge [sflag:s2], $0x800  }
0x211: {  	[sflag:s2] =	ssyncset.done $0x0  }
0x212: {  	s7 =	simm.s32 $0x0;
	[sflag:s2] =	ssyncadd.s32 $0xFFFFF800  }
0x213: {  	s8 =	simm.s32 $0x40;
	v14 =	vld [tilespmem:s7+$0xF480]  }
.LBB2_71:
0x214: {  	p0 =	sne.s32 s8, $0x1FC0;
	v15 =	vld [tilespmem:s7+$0xFC80];
	_ =	sdelay $0x2  }
.Ltmp37:
0x215: {  	(pc) =	sbr.rel @p0 .LBB2_71-.Ltmp37, $4  }
0x216: {  	_ = 	snop  }
0x217: {  	v15 =	vadd.f32 v14, v15  }
0x218: {  	s9 =	sshra.s32 s8, $0x2  }
0x219: {  	s8 =	sadd.s32 $0x40, s8;
	v14 =	vld [tilespmem:s9+$0xF480];
	[tilespmem:s7+$0xFC80] =	vst v15;
	s7 =	smov.u32 s9  }
0x21a: {  	v15 =	vld [tilespmem:s7+$0xFC80];
	_ =	sdelay $0x4  }
0x21b: {  	v14 =	vadd.f32 v14, v15;
	_ =	sdelay $0x1  }
0x21c: {  	[tilespmem:s7+$0xFC80] =	vst v14  }
.LBB2_73:
0x21d: {  	v14 =	vld [tilespmem:$0x104A0];
	_ =	sdelay $0x4  }
0x21e: {  	(v2sf) =	vpush v14, $0x0  }
0x21f: {  	(v2sf) =	vpush v14, $0x8;
	_ =	sdelay $0xd  }
0x220: {  	s7 =	spop (v2sf)  }
0x221: {  	s8 =	spop (v2sf);
	p0 =	sge.s32 s7, s30  }
0x222: {  	p1 =	slt.s32 @!p0 s8, s4  }
0x223: {  	p0 =	por p0, p1  }
.Ltmp38:
0x224: {  	_ = 	snop;
	(pc) =	sbr.rel @p0 .LBB2_77-.Ltmp38, $1  }
0x225: {  	_ =	sdelay $0x3  }
0x226: {  	s7 =	rddreg [dreg:$0xb]  }
0x227: {  	[tilespmem:s0], [sflag:$0x1] =	stream.linear.gather [spmem:s7], $0x800, $0x38;
	[tilespmem:$0x185A0] =	vst v63  }
0x228: {  	_ =	swait.ge [sflag:s2], $0x800  }
0x229: {  	[sflag:s2] =	ssyncset.done $0x0  }
0x22a: {  	s7 =	simm.s32 $0x0;
	[sflag:s2] =	ssyncadd.s32 $0xFFFFF800  }
0x22b: {  	s8 =	simm.s32 $0x40;
	v14 =	vld [tilespmem:s7+$0xF480]  }
.LBB2_75:
0x22c: {  	p0 =	sne.s32 s8, $0x1FC0;
	v15 =	vld [tilespmem:s7+$0xFC80];
	_ =	sdelay $0x2  }
.Ltmp39:
0x22d: {  	(pc) =	sbr.rel @p0 .LBB2_75-.Ltmp39, $4  }
0x22e: {  	_ = 	snop  }
0x22f: {  	v15 =	vadd.f32 v14, v15  }
0x230: {  	s9 =	sshra.s32 s8, $0x2  }
0x231: {  	s8 =	sadd.s32 $0x40, s8;
	v14 =	vld [tilespmem:s9+$0xF480];
	[tilespmem:s7+$0xFC80] =	vst v15;
	s7 =	smov.u32 s9  }
0x232: {  	v15 =	vld [tilespmem:s7+$0xFC80];
	_ =	sdelay $0x4  }
0x233: {  	v14 =	vadd.f32 v14, v15;
	_ =	sdelay $0x1  }
0x234: {  	[tilespmem:s7+$0xFC80] =	vst v14  }
.LBB2_77:
0x235: {  	v14 =	vld [tilespmem:$0x104B0];
	_ =	sdelay $0x4  }
0x236: {  	(v2sf) =	vpush v14, $0x0  }
0x237: {  	(v2sf) =	vpush v14, $0x8;
	_ =	sdelay $0xd  }
0x238: {  	s7 =	spop (v2sf)  }
0x239: {  	s8 =	spop (v2sf);
	p0 =	sge.s32 s7, s30  }
0x23a: {  	p1 =	slt.s32 @!p0 s8, s4  }
0x23b: {  	p0 =	por p0, p1  }
.Ltmp40:
0x23c: {  	_ = 	snop;
	(pc) =	sbr.rel @p0 .LBB2_81-.Ltmp40, $1  }
0x23d: {  	_ =	sdelay $0x3  }
0x23e: {  	s7 =	rddreg [dreg:$0xc]  }
0x23f: {  	[tilespmem:s0], [sflag:$0x1] =	stream.linear.gather [spmem:s7], $0x800, $0x38;
	[tilespmem:$0x185A0] =	vst v63  }
0x240: {  	_ =	swait.ge [sflag:s2], $0x800  }
0x241: {  	[sflag:s2] =	ssyncset.done $0x0  }
0x242: {  	s7 =	simm.s32 $0x0;
	[sflag:s2] =	ssyncadd.s32 $0xFFFFF800  }
0x243: {  	s8 =	simm.s32 $0x40;
	v14 =	vld [tilespmem:s7+$0xF480]  }
.LBB2_79:
0x244: {  	p0 =	sne.s32 s8, $0x1FC0;
	v15 =	vld [tilespmem:s7+$0xFC80];
	_ =	sdelay $0x2  }
.Ltmp41:
0x245: {  	(pc) =	sbr.rel @p0 .LBB2_79-.Ltmp41, $4  }
0x246: {  	_ = 	snop  }
0x247: {  	v15 =	vadd.f32 v14, v15  }
0x248: {  	s9 =	sshra.s32 s8, $0x2  }
0x249: {  	s8 =	sadd.s32 $0x40, s8;
	v14 =	vld [tilespmem:s9+$0xF480];
	[tilespmem:s7+$0xFC80] =	vst v15;
	s7 =	smov.u32 s9  }
0x24a: {  	v15 =	vld [tilespmem:s7+$0xFC80];
	_ =	sdelay $0x4  }
0x24b: {  	v14 =	vadd.f32 v14, v15;
	_ =	sdelay $0x1  }
0x24c: {  	[tilespmem:s7+$0xFC80] =	vst v14  }
.LBB2_81:
0x24d: {  	v14 =	vld [tilespmem:$0x104C0];
	_ =	sdelay $0x4  }
0x24e: {  	(v2sf) =	vpush v14, $0x0  }
0x24f: {  	(v2sf) =	vpush v14, $0x8;
	_ =	sdelay $0xd  }
0x250: {  	s7 =	spop (v2sf)  }
0x251: {  	s8 =	spop (v2sf);
	p0 =	sge.s32 s7, s30  }
0x252: {  	p1 =	slt.s32 @!p0 s8, s4  }
0x253: {  	p0 =	por p0, p1  }
.Ltmp42:
0x254: {  	_ = 	snop;
	(pc) =	sbr.rel @p0 .LBB2_85-.Ltmp42, $1  }
0x255: {  	_ =	sdelay $0x3  }
0x256: {  	s7 =	rddreg [dreg:$0xd]  }
0x257: {  	[tilespmem:s0], [sflag:$0x1] =	stream.linear.gather [spmem:s7], $0x800, $0x38;
	[tilespmem:$0x185A0] =	vst v63  }
0x258: {  	_ =	swait.ge [sflag:s2], $0x800  }
0x259: {  	[sflag:s2] =	ssyncset.done $0x0  }
0x25a: {  	s7 =	simm.s32 $0x0;
	[sflag:s2] =	ssyncadd.s32 $0xFFFFF800  }
0x25b: {  	s8 =	simm.s32 $0x40;
	v14 =	vld [tilespmem:s7+$0xF480]  }
.LBB2_83:
0x25c: {  	p0 =	sne.s32 s8, $0x1FC0;
	v15 =	vld [tilespmem:s7+$0xFC80];
	_ =	sdelay $0x2  }
.Ltmp43:
0x25d: {  	(pc) =	sbr.rel @p0 .LBB2_83-.Ltmp43, $4  }
0x25e: {  	_ = 	snop  }
0x25f: {  	v15 =	vadd.f32 v14, v15  }
0x260: {  	s9 =	sshra.s32 s8, $0x2  }
0x261: {  	s8 =	sadd.s32 $0x40, s8;
	v14 =	vld [tilespmem:s9+$0xF480];
	[tilespmem:s7+$0xFC80] =	vst v15;
	s7 =	smov.u32 s9  }
0x262: {  	v15 =	vld [tilespmem:s7+$0xFC80];
	_ =	sdelay $0x4  }
0x263: {  	v14 =	vadd.f32 v14, v15;
	_ =	sdelay $0x1  }
0x264: {  	[tilespmem:s7+$0xFC80] =	vst v14  }
.LBB2_85:
0x265: {  	v14 =	vld [tilespmem:$0x104D0];
	_ =	sdelay $0x4  }
0x266: {  	(v2sf) =	vpush v14, $0x0  }
0x267: {  	(v2sf) =	vpush v14, $0x8;
	_ =	sdelay $0xd  }
0x268: {  	s7 =	spop (v2sf)  }
0x269: {  	s8 =	spop (v2sf);
	p0 =	sge.s32 s7, s30  }
0x26a: {  	p1 =	slt.s32 @!p0 s8, s4  }
0x26b: {  	p0 =	por p0, p1  }
.Ltmp44:
0x26c: {  	_ = 	snop;
	(pc) =	sbr.rel @p0 .LBB2_89-.Ltmp44, $1  }
0x26d: {  	_ =	sdelay $0x3  }
0x26e: {  	s7 =	rddreg [dreg:$0xe]  }
0x26f: {  	[tilespmem:s0], [sflag:$0x1] =	stream.linear.gather [spmem:s7], $0x800, $0x38;
	[tilespmem:$0x185A0] =	vst v63  }
0x270: {  	_ =	swait.ge [sflag:s2], $0x800  }
0x271: {  	[sflag:s2] =	ssyncset.done $0x0  }
0x272: {  	s7 =	simm.s32 $0x0;
	[sflag:s2] =	ssyncadd.s32 $0xFFFFF800  }
0x273: {  	s8 =	simm.s32 $0x40;
	v14 =	vld [tilespmem:s7+$0xF480]  }
.LBB2_87:
0x274: {  	p0 =	sne.s32 s8, $0x1FC0;
	v15 =	vld [tilespmem:s7+$0xFC80];
	_ =	sdelay $0x2  }
.Ltmp45:
0x275: {  	(pc) =	sbr.rel @p0 .LBB2_87-.Ltmp45, $4  }
0x276: {  	_ = 	snop  }
0x277: {  	v15 =	vadd.f32 v14, v15  }
0x278: {  	s9 =	sshra.s32 s8, $0x2  }
0x279: {  	s8 =	sadd.s32 $0x40, s8;
	v14 =	vld [tilespmem:s9+$0xF480];
	[tilespmem:s7+$0xFC80] =	vst v15;
	s7 =	smov.u32 s9  }
0x27a: {  	v15 =	vld [tilespmem:s7+$0xFC80];
	_ =	sdelay $0x4  }
0x27b: {  	v14 =	vadd.f32 v14, v15;
	_ =	sdelay $0x1  }
0x27c: {  	[tilespmem:s7+$0xFC80] =	vst v14  }
.LBB2_89:
0x27d: {  	v14 =	vld [tilespmem:$0x104E0];
	_ =	sdelay $0x4  }
0x27e: {  	(v2sf) =	vpush v14, $0x0  }
0x27f: {  	(v2sf) =	vpush v14, $0x8;
	_ =	sdelay $0xd  }
0x280: {  	s7 =	spop (v2sf)  }
0x281: {  	s8 =	spop (v2sf);
	p0 =	sge.s32 s7, s30  }
0x282: {  	p1 =	slt.s32 @!p0 s8, s4  }
0x283: {  	p0 =	por p0, p1  }
.Ltmp46:
0x284: {  	_ = 	snop;
	(pc) =	sbr.rel @p0 .LBB2_93-.Ltmp46, $1  }
0x285: {  	_ =	sdelay $0x3  }
0x286: {  	s7 =	rddreg [dreg:$0xf]  }
0x287: {  	[tilespmem:s0], [sflag:$0x1] =	stream.linear.gather [spmem:s7], $0x800, $0x38;
	[tilespmem:$0x185A0] =	vst v63  }
0x288: {  	_ =	swait.ge [sflag:s2], $0x800  }
0x289: {  	[sflag:s2] =	ssyncset.done $0x0  }
0x28a: {  	s7 =	simm.s32 $0x0;
	[sflag:s2] =	ssyncadd.s32 $0xFFFFF800  }
0x28b: {  	s8 =	simm.s32 $0x40;
	v14 =	vld [tilespmem:s7+$0xF480]  }
.LBB2_91:
0x28c: {  	p0 =	sne.s32 s8, $0x1FC0;
	v15 =	vld [tilespmem:s7+$0xFC80];
	_ =	sdelay $0x2  }
.Ltmp47:
0x28d: {  	(pc) =	sbr.rel @p0 .LBB2_91-.Ltmp47, $4  }
0x28e: {  	_ = 	snop  }
0x28f: {  	v15 =	vadd.f32 v14, v15  }
0x290: {  	s9 =	sshra.s32 s8, $0x2  }
0x291: {  	s8 =	sadd.s32 $0x40, s8;
	v14 =	vld [tilespmem:s9+$0xF480];
	[tilespmem:s7+$0xFC80] =	vst v15;
	s7 =	smov.u32 s9  }
0x292: {  	v15 =	vld [tilespmem:s7+$0xFC80];
	_ =	sdelay $0x4  }
0x293: {  	v14 =	vadd.f32 v14, v15;
	_ =	sdelay $0x1  }
0x294: {  	[tilespmem:s7+$0xFC80] =	vst v14  }
.LBB2_93:
0x295: {  	v14 =	vld [tilespmem:$0x104F0];
	_ =	sdelay $0x4  }
0x296: {  	(v2sf) =	vpush v14, $0x0  }
0x297: {  	(v2sf) =	vpush v14, $0x8;
	_ =	sdelay $0xd  }
0x298: {  	s7 =	spop (v2sf)  }
0x299: {  	s8 =	spop (v2sf);
	p0 =	sge.s32 s7, s30  }
0x29a: {  	p1 =	slt.s32 @!p0 s8, s4  }
0x29b: {  	p0 =	por p0, p1  }
.Ltmp48:
0x29c: {  	_ = 	snop;
	(pc) =	sbr.rel @p0 .LBB2_97-.Ltmp48, $1  }
0x29d: {  	_ =	sdelay $0x3  }
0x29e: {  	s7 =	rddreg [dreg:$0x10]  }
0x29f: {  	[tilespmem:s0], [sflag:$0x1] =	stream.linear.gather [spmem:s7], $0x800, $0x38;
	[tilespmem:$0x185A0] =	vst v63  }
0x2a0: {  	_ =	swait.ge [sflag:s2], $0x800  }
0x2a1: {  	[sflag:s2] =	ssyncset.done $0x0  }
0x2a2: {  	s7 =	simm.s32 $0x0;
	[sflag:s2] =	ssyncadd.s32 $0xFFFFF800  }
0x2a3: {  	s8 =	simm.s32 $0x40;
	v14 =	vld [tilespmem:s7+$0xF480]  }
.LBB2_95:
0x2a4: {  	p0 =	sne.s32 s8, $0x1FC0;
	v15 =	vld [tilespmem:s7+$0xFC80];
	_ =	sdelay $0x2  }
.Ltmp49:
0x2a5: {  	(pc) =	sbr.rel @p0 .LBB2_95-.Ltmp49, $4  }
0x2a6: {  	_ = 	snop  }
0x2a7: {  	v15 =	vadd.f32 v14, v15  }
0x2a8: {  	s9 =	sshra.s32 s8, $0x2  }
0x2a9: {  	s8 =	sadd.s32 $0x40, s8;
	v14 =	vld [tilespmem:s9+$0xF480];
	[tilespmem:s7+$0xFC80] =	vst v15;
	s7 =	smov.u32 s9  }
0x2aa: {  	v15 =	vld [tilespmem:s7+$0xFC80];
	_ =	sdelay $0x4  }
0x2ab: {  	v14 =	vadd.f32 v14, v15;
	_ =	sdelay $0x1  }
0x2ac: {  	[tilespmem:s7+$0xFC80] =	vst v14  }
.LBB2_97:
0x2ad: {  	v14 =	vld [tilespmem:$0x10500];
	_ =	sdelay $0x4  }
0x2ae: {  	(v2sf) =	vpush v14, $0x0  }
0x2af: {  	(v2sf) =	vpush v14, $0x8;
	_ =	sdelay $0xd  }
0x2b0: {  	s7 =	spop (v2sf)  }
0x2b1: {  	s8 =	spop (v2sf);
	p0 =	sge.s32 s7, s30  }
0x2b2: {  	p1 =	slt.s32 @!p0 s8, s4  }
0x2b3: {  	p0 =	por p0, p1  }
.Ltmp50:
0x2b4: {  	_ = 	snop;
	(pc) =	sbr.rel @p0 .LBB2_101-.Ltmp50, $1  }
0x2b5: {  	_ =	sdelay $0x3  }
0x2b6: {  	s7 =	rddreg [dreg:$0x11]  }
0x2b7: {  	[tilespmem:s0], [sflag:$0x1] =	stream.linear.gather [spmem:s7], $0x800, $0x38;
	[tilespmem:$0x185A0] =	vst v63  }
0x2b8: {  	_ =	swait.ge [sflag:s2], $0x800  }
0x2b9: {  	[sflag:s2] =	ssyncset.done $0x0  }
0x2ba: {  	s7 =	simm.s32 $0x0;
	[sflag:s2] =	ssyncadd.s32 $0xFFFFF800  }
0x2bb: {  	s8 =	simm.s32 $0x40;
	v14 =	vld [tilespmem:s7+$0xF480]  }
.LBB2_99:
0x2bc: {  	p0 =	sne.s32 s8, $0x1FC0;
	v15 =	vld [tilespmem:s7+$0xFC80];
	_ =	sdelay $0x2  }
.Ltmp51:
0x2bd: {  	(pc) =	sbr.rel @p0 .LBB2_99-.Ltmp51, $4  }
0x2be: {  	_ = 	snop  }
0x2bf: {  	v15 =	vadd.f32 v14, v15  }
0x2c0: {  	s9 =	sshra.s32 s8, $0x2  }
0x2c1: {  	s8 =	sadd.s32 $0x40, s8;
	v14 =	vld [tilespmem:s9+$0xF480];
	[tilespmem:s7+$0xFC80] =	vst v15;
	s7 =	smov.u32 s9  }
0x2c2: {  	v15 =	vld [tilespmem:s7+$0xFC80];
	_ =	sdelay $0x4  }
0x2c3: {  	v14 =	vadd.f32 v14, v15;
	_ =	sdelay $0x1  }
0x2c4: {  	[tilespmem:s7+$0xFC80] =	vst v14  }
.LBB2_101:
0x2c5: {  	v14 =	vld [tilespmem:$0x10510];
	_ =	sdelay $0x4  }
0x2c6: {  	(v2sf) =	vpush v14, $0x0  }
0x2c7: {  	(v2sf) =	vpush v14, $0x8;
	_ =	sdelay $0xd  }
0x2c8: {  	s7 =	spop (v2sf)  }
0x2c9: {  	s8 =	spop (v2sf);
	p0 =	sge.s32 s7, s30  }
0x2ca: {  	p1 =	slt.s32 @!p0 s8, s4  }
0x2cb: {  	p0 =	por p0, p1  }
.Ltmp52:
0x2cc: {  	_ = 	snop;
	(pc) =	sbr.rel @p0 .LBB2_105-.Ltmp52, $1  }
0x2cd: {  	_ =	sdelay $0x3  }
0x2ce: {  	s7 =	rddreg [dreg:$0x12]  }
0x2cf: {  	[tilespmem:s0], [sflag:$0x1] =	stream.linear.gather [spmem:s7], $0x800, $0x38;
	[tilespmem:$0x185A0] =	vst v63  }
0x2d0: {  	_ =	swait.ge [sflag:s2], $0x800  }
0x2d1: {  	[sflag:s2] =	ssyncset.done $0x0  }
0x2d2: {  	s7 =	simm.s32 $0x0;
	[sflag:s2] =	ssyncadd.s32 $0xFFFFF800  }
0x2d3: {  	s8 =	simm.s32 $0x40;
	v14 =	vld [tilespmem:s7+$0xF480]  }
.LBB2_103:
0x2d4: {  	p0 =	sne.s32 s8, $0x1FC0;
	v15 =	vld [tilespmem:s7+$0xFC80];
	_ =	sdelay $0x2  }
.Ltmp53:
0x2d5: {  	(pc) =	sbr.rel @p0 .LBB2_103-.Ltmp53, $4  }
0x2d6: {  	_ = 	snop  }
0x2d7: {  	v15 =	vadd.f32 v14, v15  }
0x2d8: {  	s9 =	sshra.s32 s8, $0x2  }
0x2d9: {  	s8 =	sadd.s32 $0x40, s8;
	v14 =	vld [tilespmem:s9+$0xF480];
	[tilespmem:s7+$0xFC80] =	vst v15;
	s7 =	smov.u32 s9  }
0x2da: {  	v15 =	vld [tilespmem:s7+$0xFC80];
	_ =	sdelay $0x4  }
0x2db: {  	v14 =	vadd.f32 v14, v15;
	_ =	sdelay $0x1  }
0x2dc: {  	[tilespmem:s7+$0xFC80] =	vst v14  }
.LBB2_105:
0x2dd: {  	v14 =	vld [tilespmem:$0x10520];
	_ =	sdelay $0x4  }
0x2de: {  	(v2sf) =	vpush v14, $0x0  }
0x2df: {  	(v2sf) =	vpush v14, $0x8;
	_ =	sdelay $0xd  }
0x2e0: {  	s7 =	spop (v2sf)  }
0x2e1: {  	s8 =	spop (v2sf);
	p0 =	sge.s32 s7, s30  }
0x2e2: {  	p1 =	slt.s32 @!p0 s8, s4  }
0x2e3: {  	p0 =	por p0, p1  }
.Ltmp54:
0x2e4: {  	_ = 	snop;
	(pc) =	sbr.rel @p0 .LBB2_109-.Ltmp54, $1  }
0x2e5: {  	_ =	sdelay $0x3  }
0x2e6: {  	s7 =	rddreg [dreg:$0x13]  }
0x2e7: {  	[tilespmem:s0], [sflag:$0x1] =	stream.linear.gather [spmem:s7], $0x800, $0x38;
	[tilespmem:$0x185A0] =	vst v63  }
0x2e8: {  	_ =	swait.ge [sflag:s2], $0x800  }
0x2e9: {  	[sflag:s2] =	ssyncset.done $0x0  }
0x2ea: {  	s7 =	simm.s32 $0x0;
	[sflag:s2] =	ssyncadd.s32 $0xFFFFF800  }
0x2eb: {  	s8 =	simm.s32 $0x40;
	v14 =	vld [tilespmem:s7+$0xF480]  }
.LBB2_107:
0x2ec: {  	p0 =	sne.s32 s8, $0x1FC0;
	v15 =	vld [tilespmem:s7+$0xFC80];
	_ =	sdelay $0x2  }
.Ltmp55:
0x2ed: {  	(pc) =	sbr.rel @p0 .LBB2_107-.Ltmp55, $4  }
0x2ee: {  	_ = 	snop  }
0x2ef: {  	v15 =	vadd.f32 v14, v15  }
0x2f0: {  	s9 =	sshra.s32 s8, $0x2  }
0x2f1: {  	s8 =	sadd.s32 $0x40, s8;
	v14 =	vld [tilespmem:s9+$0xF480];
	[tilespmem:s7+$0xFC80] =	vst v15;
	s7 =	smov.u32 s9  }
0x2f2: {  	v15 =	vld [tilespmem:s7+$0xFC80];
	_ =	sdelay $0x4  }
0x2f3: {  	v14 =	vadd.f32 v14, v15;
	_ =	sdelay $0x1  }
0x2f4: {  	[tilespmem:s7+$0xFC80] =	vst v14  }
.LBB2_109:
0x2f5: {  	v14 =	vld [tilespmem:$0x10530];
	_ =	sdelay $0x4  }
0x2f6: {  	(v2sf) =	vpush v14, $0x0  }
0x2f7: {  	(v2sf) =	vpush v14, $0x8;
	_ =	sdelay $0xd  }
0x2f8: {  	s7 =	spop (v2sf)  }
0x2f9: {  	s8 =	spop (v2sf);
	p0 =	sge.s32 s7, s30  }
0x2fa: {  	p1 =	slt.s32 @!p0 s8, s4  }
0x2fb: {  	p0 =	por p0, p1  }
.Ltmp56:
0x2fc: {  	_ = 	snop;
	(pc) =	sbr.rel @p0 .LBB2_113-.Ltmp56, $1  }
0x2fd: {  	_ =	sdelay $0x3  }
0x2fe: {  	s7 =	rddreg [dreg:$0x14]  }
0x2ff: {  	[tilespmem:s0], [sflag:$0x1] =	stream.linear.gather [spmem:s7], $0x800, $0x38;
	[tilespmem:$0x185A0] =	vst v63  }
0x300: {  	_ =	swait.ge [sflag:s2], $0x800  }
0x301: {  	[sflag:s2] =	ssyncset.done $0x0  }
0x302: {  	s7 =	simm.s32 $0x0;
	[sflag:s2] =	ssyncadd.s32 $0xFFFFF800  }
0x303: {  	s8 =	simm.s32 $0x40;
	v14 =	vld [tilespmem:s7+$0xF480]  }
.LBB2_111:
0x304: {  	p0 =	sne.s32 s8, $0x1FC0;
	v15 =	vld [tilespmem:s7+$0xFC80];
	_ =	sdelay $0x2  }
.Ltmp57:
0x305: {  	(pc) =	sbr.rel @p0 .LBB2_111-.Ltmp57, $4  }
0x306: {  	_ = 	snop  }
0x307: {  	v15 =	vadd.f32 v14, v15  }
0x308: {  	s9 =	sshra.s32 s8, $0x2  }
0x309: {  	s8 =	sadd.s32 $0x40, s8;
	v14 =	vld [tilespmem:s9+$0xF480];
	[tilespmem:s7+$0xFC80] =	vst v15;
	s7 =	smov.u32 s9  }
0x30a: {  	v15 =	vld [tilespmem:s7+$0xFC80];
	_ =	sdelay $0x4  }
0x30b: {  	v14 =	vadd.f32 v14, v15;
	_ =	sdelay $0x1  }
0x30c: {  	[tilespmem:s7+$0xFC80] =	vst v14  }
.LBB2_113:
0x30d: {  	v14 =	vld [tilespmem:$0x10540];
	_ =	sdelay $0x4  }
0x30e: {  	(v2sf) =	vpush v14, $0x0  }
0x30f: {  	(v2sf) =	vpush v14, $0x8;
	_ =	sdelay $0xd  }
0x310: {  	s7 =	spop (v2sf)  }
0x311: {  	s8 =	spop (v2sf);
	p0 =	sge.s32 s7, s30  }
0x312: {  	p1 =	slt.s32 @!p0 s8, s4  }
0x313: {  	p0 =	por p0, p1  }
.Ltmp58:
0x314: {  	_ = 	snop;
	(pc) =	sbr.rel @p0 .LBB2_117-.Ltmp58, $1  }
0x315: {  	_ =	sdelay $0x3  }
0x316: {  	s7 =	rddreg [dreg:$0x15]  }
0x317: {  	[tilespmem:s0], [sflag:$0x1] =	stream.linear.gather [spmem:s7], $0x800, $0x38;
	[tilespmem:$0x185A0] =	vst v63  }
0x318: {  	_ =	swait.ge [sflag:s2], $0x800  }
0x319: {  	[sflag:s2] =	ssyncset.done $0x0  }
0x31a: {  	s7 =	simm.s32 $0x0;
	[sflag:s2] =	ssyncadd.s32 $0xFFFFF800  }
0x31b: {  	s8 =	simm.s32 $0x40;
	v14 =	vld [tilespmem:s7+$0xF480]  }
.LBB2_115:
0x31c: {  	p0 =	sne.s32 s8, $0x1FC0;
	v15 =	vld [tilespmem:s7+$0xFC80];
	_ =	sdelay $0x2  }
.Ltmp59:
0x31d: {  	(pc) =	sbr.rel @p0 .LBB2_115-.Ltmp59, $4  }
0x31e: {  	_ = 	snop  }
0x31f: {  	v15 =	vadd.f32 v14, v15  }
0x320: {  	s9 =	sshra.s32 s8, $0x2  }
0x321: {  	s8 =	sadd.s32 $0x40, s8;
	v14 =	vld [tilespmem:s9+$0xF480];
	[tilespmem:s7+$0xFC80] =	vst v15;
	s7 =	smov.u32 s9  }
0x322: {  	v15 =	vld [tilespmem:s7+$0xFC80];
	_ =	sdelay $0x4  }
0x323: {  	v14 =	vadd.f32 v14, v15;
	_ =	sdelay $0x1  }
0x324: {  	[tilespmem:s7+$0xFC80] =	vst v14  }
.LBB2_117:
0x325: {  	v14 =	vld [tilespmem:$0x10550];
	_ =	sdelay $0x4  }
0x326: {  	(v2sf) =	vpush v14, $0x0  }
0x327: {  	(v2sf) =	vpush v14, $0x8;
	_ =	sdelay $0xd  }
0x328: {  	s7 =	spop (v2sf)  }
0x329: {  	s8 =	spop (v2sf);
	p0 =	sge.s32 s7, s30  }
0x32a: {  	p1 =	slt.s32 @!p0 s8, s4  }
0x32b: {  	p0 =	por p0, p1  }
.Ltmp60:
0x32c: {  	_ = 	snop;
	(pc) =	sbr.rel @p0 .LBB2_121-.Ltmp60, $1  }
0x32d: {  	_ =	sdelay $0x3  }
0x32e: {  	s7 =	rddreg [dreg:$0x16]  }
0x32f: {  	[tilespmem:s0], [sflag:$0x1] =	stream.linear.gather [spmem:s7], $0x800, $0x38;
	[tilespmem:$0x185A0] =	vst v63  }
0x330: {  	_ =	swait.ge [sflag:s2], $0x800  }
0x331: {  	[sflag:s2] =	ssyncset.done $0x0  }
0x332: {  	s7 =	simm.s32 $0x0;
	[sflag:s2] =	ssyncadd.s32 $0xFFFFF800  }
0x333: {  	s8 =	simm.s32 $0x40;
	v14 =	vld [tilespmem:s7+$0xF480]  }
.LBB2_119:
0x334: {  	p0 =	sne.s32 s8, $0x1FC0;
	v15 =	vld [tilespmem:s7+$0xFC80];
	_ =	sdelay $0x2  }
.Ltmp61:
0x335: {  	(pc) =	sbr.rel @p0 .LBB2_119-.Ltmp61, $4  }
0x336: {  	_ = 	snop  }
0x337: {  	v15 =	vadd.f32 v14, v15  }
0x338: {  	s9 =	sshra.s32 s8, $0x2  }
0x339: {  	s8 =	sadd.s32 $0x40, s8;
	v14 =	vld [tilespmem:s9+$0xF480];
	[tilespmem:s7+$0xFC80] =	vst v15;
	s7 =	smov.u32 s9  }
0x33a: {  	v15 =	vld [tilespmem:s7+$0xFC80];
	_ =	sdelay $0x4  }
0x33b: {  	v14 =	vadd.f32 v14, v15;
	_ =	sdelay $0x1  }
0x33c: {  	[tilespmem:s7+$0xFC80] =	vst v14  }
.LBB2_121:
0x33d: {  	v14 =	vld [tilespmem:$0x10560];
	_ =	sdelay $0x4  }
0x33e: {  	(v2sf) =	vpush v14, $0x0  }
0x33f: {  	(v2sf) =	vpush v14, $0x8;
	_ =	sdelay $0xd  }
0x340: {  	s7 =	spop (v2sf)  }
0x341: {  	s8 =	spop (v2sf);
	p0 =	sge.s32 s7, s30  }
0x342: {  	p1 =	slt.s32 @!p0 s8, s4  }
0x343: {  	p0 =	por p0, p1  }
.Ltmp62:
0x344: {  	_ = 	snop;
	(pc) =	sbr.rel @p0 .LBB2_125-.Ltmp62, $1  }
0x345: {  	_ =	sdelay $0x3  }
0x346: {  	s7 =	rddreg [dreg:$0x17]  }
0x347: {  	[tilespmem:s0], [sflag:$0x1] =	stream.linear.gather [spmem:s7], $0x800, $0x38;
	[tilespmem:$0x185A0] =	vst v63  }
0x348: {  	_ =	swait.ge [sflag:s2], $0x800  }
0x349: {  	[sflag:s2] =	ssyncset.done $0x0  }
0x34a: {  	s7 =	simm.s32 $0x0;
	[sflag:s2] =	ssyncadd.s32 $0xFFFFF800  }
0x34b: {  	s8 =	simm.s32 $0x40;
	v14 =	vld [tilespmem:s7+$0xF480]  }
.LBB2_123:
0x34c: {  	p0 =	sne.s32 s8, $0x1FC0;
	v15 =	vld [tilespmem:s7+$0xFC80];
	_ =	sdelay $0x2  }
.Ltmp63:
0x34d: {  	(pc) =	sbr.rel @p0 .LBB2_123-.Ltmp63, $4  }
0x34e: {  	_ = 	snop  }
0x34f: {  	v15 =	vadd.f32 v14, v15  }
0x350: {  	s9 =	sshra.s32 s8, $0x2  }
0x351: {  	s8 =	sadd.s32 $0x40, s8;
	v14 =	vld [tilespmem:s9+$0xF480];
	[tilespmem:s7+$0xFC80] =	vst v15;
	s7 =	smov.u32 s9  }
0x352: {  	v15 =	vld [tilespmem:s7+$0xFC80];
	_ =	sdelay $0x4  }
0x353: {  	v14 =	vadd.f32 v14, v15;
	_ =	sdelay $0x1  }
0x354: {  	[tilespmem:s7+$0xFC80] =	vst v14  }
.LBB2_125:
0x355: {  	v14 =	vld [tilespmem:$0x10570];
	_ =	sdelay $0x4  }
0x356: {  	(v2sf) =	vpush v14, $0x0  }
0x357: {  	(v2sf) =	vpush v14, $0x8;
	_ =	sdelay $0xd  }
0x358: {  	s7 =	spop (v2sf)  }
0x359: {  	s8 =	spop (v2sf);
	p0 =	sge.s32 s7, s30  }
0x35a: {  	p1 =	slt.s32 @!p0 s8, s4  }
0x35b: {  	p0 =	por p0, p1  }
.Ltmp64:
0x35c: {  	_ = 	snop;
	(pc) =	sbr.rel @p0 .LBB2_129-.Ltmp64, $1  }
0x35d: {  	_ =	sdelay $0x3  }
0x35e: {  	s7 =	rddreg [dreg:$0x18]  }
0x35f: {  	[tilespmem:s0], [sflag:$0x1] =	stream.linear.gather [spmem:s7], $0x800, $0x38;
	[tilespmem:$0x185A0] =	vst v63  }
0x360: {  	_ =	swait.ge [sflag:s2], $0x800  }
0x361: {  	[sflag:s2] =	ssyncset.done $0x0  }
0x362: {  	s7 =	simm.s32 $0x0;
	[sflag:s2] =	ssyncadd.s32 $0xFFFFF800  }
0x363: {  	s8 =	simm.s32 $0x40;
	v14 =	vld [tilespmem:s7+$0xF480]  }
.LBB2_127:
0x364: {  	p0 =	sne.s32 s8, $0x1FC0;
	v15 =	vld [tilespmem:s7+$0xFC80];
	_ =	sdelay $0x2  }
.Ltmp65:
0x365: {  	(pc) =	sbr.rel @p0 .LBB2_127-.Ltmp65, $4  }
0x366: {  	_ = 	snop  }
0x367: {  	v15 =	vadd.f32 v14, v15  }
0x368: {  	s9 =	sshra.s32 s8, $0x2  }
0x369: {  	s8 =	sadd.s32 $0x40, s8;
	v14 =	vld [tilespmem:s9+$0xF480];
	[tilespmem:s7+$0xFC80] =	vst v15;
	s7 =	smov.u32 s9  }
0x36a: {  	v15 =	vld [tilespmem:s7+$0xFC80];
	_ =	sdelay $0x4  }
0x36b: {  	v14 =	vadd.f32 v14, v15;
	_ =	sdelay $0x1  }
0x36c: {  	[tilespmem:s7+$0xFC80] =	vst v14  }
.LBB2_129:
0x36d: {  	v14 =	vld [tilespmem:$0x10580];
	_ =	sdelay $0x4  }
0x36e: {  	(v2sf) =	vpush v14, $0x0  }
0x36f: {  	(v2sf) =	vpush v14, $0x8;
	_ =	sdelay $0xd  }
0x370: {  	s7 =	spop (v2sf)  }
0x371: {  	s8 =	spop (v2sf);
	p0 =	sge.s32 s7, s30  }
0x372: {  	p1 =	slt.s32 @!p0 s8, s4  }
0x373: {  	p0 =	por p0, p1  }
.Ltmp66:
0x374: {  	_ = 	snop;
	(pc) =	sbr.rel @p0 .LBB2_133-.Ltmp66, $1  }
0x375: {  	_ =	sdelay $0x3  }
0x376: {  	s7 =	rddreg [dreg:$0x19]  }
0x377: {  	[tilespmem:s0], [sflag:$0x1] =	stream.linear.gather [spmem:s7], $0x800, $0x38;
	[tilespmem:$0x185A0] =	vst v63  }
0x378: {  	_ =	swait.ge [sflag:s2], $0x800  }
0x379: {  	[sflag:s2] =	ssyncset.done $0x0  }
0x37a: {  	s7 =	simm.s32 $0x0;
	[sflag:s2] =	ssyncadd.s32 $0xFFFFF800  }
0x37b: {  	s8 =	simm.s32 $0x40;
	v14 =	vld [tilespmem:s7+$0xF480]  }
.LBB2_131:
0x37c: {  	p0 =	sne.s32 s8, $0x1FC0;
	v15 =	vld [tilespmem:s7+$0xFC80];
	_ =	sdelay $0x2  }
.Ltmp67:
0x37d: {  	(pc) =	sbr.rel @p0 .LBB2_131-.Ltmp67, $4  }
0x37e: {  	_ = 	snop  }
0x37f: {  	v15 =	vadd.f32 v14, v15  }
0x380: {  	s9 =	sshra.s32 s8, $0x2  }
0x381: {  	s8 =	sadd.s32 $0x40, s8;
	v14 =	vld [tilespmem:s9+$0xF480];
	[tilespmem:s7+$0xFC80] =	vst v15;
	s7 =	smov.u32 s9  }
0x382: {  	v15 =	vld [tilespmem:s7+$0xFC80];
	_ =	sdelay $0x2  }
.Ltmp68:
0x383: {  	_ = 	snop;
	(pc) =	sbr.rel .LBB2_133-.Ltmp68, $3  }
0x384: {  	_ = 	snop  }
0x385: {  	v14 =	vadd.f32 v14, v15;
	_ =	sdelay $0x1  }
0x386: {  	[tilespmem:s7+$0xFC80] =	vst v14  }
.LBB2_134:
0x387: {  	_ =	sfence.sel $0x180000  }
0x388: {  	[bflag:$0x0] =	sbarrier.arrive $0xFFFF  }
0x389: {  	_ =	strace $0x90000047  }
0x38a: {  	s0 =	stileid.u32;
	[bflag:$0x2] =	sbarrier.arrive $0xFFFF  }
0x38b: {  	p0 =	sne.s32 s0, $0x0;
	s0 =	rddreg [dreg:$0x4]  }
0x38c: {  	s0 =	sadd.s32 @!p0 $0x100000, s0  }
0x38d: {  	[sflag:s0] =	ssyncadd.tile.s32 @!p0 $0x1;
	_ =	shalt  }
.Lfunc_end2:
_tile_overlayer_lowered:
.L_overlay_start_2:
0x38e: {  	(tag) =	ssettag $0x2  }
0x38f: {  	s0 =	rddreg [dreg:$0x0];
	s2 =	stileid.u32  }
0x390: {  	s1 =	rddreg [dreg:$0x1];
	p0 =	sne.s32 s2, $0x0  }
0x391: {  	s3 =	rddreg [dreg:$0x2];
	[bflag:$0x3] =	sbarrier.arrive $0xFFFF;
	s2 =	simm.s32 @!p0 $0x1C01  }
0x392: {  	[timem:s3], [sflag:s2] =	dma.local @!p0 [hbm:s0], s1  }
0x393: {  	s0 =	simm.s32 @!p0 $0x1  }
0x394: {  	_ =	swait.ge @!p0 [sflag:s0], s1  }
0x395: {  	s1 =	ssub.s32 @!p0 $0x0, s1;
	[sflag:s0] =	ssyncset.done @!p0 $0x0  }
0x396: {  	[sflag:s0] =	ssyncadd.s32 @!p0 s1  }
0x397: {  	[bflag:$0x3] =	sbarrier.arrive $0xFFFF  }
0x398: {  	_ =	shalt  }

</sc_bundles>
